<compile_context>
chip_gen: v7x
topology: tpu7x:2x2x1
jax: 0.10.2.dev20260603
libtpu: 0.0.44.dev20260713+nightly
codegen_flags: <defaults>
</compile_context>

<pallas_src>
import functools

import jax
import jax.numpy as jnp
from jax import lax
from jax.experimental import pallas as pl
from jax.experimental.pallas import tpu as pltpu
from jax.experimental.pallas import tpu_sc as plsc

VOCAB = 100000
HID = 128
MAX_POS = 512
B = 512
S = 512
N = B * S
EPS = 1e-12

NC = 2
NS = 16
NW = NC * NS
TOK_PER_W = N // NW
CHUNK = 128
NCHUNK = TOK_PER_W // CHUNK
LANES = 16
NGROUP = CHUNK // LANES


def _rsqrt(x):
    i = lax.bitcast_convert_type(x, jnp.int32)
    y = lax.bitcast_convert_type(
        jnp.int32(0x5F3759DF) - lax.shift_right_logical(i, 1), jnp.float32)
    for _ in range(3):
        y = y * (1.5 - 0.5 * x * y * y)
    return y


def _sc_body(ids_hbm, tt_hbm, word_hbm, posT_hbm, dty_hbm, gam_hbm, bet_hbm,
             out_hbm, idx_v, tt_v, x_v, xT_v, posT_v, dty_v, gam_v, bet_v,
             sem):
    wid = lax.axis_index("s") * NC + lax.axis_index("c")
    base_w = wid * TOK_PER_W

    pltpu.sync_copy(dty_hbm, dty_v)
    pltpu.sync_copy(gam_hbm, gam_v)
    pltpu.sync_copy(bet_hbm, bet_v)

    zeros = jnp.zeros((LANES,), jnp.float32)
    iota = lax.iota(jnp.int32, LANES)

    def chunk_body(k, h, carry):
        kk = 4 * (k // 2) + 2 * h + lax.rem(k, 2)
        cbase = base_w + kk * CHUNK
        pbase = lax.rem(cbase, S) - h * (S // 2)
        pltpu.sync_copy(ids_hbm.at[pl.ds(cbase, CHUNK)], idx_v)
        pltpu.sync_copy(tt_hbm.at[pl.ds(cbase, CHUNK)], tt_v)
        pltpu.async_copy(word_hbm.at[idx_v], x_v, sem).wait()

        def group_body(g, carry2):
            t0 = g * LANES
            ttf = tt_v[pl.ds(t0, LANES)].astype(jnp.float32)
            tvec = t0 + iota

            def col1(c, carry3):
                acc, accsq = carry3
                cc = jnp.full((LANES,), c, jnp.int32)
                g16 = plsc.load_gather(x_v, [tvec, cc])
                p = posT_v[c, pl.ds(pbase + t0, LANES)]
                x = g16 + p + ttf * dty_v[c, :]
                xT_v[c, :] = x
                return (acc + x, accsq + x * x)

            acc, accsq = lax.fori_loop(0, HID, col1, (zeros, zeros),
                                       unroll=16)
            mean = acc * (1.0 / HID)
            var = accsq * (1.0 / HID) - mean * mean
            a_v = _rsqrt(var + EPS)
            b_v = -mean * a_v

            def col2(c, carry3):
                cc = jnp.full((LANES,), c, jnp.int32)
                y = (xT_v[c, :] * a_v + b_v) * gam_v[c, :] + bet_v[c, :]
                plsc.store_scatter(x_v, [tvec, cc], y)
                return carry3

            lax.fori_loop(0, HID, col2, 0, unroll=16)
            return carry2

        lax.fori_loop(0, NGROUP, group_body, 0)
        pltpu.sync_copy(x_v, out_hbm.at[pl.ds(cbase, CHUNK)])
        return carry

    for h in range(2):
        pltpu.sync_copy(posT_hbm.at[:, pl.ds(h * (S // 2), S // 2)], posT_v)
        lax.fori_loop(0, NCHUNK // 2,
                      lambda k, c, _h=h: chunk_body(k, _h, c), 0)


@jax.jit
def kernel(input_ids, token_type_ids, word_emb, pos_emb, type_emb, ln_gamma,
           ln_beta):
    ids = input_ids.reshape(-1).astype(jnp.int32)
    tts = token_type_ids.reshape(-1).astype(jnp.int32)
    posT = pos_emb.astype(jnp.float32).T + type_emb[0][:, None]
    dty = jnp.broadcast_to((type_emb[1] - type_emb[0])[:, None], (HID, LANES))
    gam = jnp.broadcast_to(ln_gamma[:, None], (HID, LANES))
    bet = jnp.broadcast_to(ln_beta[:, None], (HID, LANES))

    run = pl.kernel(
        _sc_body,
        out_type=jax.ShapeDtypeStruct((N, HID), jnp.float32),
        mesh=plsc.VectorSubcoreMesh(core_axis_name="c", subcore_axis_name="s",
                                    num_cores=NC, num_subcores=NS),
        compiler_params=pltpu.CompilerParams(needs_layout_passes=False),
        scratch_types=[
            pltpu.VMEM((CHUNK,), jnp.int32),
            pltpu.VMEM((CHUNK,), jnp.int32),
            pltpu.VMEM((CHUNK, HID), jnp.float32),
            pltpu.VMEM((HID, LANES), jnp.float32),
            pltpu.VMEM((HID, S // 2), jnp.float32),
            pltpu.VMEM((HID, LANES), jnp.float32),
            pltpu.VMEM((HID, LANES), jnp.float32),
            pltpu.VMEM((HID, LANES), jnp.float32),
            pltpu.SemaphoreType.DMA,
        ],
    )
    out = run(ids, tts, word_emb.astype(jnp.float32), posT, dty, gam, bet)
    return out.reshape(B, S, HID)

# --- scband reference (transcript-rebuilt; emitter-appended) ---
"""Pipeline reference for scband-bert-embeddings-6811818132341 (READ-ONLY COPY).

The authoritative reference and input builder live on the scoring server;
editing this copy changes nothing except your own understanding.
"""

import jax, jax.numpy as jnp
import numpy as np

VOCAB = 100000
HID = 128
MAX_POS = 512
TYPE_VOCAB = 2
B = 512
S = 512
EPS = 1e-12

def setup_inputs(seed: int = 0) -> dict:
    key = jax.random.key(seed)
    k0, k1, k2, k3, k4 = jax.random.split(key, 5)
    input_ids = jax.random.randint(k0, (B, S), 0, VOCAB, dtype=jnp.int64) if jax.config.jax_enable_x64 else jax.random.randint(k0, (B, S), 0, VOCAB, dtype=jnp.int32)
    token_type_ids = jax.random.randint(k1, (B, S), 0, TYPE_VOCAB, dtype=input_ids.dtype)
    word_emb = jax.random.normal(k2, (VOCAB, HID), dtype=jnp.float32) * 0.02
    pos_emb = jax.random.normal(k3, (MAX_POS, HID), dtype=jnp.float32) * 0.02
    type_emb = jax.random.normal(k4, (TYPE_VOCAB, HID), dtype=jnp.float32) * 0.02
    ln_gamma = jnp.ones((HID,), dtype=jnp.float32)
    ln_beta = jnp.zeros((HID,), dtype=jnp.float32)
    return {"input_ids": input_ids, "token_type_ids": token_type_ids,
            "word_emb": word_emb, "pos_emb": pos_emb, "type_emb": type_emb,
            "ln_gamma": ln_gamma, "ln_beta": ln_beta}

def reference(input_ids, token_type_ids, word_emb, pos_emb, type_emb, ln_gamma, ln_beta):
    seq_length = input_ids.shape[1]
    position_ids = jnp.arange(seq_length, dtype=input_ids.dtype)
    position_ids = jnp.broadcast_to(position_ids[None, :], input_ids.shape)
    words_embeddings = jnp.take(word_emb, input_ids, axis=0)
    position_embeddings = jnp.take(pos_emb, position_ids, axis=0)
    token_type_embeddings = jnp.take(type_emb, token_type_ids, axis=0)
    embeddings = words_embeddings + position_embeddings + token_type_embeddings
    mean = jnp.mean(embeddings, axis=-1, keepdims=True)
    var = jnp.mean(jnp.square(embeddings - mean), axis=-1, keepdims=True)
    normed = (embeddings - mean) / jnp.sqrt(var + EPS)
    out = normed * ln_gamma + ln_beta
    # dropout is identity in eval mode
    return out

if __name__ == "__main__":
    import jax
    _d = setup_inputs()
    print(jax.jit(kernel)(*tuple(_d.values())))

</pallas_src>

<mosaic_0001>
#map = affine_map<(d0, d1) -> (0)>
#map1 = affine_map<(d0, d1) -> (0, 0)>
module attributes {stable_mosaic.version = 14 : i64} {
  func.func @_sc_body(%arg0: i32, %arg1: i32, %arg2: memref<262144xi32, #tpu.memory_space<hbm>>, %arg3: memref<262144xi32, #tpu.memory_space<hbm>>, %arg4: memref<100000x128xf32, #tpu.memory_space<hbm>>, %arg5: memref<128x512xf32, #tpu.memory_space<hbm>>, %arg6: memref<128x16xf32, #tpu.memory_space<hbm>>, %arg7: memref<128x16xf32, #tpu.memory_space<hbm>>, %arg8: memref<128x16xf32, #tpu.memory_space<hbm>>, %arg9: memref<262144x128xf32, #tpu.memory_space<hbm>>, %arg10: memref<128xi32, #tpu.memory_space<vmem>>, %arg11: memref<128xi32, #tpu.memory_space<vmem>>, %arg12: memref<128x128xf32, #tpu.memory_space<vmem>>, %arg13: memref<128x16xf32, #tpu.memory_space<vmem>>, %arg14: memref<128x256xf32, #tpu.memory_space<vmem>>, %arg15: memref<128x16xf32, #tpu.memory_space<vmem>>, %arg16: memref<128x16xf32, #tpu.memory_space<vmem>>, %arg17: memref<128x16xf32, #tpu.memory_space<vmem>>, %arg18: memref<!tpu.dma_semaphore, #tpu.memory_space<semaphore_mem>>) attributes {dimension_semantics = [#tpu.dimension_semantics<core_parallel>, #tpu.dimension_semantics<subcore_parallel>], iteration_bounds = array<i64: 2, 16>, scalar_prefetch = 0 : i64, scratch_operands = 9 : i64, tpu.core_type = #tpu.core_type<sc_vector_subcore>, window_params = [{transform_indices = #map}, {transform_indices = #map}, {transform_indices = #map1}, {transform_indices = #map1}, {transform_indices = #map1}, {transform_indices = #map1}, {transform_indices = #map1}, {transform_indices = #map1}]} {
    %mul3A = arith.constant 2 : i32
    %mul3A_0 = arith.muli %arg1, %mul3A : i32
    %add3A = arith.addi %mul3A_0, %arg0 : i32
    %mul3A_1 = arith.constant 8192 : i32
    %mul3A_2 = arith.muli %add3A, %mul3A_1 : i32
    "tpu.region"() ({
      %run_scoped3A = tpu.sem_alloc : memref<!tpu.dma_semaphore, #tpu.memory_space<semaphore_mem>>
      tpu.enqueue_dma source(%arg6 : memref<128x16xf32, #tpu.memory_space<hbm>>) target(%arg15 : memref<128x16xf32, #tpu.memory_space<vmem>>) target_semaphore(%run_scoped3A : memref<!tpu.dma_semaphore, #tpu.memory_space<semaphore_mem>>)
      tpu.wait_dma2 semaphore(%run_scoped3A : memref<!tpu.dma_semaphore, #tpu.memory_space<semaphore_mem>>) src(%arg6 : memref<128x16xf32, #tpu.memory_space<hbm>>) dst(%arg15 : memref<128x16xf32, #tpu.memory_space<vmem>>)
      tpu.yield
    }) : () -> ()
    "tpu.region"() ({
      %run_scoped3A = tpu.sem_alloc : memref<!tpu.dma_semaphore, #tpu.memory_space<semaphore_mem>>
      tpu.enqueue_dma source(%arg7 : memref<128x16xf32, #tpu.memory_space<hbm>>) target(%arg16 : memref<128x16xf32, #tpu.memory_space<vmem>>) target_semaphore(%run_scoped3A : memref<!tpu.dma_semaphore, #tpu.memory_space<semaphore_mem>>)
      tpu.wait_dma2 semaphore(%run_scoped3A : memref<!tpu.dma_semaphore, #tpu.memory_space<semaphore_mem>>) src(%arg7 : memref<128x16xf32, #tpu.memory_space<hbm>>) dst(%arg16 : memref<128x16xf32, #tpu.memory_space<vmem>>)
      tpu.yield
    }) : () -> ()
    "tpu.region"() ({
      %run_scoped3A = tpu.sem_alloc : memref<!tpu.dma_semaphore, #tpu.memory_space<semaphore_mem>>
      tpu.enqueue_dma source(%arg8 : memref<128x16xf32, #tpu.memory_space<hbm>>) target(%arg17 : memref<128x16xf32, #tpu.memory_space<vmem>>) target_semaphore(%run_scoped3A : memref<!tpu.dma_semaphore, #tpu.memory_space<semaphore_mem>>)
      tpu.wait_dma2 semaphore(%run_scoped3A : memref<!tpu.dma_semaphore, #tpu.memory_space<semaphore_mem>>) src(%arg8 : memref<128x16xf32, #tpu.memory_space<hbm>>) dst(%arg17 : memref<128x16xf32, #tpu.memory_space<vmem>>)
      tpu.yield
    }) : () -> ()
    %broadcast_in_dim3A = arith.constant 0.000000e+00 : f32
    %broadcast_in_dim3A_3 = vector.broadcast %broadcast_in_dim3A : f32 to vector<16xf32>
    %iota3A = tpu.iota {dimensions = array<i32: 0>} : vector<16xi32>
    "tpu.region"() ({
      %run_scoped3A = tpu.sem_alloc : memref<!tpu.dma_semaphore, #tpu.memory_space<semaphore_mem>>
      %dma_start3A = arith.constant 0 : i32
      %dma_start3A_15 = arith.constant 0 : i32
      %dma_start3A_16 = tpu.memref_slice %arg5[%dma_start3A, %dma_start3A_15] : memref<128x512xf32, #tpu.memory_space<hbm>> -> memref<128x256xf32, #tpu.memory_space<hbm>>
      %dma_start3A_17 = arith.constant 0 : i32
      %dma_start3A_18 = arith.constant 0 : i32
      %dma_start3A_19 = tpu.memref_slice %arg5[%dma_start3A_17, %dma_start3A_18] : memref<128x512xf32, #tpu.memory_space<hbm>> -> memref<128x256xf32, #tpu.memory_space<hbm>>
      tpu.enqueue_dma source(%dma_start3A_19 : memref<128x256xf32, #tpu.memory_space<hbm>>) target(%arg14 : memref<128x256xf32, #tpu.memory_space<vmem>>) target_semaphore(%run_scoped3A : memref<!tpu.dma_semaphore, #tpu.memory_space<semaphore_mem>>)
      %dma_wait3A = arith.constant 0 : i32
      %dma_wait3A_20 = arith.constant 0 : i32
      %dma_wait3A_21 = tpu.memref_slice %arg5[%dma_wait3A, %dma_wait3A_20] : memref<128x512xf32, #tpu.memory_space<hbm>> -> memref<128x256xf32, #tpu.memory_space<hbm>>
      %dma_wait3A_22 = arith.constant 0 : i32
      %dma_wait3A_23 = arith.constant 0 : i32
      %dma_wait3A_24 = tpu.memref_slice %arg5[%dma_wait3A_22, %dma_wait3A_23] : memref<128x512xf32, #tpu.memory_space<hbm>> -> memref<128x256xf32, #tpu.memory_space<hbm>>
      tpu.wait_dma2 semaphore(%run_scoped3A : memref<!tpu.dma_semaphore, #tpu.memory_space<semaphore_mem>>) src(%dma_wait3A_24 : memref<128x256xf32, #tpu.memory_space<hbm>>) dst(%arg14 : memref<128x256xf32, #tpu.memory_space<vmem>>)
      tpu.yield
    }) : () -> ()
    %scan3A = arith.constant 0 : i32
    %scan3A_4 = arith.constant 0 : i32
    %scan3A_5 = arith.constant 32 : i32
    %scan3A_6 = arith.addi %scan3A_4, %scan3A_5 : i32
    %scan3A_7 = arith.constant 1 : i32
    scf.for %scan3A_15 = %scan3A_4 to %scan3A_6 step %scan3A_7  : i32 {
      %jit3A = arith.constant 2 : i32
      %div3A = arith.divsi %scan3A_15, %jit3A : i32
      %sign3A = arith.constant 0 : i32
      %sign3A_16 = arith.cmpi sgt, %scan3A_15, %sign3A : i32
      %sign3A_17 = arith.extui %sign3A_16 : i1 to i32
      %sign3A_18 = arith.constant 0 : i32
      %sign3A_19 = arith.cmpi slt, %scan3A_15, %sign3A_18 : i32
      %sign3A_20 = arith.extui %sign3A_19 : i1 to i32
      %sign3A_21 = arith.subi %sign3A_17, %sign3A_20 : i32
      %sign3A_22 = arith.constant 0 : i32
      %sign3A_23 = arith.cmpi sgt, %jit3A, %sign3A_22 : i32
      %sign3A_24 = arith.extui %sign3A_23 : i1 to i32
      %sign3A_25 = arith.constant 0 : i32
      %sign3A_26 = arith.cmpi slt, %jit3A, %sign3A_25 : i32
      %sign3A_27 = arith.extui %sign3A_26 : i1 to i32
      %sign3A_28 = arith.subi %sign3A_24, %sign3A_27 : i32
      %ne3A = arith.cmpi ne, %sign3A_21, %sign3A_28 : i32
      %rem3A = arith.remsi %scan3A_15, %jit3A : i32
      %ne3A_29 = arith.constant 0 : i32
      %ne3A_30 = arith.cmpi ne, %rem3A, %ne3A_29 : i32
      %and3A = arith.andi %ne3A, %ne3A_30 : i1
      %sub3A = arith.constant 1 : i32
      %sub3A_31 = arith.subi %div3A, %sub3A : i32
      %select_n3A = arith.select %and3A, %sub3A_31, %div3A : i32
      %mul3A_32 = arith.constant 4 : i32
      %mul3A_33 = arith.muli %mul3A_32, %select_n3A : i32
      %add3A_34 = arith.constant 0 : i32
      %add3A_35 = arith.addi %mul3A_33, %add3A_34 : i32
      %rem3A_36 = arith.constant 2 : i32
      %rem3A_37 = arith.remsi %scan3A_15, %rem3A_36 : i32
      %add3A_38 = arith.addi %add3A_35, %rem3A_37 : i32
      %mul3A_39 = arith.constant 128 : i32
      %mul3A_40 = arith.muli %add3A_38, %mul3A_39 : i32
      %add3A_41 = arith.addi %mul3A_2, %mul3A_40 : i32
      %rem3A_42 = arith.constant 512 : i32
      %rem3A_43 = arith.remsi %add3A_41, %rem3A_42 : i32
      %sub3A_44 = arith.constant 0 : i32
      %sub3A_45 = arith.subi %rem3A_43, %sub3A_44 : i32
      "tpu.region"() ({
        %run_scoped3A = tpu.sem_alloc : memref<!tpu.dma_semaphore, #tpu.memory_space<semaphore_mem>>
        %dma_start3A_56 = tpu.memref_slice %arg2[%add3A_41] : memref<262144xi32, #tpu.memory_space<hbm>> -> memref<128xi32, #tpu.memory_space<hbm>>
        %dma_start3A_57 = tpu.memref_slice %arg2[%add3A_41] : memref<262144xi32, #tpu.memory_space<hbm>> -> memref<128xi32, #tpu.memory_space<hbm>>
        tpu.enqueue_dma source(%dma_start3A_57 : memref<128xi32, #tpu.memory_space<hbm>>) target(%arg10 : memref<128xi32, #tpu.memory_space<vmem>>) target_semaphore(%run_scoped3A : memref<!tpu.dma_semaphore, #tpu.memory_space<semaphore_mem>>)
        %dma_wait3A_58 = tpu.memref_slice %arg2[%add3A_41] : memref<262144xi32, #tpu.memory_space<hbm>> -> memref<128xi32, #tpu.memory_space<hbm>>
        %dma_wait3A_59 = tpu.memref_slice %arg2[%add3A_41] : memref<262144xi32, #tpu.memory_space<hbm>> -> memref<128xi32, #tpu.memory_space<hbm>>
        tpu.wait_dma2 semaphore(%run_scoped3A : memref<!tpu.dma_semaphore, #tpu.memory_space<semaphore_mem>>) src(%dma_wait3A_59 : memref<128xi32, #tpu.memory_space<hbm>>) dst(%arg10 : memref<128xi32, #tpu.memory_space<vmem>>)
        tpu.yield
      }) : () -> ()
      "tpu.region"() ({
        %run_scoped3A = tpu.sem_alloc : memref<!tpu.dma_semaphore, #tpu.memory_space<semaphore_mem>>
        %dma_start3A_56 = tpu.memref_slice %arg3[%add3A_41] : memref<262144xi32, #tpu.memory_space<hbm>> -> memref<128xi32, #tpu.memory_space<hbm>>
        %dma_start3A_57 = tpu.memref_slice %arg3[%add3A_41] : memref<262144xi32, #tpu.memory_space<hbm>> -> memref<128xi32, #tpu.memory_space<hbm>>
        tpu.enqueue_dma source(%dma_start3A_57 : memref<128xi32, #tpu.memory_space<hbm>>) target(%arg11 : memref<128xi32, #tpu.memory_space<vmem>>) target_semaphore(%run_scoped3A : memref<!tpu.dma_semaphore, #tpu.memory_space<semaphore_mem>>)
        %dma_wait3A_58 = tpu.memref_slice %arg3[%add3A_41] : memref<262144xi32, #tpu.memory_space<hbm>> -> memref<128xi32, #tpu.memory_space<hbm>>
        %dma_wait3A_59 = tpu.memref_slice %arg3[%add3A_41] : memref<262144xi32, #tpu.memory_space<hbm>> -> memref<128xi32, #tpu.memory_space<hbm>>
        tpu.wait_dma2 semaphore(%run_scoped3A : memref<!tpu.dma_semaphore, #tpu.memory_space<semaphore_mem>>) src(%dma_wait3A_59 : memref<128xi32, #tpu.memory_space<hbm>>) dst(%arg11 : memref<128xi32, #tpu.memory_space<vmem>>)
        tpu.yield
      }) : () -> ()
      %dma_start3A = arith.constant 0 : i32
      %dma_start3A_46 = arith.constant 0 : i32
      %dma_start3A_47 = tpu.memref_slice %arg4[%dma_start3A, %dma_start3A_46] : memref<100000x128xf32, #tpu.memory_space<hbm>> -> memref<100000x128xf32, #tpu.memory_space<hbm>>
      tpu.enqueue_indirect_dma source(%dma_start3A_47 : memref<100000x128xf32, #tpu.memory_space<hbm>>) target(%arg12 : memref<128x128xf32, #tpu.memory_space<vmem>>) offsets(%arg10 : memref<128xi32, #tpu.memory_space<vmem>>) semaphore(%arg18 : memref<!tpu.dma_semaphore, #tpu.memory_space<semaphore_mem>>)
      %dma_wait3A = arith.constant 0 : i32
      %dma_wait3A_48 = arith.constant 0 : i32
      %dma_wait3A_49 = tpu.memref_slice %arg4[%dma_wait3A, %dma_wait3A_48] : memref<100000x128xf32, #tpu.memory_space<hbm>> -> memref<100000x128xf32, #tpu.memory_space<hbm>>
      tpu.wait_indirect_dma semaphore(%arg18 : memref<!tpu.dma_semaphore, #tpu.memory_space<semaphore_mem>>) src(%dma_wait3A_49 : memref<100000x128xf32, #tpu.memory_space<hbm>>) dst(%arg12 : memref<128x128xf32, #tpu.memory_space<vmem>>)
      %scan3A_50 = arith.constant 0 : i32
      %scan3A_51 = arith.constant 0 : i32
      %scan3A_52 = arith.constant 8 : i32
      %scan3A_53 = arith.addi %scan3A_51, %scan3A_52 : i32
      %scan3A_54 = arith.constant 1 : i32
      scf.for %scan3A_56 = %scan3A_51 to %scan3A_53 step %scan3A_54  : i32 {
        %mul3A_57 = arith.constant 16 : i32
        %mul3A_58 = arith.muli %scan3A_56, %mul3A_57 : i32
        %get3A = arith.index_cast %mul3A_58 : i32 to index
        %get3A_59 = tpu.vector_load %arg11[%get3A] {strides = array<i32>} : memref<128xi32, #tpu.memory_space<vmem>>, vector<16xi32>,
        %convert_element_type3A = arith.sitofp %get3A_59 : vector<16xi32> to vector<16xf32>
        %add3A_60 = vector.broadcast %mul3A_58 : i32 to vector<16xi32>
        %add3A_61 = arith.addi %add3A_60, %iota3A : vector<16xi32>
        %scan3A_62 = arith.constant 0 : i32
        %scan3A_63 = arith.constant 128 : i32
        %scan3A_64 = arith.addi %scan3A_62, %scan3A_63 : i32
        %scan3A_65 = arith.constant 16 : i32
        %scan3A_66:2 = scf.for %scan3A_121 = %scan3A_62 to %scan3A_64 step %scan3A_65 iter_args(%scan3A_122 = %broadcast_in_dim3A_3, %scan3A_123 = %broadcast_in_dim3A_3) -> (vector<16xf32>, vector<16xf32>)  : i32 {
          %broadcast_in_dim3A_124 = vector.broadcast %scan3A_121 : i32 to vector<16xi32>
          %gather3A = tpu.vector_load_idx %arg12[%add3A_61, %broadcast_in_dim3A_124] : memref<128x128xf32, #tpu.memory_space<vmem>>[vector<16xi32>, vector<16xi32>], vector<16xf32>,
          %add3A_125 = arith.addi %sub3A_45, %mul3A_58 : i32
          %get3A_126 = arith.index_cast %scan3A_121 : i32 to index
          %get3A_127 = arith.index_cast %add3A_125 : i32 to index
          %get3A_128 = tpu.vector_load %arg14[%get3A_126, %get3A_127] {strides = array<i32>} : memref<128x256xf32, #tpu.memory_space<vmem>>, vector<16xf32>,
          %add3A_129 = arith.addf %gather3A, %get3A_128 : vector<16xf32>
          %get3A_130 = arith.index_cast %scan3A_121 : i32 to index
          %get3A_131 = arith.constant 0 : index
          %get3A_132 = tpu.vector_load %arg15[%get3A_130, %get3A_131] {strides = array<i32>} : memref<128x16xf32, #tpu.memory_space<vmem>>, vector<16xf32>,
          %mul3A_133 = arith.mulf %convert_element_type3A, %get3A_132 : vector<16xf32>
          %add3A_134 = arith.addf %add3A_129, %mul3A_133 : vector<16xf32>
          %swap3A = arith.index_cast %scan3A_121 : i32 to index
          %swap3A_135 = arith.constant 0 : index
          %swap3A_136 = tpu.vector_load %arg13[%swap3A, %swap3A_135] {strides = array<i32>} : memref<128x16xf32, #tpu.memory_space<vmem>>, vector<16xf32>,
          tpu.vector_store %arg13[%swap3A, %swap3A_135], %add3A_134 {strides = array<i32>} : memref<128x16xf32, #tpu.memory_space<vmem>>, vector<16xf32>,
          %add3A_137 = arith.addf %scan3A_122, %add3A_134 : vector<16xf32>
          %mul3A_138 = arith.mulf %add3A_134, %add3A_134 : vector<16xf32>
          %add3A_139 = arith.addf %scan3A_123, %mul3A_138 : vector<16xf32>
          %scan3A_140 = arith.constant 1 : i32
          %scan3A_141 = arith.addi %scan3A_121, %scan3A_140 : i32
          %broadcast_in_dim3A_142 = vector.broadcast %scan3A_141 : i32 to vector<16xi32>
          %gather3A_143 = tpu.vector_load_idx %arg12[%add3A_61, %broadcast_in_dim3A_142] : memref<128x128xf32, #tpu.memory_space<vmem>>[vector<16xi32>, vector<16xi32>], vector<16xf32>,
          %add3A_144 = arith.addi %sub3A_45, %mul3A_58 : i32
          %get3A_145 = arith.index_cast %scan3A_141 : i32 to index
          %get3A_146 = arith.index_cast %add3A_144 : i32 to index
          %get3A_147 = tpu.vector_load %arg14[%get3A_145, %get3A_146] {strides = array<i32>} : memref<128x256xf32, #tpu.memory_space<vmem>>, vector<16xf32>,
          %add3A_148 = arith.addf %gather3A_143, %get3A_147 : vector<16xf32>
          %get3A_149 = arith.index_cast %scan3A_141 : i32 to index
          %get3A_150 = arith.constant 0 : index
          %get3A_151 = tpu.vector_load %arg15[%get3A_149, %get3A_150] {strides = array<i32>} : memref<128x16xf32, #tpu.memory_space<vmem>>, vector<16xf32>,
          %mul3A_152 = arith.mulf %convert_element_type3A, %get3A_151 : vector<16xf32>
          %add3A_153 = arith.addf %add3A_148, %mul3A_152 : vector<16xf32>
          %swap3A_154 = arith.index_cast %scan3A_141 : i32 to index
          %swap3A_155 = arith.constant 0 : index
          %swap3A_156 = tpu.vector_load %arg13[%swap3A_154, %swap3A_155] {strides = array<i32>} : memref<128x16xf32, #tpu.memory_space<vmem>>, vector<16xf32>,
          tpu.vector_store %arg13[%swap3A_154, %swap3A_155], %add3A_153 {strides = array<i32>} : memref<128x16xf32, #tpu.memory_space<vmem>>, vector<16xf32>,
          %add3A_157 = arith.addf %add3A_137, %add3A_153 : vector<16xf32>
          %mul3A_158 = arith.mulf %add3A_153, %add3A_153 : vector<16xf32>
          %add3A_159 = arith.addf %add3A_139, %mul3A_158 : vector<16xf32>
          %scan3A_160 = arith.constant 2 : i32
          %scan3A_161 = arith.addi %scan3A_121, %scan3A_160 : i32
          %broadcast_in_dim3A_162 = vector.broadcast %scan3A_161 : i32 to vector<16xi32>
          %gather3A_163 = tpu.vector_load_idx %arg12[%add3A_61, %broadcast_in_dim3A_162] : memref<128x128xf32, #tpu.memory_space<vmem>>[vector<16xi32>, vector<16xi32>], vector<16xf32>,
          %add3A_164 = arith.addi %sub3A_45, %mul3A_58 : i32
          %get3A_165 = arith.index_cast %scan3A_161 : i32 to index
          %get3A_166 = arith.index_cast %add3A_164 : i32 to index
          %get3A_167 = tpu.vector_load %arg14[%get3A_165, %get3A_166] {strides = array<i32>} : memref<128x256xf32, #tpu.memory_space<vmem>>, vector<16xf32>,
          %add3A_168 = arith.addf %gather3A_163, %get3A_167 : vector<16xf32>
          %get3A_169 = arith.index_cast %scan3A_161 : i32 to index
          %get3A_170 = arith.constant 0 : index
          %get3A_171 = tpu.vector_load %arg15[%get3A_169, %get3A_170] {strides = array<i32>} : memref<128x16xf32, #tpu.memory_space<vmem>>, vector<16xf32>,
          %mul3A_172 = arith.mulf %convert_element_type3A, %get3A_171 : vector<16xf32>
          %add3A_173 = arith.addf %add3A_168, %mul3A_172 : vector<16xf32>
          %swap3A_174 = arith.index_cast %scan3A_161 : i32 to index
          %swap3A_175 = arith.constant 0 : index
          %swap3A_176 = tpu.vector_load %arg13[%swap3A_174, %swap3A_175] {strides = array<i32>} : memref<128x16xf32, #tpu.memory_space<vmem>>, vector<16xf32>,
          tpu.vector_store %arg13[%swap3A_174, %swap3A_175], %add3A_173 {strides = array<i32>} : memref<128x16xf32, #tpu.memory_space<vmem>>, vector<16xf32>,
          %add3A_177 = arith.addf %add3A_157, %add3A_173 : vector<16xf32>
          %mul3A_178 = arith.mulf %add3A_173, %add3A_173 : vector<16xf32>
          %add3A_179 = arith.addf %add3A_159, %mul3A_178 : vector<16xf32>
          %scan3A_180 = arith.constant 3 : i32
          %scan3A_181 = arith.addi %scan3A_121, %scan3A_180 : i32
          %broadcast_in_dim3A_182 = vector.broadcast %scan3A_181 : i32 to vector<16xi32>
          %gather3A_183 = tpu.vector_load_idx %arg12[%add3A_61, %broadcast_in_dim3A_182] : memref<128x128xf32, #tpu.memory_space<vmem>>[vector<16xi32>, vector<16xi32>], vector<16xf32>,
          %add3A_184 = arith.addi %sub3A_45, %mul3A_58 : i32
          %get3A_185 = arith.index_cast %scan3A_181 : i32 to index
          %get3A_186 = arith.index_cast %add3A_184 : i32 to index
          %get3A_187 = tpu.vector_load %arg14[%get3A_185, %get3A_186] {strides = array<i32>} : memref<128x256xf32, #tpu.memory_space<vmem>>, vector<16xf32>,
          %add3A_188 = arith.addf %gather3A_183, %get3A_187 : vector<16xf32>
          %get3A_189 = arith.index_cast %scan3A_181 : i32 to index
          %get3A_190 = arith.constant 0 : index
          %get3A_191 = tpu.vector_load %arg15[%get3A_189, %get3A_190] {strides = array<i32>} : memref<128x16xf32, #tpu.memory_space<vmem>>, vector<16xf32>,
          %mul3A_192 = arith.mulf %convert_element_type3A, %get3A_191 : vector<16xf32>
          %add3A_193 = arith.addf %add3A_188, %mul3A_192 : vector<16xf32>
          %swap3A_194 = arith.index_cast %scan3A_181 : i32 to index
          %swap3A_195 = arith.constant 0 : index
          %swap3A_196 = tpu.vector_load %arg13[%swap3A_194, %swap3A_195] {strides = array<i32>} : memref<128x16xf32, #tpu.memory_space<vmem>>, vector<16xf32>,
          tpu.vector_store %arg13[%swap3A_194, %swap3A_195], %add3A_193 {strides = array<i32>} : memref<128x16xf32, #tpu.memory_space<vmem>>, vector<16xf32>,
          %add3A_197 = arith.addf %add3A_177, %add3A_193 : vector<16xf32>
          %mul3A_198 = arith.mulf %add3A_193, %add3A_193 : vector<16xf32>
          %add3A_199 = arith.addf %add3A_179, %mul3A_198 : vector<16xf32>
          %scan3A_200 = arith.constant 4 : i32
          %scan3A_201 = arith.addi %scan3A_121, %scan3A_200 : i32
          %broadcast_in_dim3A_202 = vector.broadcast %scan3A_201 : i32 to vector<16xi32>
          %gather3A_203 = tpu.vector_load_idx %arg12[%add3A_61, %broadcast_in_dim3A_202] : memref<128x128xf32, #tpu.memory_space<vmem>>[vector<16xi32>, vector<16xi32>], vector<16xf32>,
          %add3A_204 = arith.addi %sub3A_45, %mul3A_58 : i32
          %get3A_205 = arith.index_cast %scan3A_201 : i32 to index
          %get3A_206 = arith.index_cast %add3A_204 : i32 to index
          %get3A_207 = tpu.vector_load %arg14[%get3A_205, %get3A_206] {strides = array<i32>} : memref<128x256xf32, #tpu.memory_space<vmem>>, vector<16xf32>,
          %add3A_208 = arith.addf %gather3A_203, %get3A_207 : vector<16xf32>
          %get3A_209 = arith.index_cast %scan3A_201 : i32 to index
          %get3A_210 = arith.constant 0 : index
          %get3A_211 = tpu.vector_load %arg15[%get3A_209, %get3A_210] {strides = array<i32>} : memref<128x16xf32, #tpu.memory_space<vmem>>, vector<16xf32>,
          %mul3A_212 = arith.mulf %convert_element_type3A, %get3A_211 : vector<16xf32>
          %add3A_213 = arith.addf %add3A_208, %mul3A_212 : vector<16xf32>
          %swap3A_214 = arith.index_cast %scan3A_201 : i32 to index
          %swap3A_215 = arith.constant 0 : index
          %swap3A_216 = tpu.vector_load %arg13[%swap3A_214, %swap3A_215] {strides = array<i32>} : memref<128x16xf32, #tpu.memory_space<vmem>>, vector<16xf32>,
          tpu.vector_store %arg13[%swap3A_214, %swap3A_215], %add3A_213 {strides = array<i32>} : memref<128x16xf32, #tpu.memory_space<vmem>>, vector<16xf32>,
          %add3A_217 = arith.addf %add3A_197, %add3A_213 : vector<16xf32>
          %mul3A_218 = arith.mulf %add3A_213, %add3A_213 : vector<16xf32>
          %add3A_219 = arith.addf %add3A_199, %mul3A_218 : vector<16xf32>
          %scan3A_220 = arith.constant 5 : i32
          %scan3A_221 = arith.addi %scan3A_121, %scan3A_220 : i32
          %broadcast_in_dim3A_222 = vector.broadcast %scan3A_221 : i32 to vector<16xi32>
          %gather3A_223 = tpu.vector_load_idx %arg12[%add3A_61, %broadcast_in_dim3A_222] : memref<128x128xf32, #tpu.memory_space<vmem>>[vector<16xi32>, vector<16xi32>], vector<16xf32>,
          %add3A_224 = arith.addi %sub3A_45, %mul3A_58 : i32
          %get3A_225 = arith.index_cast %scan3A_221 : i32 to index
          %get3A_226 = arith.index_cast %add3A_224 : i32 to index
          %get3A_227 = tpu.vector_load %arg14[%get3A_225, %get3A_226] {strides = array<i32>} : memref<128x256xf32, #tpu.memory_space<vmem>>, vector<16xf32>,
          %add3A_228 = arith.addf %gather3A_223, %get3A_227 : vector<16xf32>
          %get3A_229 = arith.index_cast %scan3A_221 : i32 to index
          %get3A_230 = arith.constant 0 : index
          %get3A_231 = tpu.vector_load %arg15[%get3A_229, %get3A_230] {strides = array<i32>} : memref<128x16xf32, #tpu.memory_space<vmem>>, vector<16xf32>,
          %mul3A_232 = arith.mulf %convert_element_type3A, %get3A_231 : vector<16xf32>
          %add3A_233 = arith.addf %add3A_228, %mul3A_232 : vector<16xf32>
          %swap3A_234 = arith.index_cast %scan3A_221 : i32 to index
          %swap3A_235 = arith.constant 0 : index
          %swap3A_236 = tpu.vector_load %arg13[%swap3A_234, %swap3A_235] {strides = array<i32>} : memref<128x16xf32, #tpu.memory_space<vmem>>, vector<16xf32>,
          tpu.vector_store %arg13[%swap3A_234, %swap3A_235], %add3A_233 {strides = array<i32>} : memref<128x16xf32, #tpu.memory_space<vmem>>, vector<16xf32>,
          %add3A_237 = arith.addf %add3A_217, %add3A_233 : vector<16xf32>
          %mul3A_238 = arith.mulf %add3A_233, %add3A_233 : vector<16xf32>
          %add3A_239 = arith.addf %add3A_219, %mul3A_238 : vector<16xf32>
          %scan3A_240 = arith.constant 6 : i32
          %scan3A_241 = arith.addi %scan3A_121, %scan3A_240 : i32
          %broadcast_in_dim3A_242 = vector.broadcast %scan3A_241 : i32 to vector<16xi32>
          %gather3A_243 = tpu.vector_load_idx %arg12[%add3A_61, %broadcast_in_dim3A_242] : memref<128x128xf32, #tpu.memory_space<vmem>>[vector<16xi32>, vector<16xi32>], vector<16xf32>,
          %add3A_244 = arith.addi %sub3A_45, %mul3A_58 : i32
          %get3A_245 = arith.index_cast %scan3A_241 : i32 to index
          %get3A_246 = arith.index_cast %add3A_244 : i32 to index
          %get3A_247 = tpu.vector_load %arg14[%get3A_245, %get3A_246] {strides = array<i32>} : memref<128x256xf32, #tpu.memory_space<vmem>>, vector<16xf32>,
          %add3A_248 = arith.addf %gather3A_243, %get3A_247 : vector<16xf32>
          %get3A_249 = arith.index_cast %scan3A_241 : i32 to index
          %get3A_250 = arith.constant 0 : index
          %get3A_251 = tpu.vector_load %arg15[%get3A_249, %get3A_250] {strides = array<i32>} : memref<128x16xf32, #tpu.memory_space<vmem>>, vector<16xf32>,
          %mul3A_252 = arith.mulf %convert_element_type3A, %get3A_251 : vector<16xf32>
          %add3A_253 = arith.addf %add3A_248, %mul3A_252 : vector<16xf32>
          %swap3A_254 = arith.index_cast %scan3A_241 : i32 to index
          %swap3A_255 = arith.constant 0 : index
          %swap3A_256 = tpu.vector_load %arg13[%swap3A_254, %swap3A_255] {strides = array<i32>} : memref<128x16xf32, #tpu.memory_space<vmem>>, vector<16xf32>,
          tpu.vector_store %arg13[%swap3A_254, %swap3A_255], %add3A_253 {strides = array<i32>} : memref<128x16xf32, #tpu.memory_space<vmem>>, vector<16xf32>,
          %add3A_257 = arith.addf %add3A_237, %add3A_253 : vector<16xf32>
          %mul3A_258 = arith.mulf %add3A_253, %add3A_253 : vector<16xf32>
          %add3A_259 = arith.addf %add3A_239, %mul3A_258 : vector<16xf32>
          %scan3A_260 = arith.constant 7 : i32
          %scan3A_261 = arith.addi %scan3A_121, %scan3A_260 : i32
          %broadcast_in_dim3A_262 = vector.broadcast %scan3A_261 : i32 to vector<16xi32>
          %gather3A_263 = tpu.vector_load_idx %arg12[%add3A_61, %broadcast_in_dim3A_262] : memref<128x128xf32, #tpu.memory_space<vmem>>[vector<16xi32>, vector<16xi32>], vector<16xf32>,
          %add3A_264 = arith.addi %sub3A_45, %mul3A_58 : i32
          %get3A_265 = arith.index_cast %scan3A_261 : i32 to index
          %get3A_266 = arith.index_cast %add3A_264 : i32 to index
          %get3A_267 = tpu.vector_load %arg14[%get3A_265, %get3A_266] {strides = array<i32>} : memref<128x256xf32, #tpu.memory_space<vmem>>, vector<16xf32>,
          %add3A_268 = arith.addf %gather3A_263, %get3A_267 : vector<16xf32>
          %get3A_269 = arith.index_cast %scan3A_261 : i32 to index
          %get3A_270 = arith.constant 0 : index
          %get3A_271 = tpu.vector_load %arg15[%get3A_269, %get3A_270] {strides = array<i32>} : memref<128x16xf32, #tpu.memory_space<vmem>>, vector<16xf32>,
          %mul3A_272 = arith.mulf %convert_element_type3A, %get3A_271 : vector<16xf32>
          %add3A_273 = arith.addf %add3A_268, %mul3A_272 : vector<16xf32>
          %swap3A_274 = arith.index_cast %scan3A_261 : i32 to index
          %swap3A_275 = arith.constant 0 : index
          %swap3A_276 = tpu.vector_load %arg13[%swap3A_274, %swap3A_275] {strides = array<i32>} : memref<128x16xf32, #tpu.memory_space<vmem>>, vector<16xf32>,
          tpu.vector_store %arg13[%swap3A_274, %swap3A_275], %add3A_273 {strides = array<i32>} : memref<128x16xf32, #tpu.memory_space<vmem>>, vector<16xf32>,
          %add3A_277 = arith.addf %add3A_257, %add3A_273 : vector<16xf32>
          %mul3A_278 = arith.mulf %add3A_273, %add3A_273 : vector<16xf32>
          %add3A_279 = arith.addf %add3A_259, %mul3A_278 : vector<16xf32>
          %scan3A_280 = arith.constant 8 : i32
          %scan3A_281 = arith.addi %scan3A_121, %scan3A_280 : i32
          %broadcast_in_dim3A_282 = vector.broadcast %scan3A_281 : i32 to vector<16xi32>
          %gather3A_283 = tpu.vector_load_idx %arg12[%add3A_61, %broadcast_in_dim3A_282] : memref<128x128xf32, #tpu.memory_space<vmem>>[vector<16xi32>, vector<16xi32>], vector<16xf32>,
          %add3A_284 = arith.addi %sub3A_45, %mul3A_58 : i32
          %get3A_285 = arith.index_cast %scan3A_281 : i32 to index
          %get3A_286 = arith.index_cast %add3A_284 : i32 to index
          %get3A_287 = tpu.vector_load %arg14[%get3A_285, %get3A_286] {strides = array<i32>} : memref<128x256xf32, #tpu.memory_space<vmem>>, vector<16xf32>,
          %add3A_288 = arith.addf %gather3A_283, %get3A_287 : vector<16xf32>
          %get3A_289 = arith.index_cast %scan3A_281 : i32 to index
          %get3A_290 = arith.constant 0 : index
          %get3A_291 = tpu.vector_load %arg15[%get3A_289, %get3A_290] {strides = array<i32>} : memref<128x16xf32, #tpu.memory_space<vmem>>, vector<16xf32>,
          %mul3A_292 = arith.mulf %convert_element_type3A, %get3A_291 : vector<16xf32>
          %add3A_293 = arith.addf %add3A_288, %mul3A_292 : vector<16xf32>
          %swap3A_294 = arith.index_cast %scan3A_281 : i32 to index
          %swap3A_295 = arith.constant 0 : index
          %swap3A_296 = tpu.vector_load %arg13[%swap3A_294, %swap3A_295] {strides = array<i32>} : memref<128x16xf32, #tpu.memory_space<vmem>>, vector<16xf32>,
          tpu.vector_store %arg13[%swap3A_294, %swap3A_295], %add3A_293 {strides = array<i32>} : memref<128x16xf32, #tpu.memory_space<vmem>>, vector<16xf32>,
          %add3A_297 = arith.addf %add3A_277, %add3A_293 : vector<16xf32>
          %mul3A_298 = arith.mulf %add3A_293, %add3A_293 : vector<16xf32>
          %add3A_299 = arith.addf %add3A_279, %mul3A_298 : vector<16xf32>
          %scan3A_300 = arith.constant 9 : i32
          %scan3A_301 = arith.addi %scan3A_121, %scan3A_300 : i32
          %broadcast_in_dim3A_302 = vector.broadcast %scan3A_301 : i32 to vector<16xi32>
          %gather3A_303 = tpu.vector_load_idx %arg12[%add3A_61, %broadcast_in_dim3A_302] : memref<128x128xf32, #tpu.memory_space<vmem>>[vector<16xi32>, vector<16xi32>], vector<16xf32>,
          %add3A_304 = arith.addi %sub3A_45, %mul3A_58 : i32
          %get3A_305 = arith.index_cast %scan3A_301 : i32 to index
          %get3A_306 = arith.index_cast %add3A_304 : i32 to index
          %get3A_307 = tpu.vector_load %arg14[%get3A_305, %get3A_306] {strides = array<i32>} : memref<128x256xf32, #tpu.memory_space<vmem>>, vector<16xf32>,
          %add3A_308 = arith.addf %gather3A_303, %get3A_307 : vector<16xf32>
          %get3A_309 = arith.index_cast %scan3A_301 : i32 to index
          %get3A_310 = arith.constant 0 : index
          %get3A_311 = tpu.vector_load %arg15[%get3A_309, %get3A_310] {strides = array<i32>} : memref<128x16xf32, #tpu.memory_space<vmem>>, vector<16xf32>,
          %mul3A_312 = arith.mulf %convert_element_type3A, %get3A_311 : vector<16xf32>
          %add3A_313 = arith.addf %add3A_308, %mul3A_312 : vector<16xf32>
          %swap3A_314 = arith.index_cast %scan3A_301 : i32 to index
          %swap3A_315 = arith.constant 0 : index
          %swap3A_316 = tpu.vector_load %arg13[%swap3A_314, %swap3A_315] {strides = array<i32>} : memref<128x16xf32, #tpu.memory_space<vmem>>, vector<16xf32>,
          tpu.vector_store %arg13[%swap3A_314, %swap3A_315], %add3A_313 {strides = array<i32>} : memref<128x16xf32, #tpu.memory_space<vmem>>, vector<16xf32>,
          %add3A_317 = arith.addf %add3A_297, %add3A_313 : vector<16xf32>
          %mul3A_318 = arith.mulf %add3A_313, %add3A_313 : vector<16xf32>
          %add3A_319 = arith.addf %add3A_299, %mul3A_318 : vector<16xf32>
          %scan3A_320 = arith.constant 10 : i32
          %scan3A_321 = arith.addi %scan3A_121, %scan3A_320 : i32
          %broadcast_in_dim3A_322 = vector.broadcast %scan3A_321 : i32 to vector<16xi32>
          %gather3A_323 = tpu.vector_load_idx %arg12[%add3A_61, %broadcast_in_dim3A_322] : memref<128x128xf32, #tpu.memory_space<vmem>>[vector<16xi32>, vector<16xi32>], vector<16xf32>,
          %add3A_324 = arith.addi %sub3A_45, %mul3A_58 : i32
          %get3A_325 = arith.index_cast %scan3A_321 : i32 to index
          %get3A_326 = arith.index_cast %add3A_324 : i32 to index
          %get3A_327 = tpu.vector_load %arg14[%get3A_325, %get3A_326] {strides = array<i32>} : memref<128x256xf32, #tpu.memory_space<vmem>>, vector<16xf32>,
          %add3A_328 = arith.addf %gather3A_323, %get3A_327 : vector<16xf32>
          %get3A_329 = arith.index_cast %scan3A_321 : i32 to index
          %get3A_330 = arith.constant 0 : index
          %get3A_331 = tpu.vector_load %arg15[%get3A_329, %get3A_330] {strides = array<i32>} : memref<128x16xf32, #tpu.memory_space<vmem>>, vector<16xf32>,
          %mul3A_332 = arith.mulf %convert_element_type3A, %get3A_331 : vector<16xf32>
          %add3A_333 = arith.addf %add3A_328, %mul3A_332 : vector<16xf32>
          %swap3A_334 = arith.index_cast %scan3A_321 : i32 to index
          %swap3A_335 = arith.constant 0 : index
          %swap3A_336 = tpu.vector_load %arg13[%swap3A_334, %swap3A_335] {strides = array<i32>} : memref<128x16xf32, #tpu.memory_space<vmem>>, vector<16xf32>,
          tpu.vector_store %arg13[%swap3A_334, %swap3A_335], %add3A_333 {strides = array<i32>} : memref<128x16xf32, #tpu.memory_space<vmem>>, vector<16xf32>,
          %add3A_337 = arith.addf %add3A_317, %add3A_333 : vector<16xf32>
          %mul3A_338 = arith.mulf %add3A_333, %add3A_333 : vector<16xf32>
          %add3A_339 = arith.addf %add3A_319, %mul3A_338 : vector<16xf32>
          %scan3A_340 = arith.constant 11 : i32
          %scan3A_341 = arith.addi %scan3A_121, %scan3A_340 : i32
          %broadcast_in_dim3A_342 = vector.broadcast %scan3A_341 : i32 to vector<16xi32>
          %gather3A_343 = tpu.vector_load_idx %arg12[%add3A_61, %broadcast_in_dim3A_342] : memref<128x128xf32, #tpu.memory_space<vmem>>[vector<16xi32>, vector<16xi32>], vector<16xf32>,
          %add3A_344 = arith.addi %sub3A_45, %mul3A_58 : i32
          %get3A_345 = arith.index_cast %scan3A_341 : i32 to index
          %get3A_346 = arith.index_cast %add3A_344 : i32 to index
          %get3A_347 = tpu.vector_load %arg14[%get3A_345, %get3A_346] {strides = array<i32>} : memref<128x256xf32, #tpu.memory_space<vmem>>, vector<16xf32>,
          %add3A_348 = arith.addf %gather3A_343, %get3A_347 : vector<16xf32>
          %get3A_349 = arith.index_cast %scan3A_341 : i32 to index
          %get3A_350 = arith.constant 0 : index
          %get3A_351 = tpu.vector_load %arg15[%get3A_349, %get3A_350] {strides = array<i32>} : memref<128x16xf32, #tpu.memory_space<vmem>>, vector<16xf32>,
          %mul3A_352 = arith.mulf %convert_element_type3A, %get3A_351 : vector<16xf32>
          %add3A_353 = arith.addf %add3A_348, %mul3A_352 : vector<16xf32>
          %swap3A_354 = arith.index_cast %scan3A_341 : i32 to index
          %swap3A_355 = arith.constant 0 : index
          %swap3A_356 = tpu.vector_load %arg13[%swap3A_354, %swap3A_355] {strides = array<i32>} : memref<128x16xf32, #tpu.memory_space<vmem>>, vector<16xf32>,
          tpu.vector_store %arg13[%swap3A_354, %swap3A_355], %add3A_353 {strides = array<i32>} : memref<128x16xf32, #tpu.memory_space<vmem>>, vector<16xf32>,
          %add3A_357 = arith.addf %add3A_337, %add3A_353 : vector<16xf32>
          %mul3A_358 = arith.mulf %add3A_353, %add3A_353 : vector<16xf32>
          %add3A_359 = arith.addf %add3A_339, %mul3A_358 : vector<16xf32>
          %scan3A_360 = arith.constant 12 : i32
          %scan3A_361 = arith.addi %scan3A_121, %scan3A_360 : i32
          %broadcast_in_dim3A_362 = vector.broadcast %scan3A_361 : i32 to vector<16xi32>
          %gather3A_363 = tpu.vector_load_idx %arg12[%add3A_61, %broadcast_in_dim3A_362] : memref<128x128xf32, #tpu.memory_space<vmem>>[vector<16xi32>, vector<16xi32>], vector<16xf32>,
          %add3A_364 = arith.addi %sub3A_45, %mul3A_58 : i32
          %get3A_365 = arith.index_cast %scan3A_361 : i32 to index
          %get3A_366 = arith.index_cast %add3A_364 : i32 to index
          %get3A_367 = tpu.vector_load %arg14[%get3A_365, %get3A_366] {strides = array<i32>} : memref<128x256xf32, #tpu.memory_space<vmem>>, vector<16xf32>,
          %add3A_368 = arith.addf %gather3A_363, %get3A_367 : vector<16xf32>
          %get3A_369 = arith.index_cast %scan3A_361 : i32 to index
          %get3A_370 = arith.constant 0 : index
          %get3A_371 = tpu.vector_load %arg15[%get3A_369, %get3A_370] {strides = array<i32>} : memref<128x16xf32, #tpu.memory_space<vmem>>, vector<16xf32>,
          %mul3A_372 = arith.mulf %convert_element_type3A, %get3A_371 : vector<16xf32>
          %add3A_373 = arith.addf %add3A_368, %mul3A_372 : vector<16xf32>
          %swap3A_374 = arith.index_cast %scan3A_361 : i32 to index
          %swap3A_375 = arith.constant 0 : index
          %swap3A_376 = tpu.vector_load %arg13[%swap3A_374, %swap3A_375] {strides = array<i32>} : memref<128x16xf32, #tpu.memory_space<vmem>>, vector<16xf32>,
          tpu.vector_store %arg13[%swap3A_374, %swap3A_375], %add3A_373 {strides = array<i32>} : memref<128x16xf32, #tpu.memory_space<vmem>>, vector<16xf32>,
          %add3A_377 = arith.addf %add3A_357, %add3A_373 : vector<16xf32>
          %mul3A_378 = arith.mulf %add3A_373, %add3A_373 : vector<16xf32>
          %add3A_379 = arith.addf %add3A_359, %mul3A_378 : vector<16xf32>
          %scan3A_380 = arith.constant 13 : i32
          %scan3A_381 = arith.addi %scan3A_121, %scan3A_380 : i32
          %broadcast_in_dim3A_382 = vector.broadcast %scan3A_381 : i32 to vector<16xi32>
          %gather3A_383 = tpu.vector_load_idx %arg12[%add3A_61, %broadcast_in_dim3A_382] : memref<128x128xf32, #tpu.memory_space<vmem>>[vector<16xi32>, vector<16xi32>], vector<16xf32>,
          %add3A_384 = arith.addi %sub3A_45, %mul3A_58 : i32
          %get3A_385 = arith.index_cast %scan3A_381 : i32 to index
          %get3A_386 = arith.index_cast %add3A_384 : i32 to index
          %get3A_387 = tpu.vector_load %arg14[%get3A_385, %get3A_386] {strides = array<i32>} : memref<128x256xf32, #tpu.memory_space<vmem>>, vector<16xf32>,
          %add3A_388 = arith.addf %gather3A_383, %get3A_387 : vector<16xf32>
          %get3A_389 = arith.index_cast %scan3A_381 : i32 to index
          %get3A_390 = arith.constant 0 : index
          %get3A_391 = tpu.vector_load %arg15[%get3A_389, %get3A_390] {strides = array<i32>} : memref<128x16xf32, #tpu.memory_space<vmem>>, vector<16xf32>,
          %mul3A_392 = arith.mulf %convert_element_type3A, %get3A_391 : vector<16xf32>
          %add3A_393 = arith.addf %add3A_388, %mul3A_392 : vector<16xf32>
          %swap3A_394 = arith.index_cast %scan3A_381 : i32 to index
          %swap3A_395 = arith.constant 0 : index
          %swap3A_396 = tpu.vector_load %arg13[%swap3A_394, %swap3A_395] {strides = array<i32>} : memref<128x16xf32, #tpu.memory_space<vmem>>, vector<16xf32>,
          tpu.vector_store %arg13[%swap3A_394, %swap3A_395], %add3A_393 {strides = array<i32>} : memref<128x16xf32, #tpu.memory_space<vmem>>, vector<16xf32>,
          %add3A_397 = arith.addf %add3A_377, %add3A_393 : vector<16xf32>
          %mul3A_398 = arith.mulf %add3A_393, %add3A_393 : vector<16xf32>
          %add3A_399 = arith.addf %add3A_379, %mul3A_398 : vector<16xf32>
          %scan3A_400 = arith.constant 14 : i32
          %scan3A_401 = arith.addi %scan3A_121, %scan3A_400 : i32
          %broadcast_in_dim3A_402 = vector.broadcast %scan3A_401 : i32 to vector<16xi32>
          %gather3A_403 = tpu.vector_load_idx %arg12[%add3A_61, %broadcast_in_dim3A_402] : memref<128x128xf32, #tpu.memory_space<vmem>>[vector<16xi32>, vector<16xi32>], vector<16xf32>,
          %add3A_404 = arith.addi %sub3A_45, %mul3A_58 : i32
          %get3A_405 = arith.index_cast %scan3A_401 : i32 to index
          %get3A_406 = arith.index_cast %add3A_404 : i32 to index
          %get3A_407 = tpu.vector_load %arg14[%get3A_405, %get3A_406] {strides = array<i32>} : memref<128x256xf32, #tpu.memory_space<vmem>>, vector<16xf32>,
          %add3A_408 = arith.addf %gather3A_403, %get3A_407 : vector<16xf32>
          %get3A_409 = arith.index_cast %scan3A_401 : i32 to index
          %get3A_410 = arith.constant 0 : index
          %get3A_411 = tpu.vector_load %arg15[%get3A_409, %get3A_410] {strides = array<i32>} : memref<128x16xf32, #tpu.memory_space<vmem>>, vector<16xf32>,
          %mul3A_412 = arith.mulf %convert_element_type3A, %get3A_411 : vector<16xf32>
          %add3A_413 = arith.addf %add3A_408, %mul3A_412 : vector<16xf32>
          %swap3A_414 = arith.index_cast %scan3A_401 : i32 to index
          %swap3A_415 = arith.constant 0 : index
          %swap3A_416 = tpu.vector_load %arg13[%swap3A_414, %swap3A_415] {strides = array<i32>} : memref<128x16xf32, #tpu.memory_space<vmem>>, vector<16xf32>,
          tpu.vector_store %arg13[%swap3A_414, %swap3A_415], %add3A_413 {strides = array<i32>} : memref<128x16xf32, #tpu.memory_space<vmem>>, vector<16xf32>,
          %add3A_417 = arith.addf %add3A_397, %add3A_413 : vector<16xf32>
          %mul3A_418 = arith.mulf %add3A_413, %add3A_413 : vector<16xf32>
          %add3A_419 = arith.addf %add3A_399, %mul3A_418 : vector<16xf32>
          %scan3A_420 = arith.constant 15 : i32
          %scan3A_421 = arith.addi %scan3A_121, %scan3A_420 : i32
          %broadcast_in_dim3A_422 = vector.broadcast %scan3A_421 : i32 to vector<16xi32>
          %gather3A_423 = tpu.vector_load_idx %arg12[%add3A_61, %broadcast_in_dim3A_422] : memref<128x128xf32, #tpu.memory_space<vmem>>[vector<16xi32>, vector<16xi32>], vector<16xf32>,
          %add3A_424 = arith.addi %sub3A_45, %mul3A_58 : i32
          %get3A_425 = arith.index_cast %scan3A_421 : i32 to index
          %get3A_426 = arith.index_cast %add3A_424 : i32 to index
          %get3A_427 = tpu.vector_load %arg14[%get3A_425, %get3A_426] {strides = array<i32>} : memref<128x256xf32, #tpu.memory_space<vmem>>, vector<16xf32>,
          %add3A_428 = arith.addf %gather3A_423, %get3A_427 : vector<16xf32>
          %get3A_429 = arith.index_cast %scan3A_421 : i32 to index
          %get3A_430 = arith.constant 0 : index
          %get3A_431 = tpu.vector_load %arg15[%get3A_429, %get3A_430] {strides = array<i32>} : memref<128x16xf32, #tpu.memory_space<vmem>>, vector<16xf32>,
          %mul3A_432 = arith.mulf %convert_element_type3A, %get3A_431 : vector<16xf32>
          %add3A_433 = arith.addf %add3A_428, %mul3A_432 : vector<16xf32>
          %swap3A_434 = arith.index_cast %scan3A_421 : i32 to index
          %swap3A_435 = arith.constant 0 : index
          %swap3A_436 = tpu.vector_load %arg13[%swap3A_434, %swap3A_435] {strides = array<i32>} : memref<128x16xf32, #tpu.memory_space<vmem>>, vector<16xf32>,
          tpu.vector_store %arg13[%swap3A_434, %swap3A_435], %add3A_433 {strides = array<i32>} : memref<128x16xf32, #tpu.memory_space<vmem>>, vector<16xf32>,
          %add3A_437 = arith.addf %add3A_417, %add3A_433 : vector<16xf32>
          %mul3A_438 = arith.mulf %add3A_433, %add3A_433 : vector<16xf32>
          %add3A_439 = arith.addf %add3A_419, %mul3A_438 : vector<16xf32>
          scf.yield %add3A_437, %add3A_439 : vector<16xf32>, vector<16xf32>
        }
        %scan3A_67 = arith.constant 128 : i32
        %mul3A_68 = arith.constant 7.812500e-03 : f32
        %mul3A_69 = vector.broadcast %mul3A_68 : f32 to vector<16xf32>
        %mul3A_70 = arith.mulf %scan3A_66#0, %mul3A_69 : vector<16xf32>
        %mul3A_71 = arith.constant 7.812500e-03 : f32
        %mul3A_72 = vector.broadcast %mul3A_71 : f32 to vector<16xf32>
        %mul3A_73 = arith.mulf %scan3A_66#1, %mul3A_72 : vector<16xf32>
        %mul3A_74 = arith.mulf %mul3A_70, %mul3A_70 : vector<16xf32>
        %sub3A_75 = arith.subf %mul3A_73, %mul3A_74 : vector<16xf32>
        %add3A_76 = arith.constant 9.99999996E-13 : f32
        %add3A_77 = vector.broadcast %add3A_76 : f32 to vector<16xf32>
        %add3A_78 = arith.addf %sub3A_75, %add3A_77 : vector<16xf32>
        %bitcast_convert_type3A = tpu.bitcast %add3A_78 : vector<16xf32> -> vector<16xi32>
        %shift_right_logical3A = arith.constant 1 : i32
        %shift_right_logical3A_79 = vector.broadcast %shift_right_logical3A : i32 to vector<16xi32>
        %shift_right_logical3A_80 = arith.shrui %bitcast_convert_type3A, %shift_right_logical3A_79 : vector<16xi32>
        %sub3A_81 = arith.constant 1597463007 : i32
        %sub3A_82 = vector.broadcast %sub3A_81 : i32 to vector<16xi32>
        %sub3A_83 = arith.subi %sub3A_82, %shift_right_logical3A_80 : vector<16xi32>
        %bitcast_convert_type3A_84 = tpu.bitcast %sub3A_83 : vector<16xi32> -> vector<16xf32>
        %mul3A_85 = arith.constant 5.000000e-01 : f32
        %mul3A_86 = vector.broadcast %mul3A_85 : f32 to vector<16xf32>
        %mul3A_87 = arith.mulf %mul3A_86, %add3A_78 : vector<16xf32>
        %mul3A_88 = arith.mulf %mul3A_87, %bitcast_convert_type3A_84 : vector<16xf32>
        %mul3A_89 = arith.mulf %mul3A_88, %bitcast_convert_type3A_84 : vector<16xf32>
        %sub3A_90 = arith.constant 1.500000e+00 : f32
        %sub3A_91 = vector.broadcast %sub3A_90 : f32 to vector<16xf32>
        %sub3A_92 = arith.subf %sub3A_91, %mul3A_89 : vector<16xf32>
        %mul3A_93 = arith.mulf %bitcast_convert_type3A_84, %sub3A_92 : vector<16xf32>
        %mul3A_94 = arith.constant 5.000000e-01 : f32
        %mul3A_95 = vector.broadcast %mul3A_94 : f32 to vector<16xf32>
        %mul3A_96 = arith.mulf %mul3A_95, %add3A_78 : vector<16xf32>
        %mul3A_97 = arith.mulf %mul3A_96, %mul3A_93 : vector<16xf32>
        %mul3A_98 = arith.mulf %mul3A_97, %mul3A_93 : vector<16xf32>
        %sub3A_99 = arith.constant 1.500000e+00 : f32
        %sub3A_100 = vector.broadcast %sub3A_99 : f32 to vector<16xf32>
        %sub3A_101 = arith.subf %sub3A_100, %mul3A_98 : vector<16xf32>
        %mul3A_102 = arith.mulf %mul3A_93, %sub3A_101 : vector<16xf32>
        %mul3A_103 = arith.constant 5.000000e-01 : f32
        %mul3A_104 = vector.broadcast %mul3A_103 : f32 to vector<16xf32>
        %mul3A_105 = arith.mulf %mul3A_104, %add3A_78 : vector<16xf32>
        %mul3A_106 = arith.mulf %mul3A_105, %mul3A_102 : vector<16xf32>
        %mul3A_107 = arith.mulf %mul3A_106, %mul3A_102 : vector<16xf32>
        %sub3A_108 = arith.constant 1.500000e+00 : f32
        %sub3A_109 = vector.broadcast %sub3A_108 : f32 to vector<16xf32>
        %sub3A_110 = arith.subf %sub3A_109, %mul3A_107 : vector<16xf32>
        %mul3A_111 = arith.mulf %mul3A_102, %sub3A_110 : vector<16xf32>
        %neg3A = arith.constant 0.000000e+00 : f32
        %neg3A_112 = vector.broadcast %neg3A : f32 to vector<16xf32>
        %neg3A_113 = arith.subf %neg3A_112, %mul3A_70 : vector<16xf32>
        %mul3A_114 = arith.mulf %neg3A_113, %mul3A_111 : vector<16xf32>
        %scan3A_115 = arith.constant 0 : i32
        %scan3A_116 = arith.constant 0 : i32
        %scan3A_117 = arith.constant 128 : i32
        %scan3A_118 = arith.addi %scan3A_116, %scan3A_117 : i32
        %scan3A_119 = arith.constant 16 : i32
        scf.for %scan3A_121 = %scan3A_116 to %scan3A_118 step %scan3A_119  : i32 {
          %broadcast_in_dim3A_122 = vector.broadcast %scan3A_121 : i32 to vector<16xi32>
          %get3A_123 = arith.index_cast %scan3A_121 : i32 to index
          %get3A_124 = arith.constant 0 : index
          %get3A_125 = tpu.vector_load %arg13[%get3A_123, %get3A_124] {strides = array<i32>} : memref<128x16xf32, #tpu.memory_space<vmem>>, vector<16xf32>,
          %mul3A_126 = arith.mulf %get3A_125, %mul3A_111 : vector<16xf32>
          %add3A_127 = arith.addf %mul3A_126, %mul3A_114 : vector<16xf32>
          %get3A_128 = arith.index_cast %scan3A_121 : i32 to index
          %get3A_129 = arith.constant 0 : index
          %get3A_130 = tpu.vector_load %arg16[%get3A_128, %get3A_129] {strides = array<i32>} : memref<128x16xf32, #tpu.memory_space<vmem>>, vector<16xf32>,
          %mul3A_131 = arith.mulf %add3A_127, %get3A_130 : vector<16xf32>
          %get3A_132 = arith.index_cast %scan3A_121 : i32 to index
          %get3A_133 = arith.constant 0 : index
          %get3A_134 = tpu.vector_load %arg17[%get3A_132, %get3A_133] {strides = array<i32>} : memref<128x16xf32, #tpu.memory_space<vmem>>, vector<16xf32>,
          %add3A_135 = arith.addf %mul3A_131, %get3A_134 : vector<16xf32>
          tpu.vector_store_idx %arg12[%add3A_61, %broadcast_in_dim3A_122], %add3A_135 : memref<128x128xf32, #tpu.memory_space<vmem>>[vector<16xi32>, vector<16xi32>], vector<16xf32>,
          %scan3A_136 = arith.constant 1 : i32
          %scan3A_137 = arith.addi %scan3A_121, %scan3A_136 : i32
          %broadcast_in_dim3A_138 = vector.broadcast %scan3A_137 : i32 to vector<16xi32>
          %get3A_139 = arith.index_cast %scan3A_137 : i32 to index
          %get3A_140 = arith.constant 0 : index
          %get3A_141 = tpu.vector_load %arg13[%get3A_139, %get3A_140] {strides = array<i32>} : memref<128x16xf32, #tpu.memory_space<vmem>>, vector<16xf32>,
          %mul3A_142 = arith.mulf %get3A_141, %mul3A_111 : vector<16xf32>
          %add3A_143 = arith.addf %mul3A_142, %mul3A_114 : vector<16xf32>
          %get3A_144 = arith.index_cast %scan3A_137 : i32 to index
          %get3A_145 = arith.constant 0 : index
          %get3A_146 = tpu.vector_load %arg16[%get3A_144, %get3A_145] {strides = array<i32>} : memref<128x16xf32, #tpu.memory_space<vmem>>, vector<16xf32>,
          %mul3A_147 = arith.mulf %add3A_143, %get3A_146 : vector<16xf32>
          %get3A_148 = arith.index_cast %scan3A_137 : i32 to index
          %get3A_149 = arith.constant 0 : index
          %get3A_150 = tpu.vector_load %arg17[%get3A_148, %get3A_149] {strides = array<i32>} : memref<128x16xf32, #tpu.memory_space<vmem>>, vector<16xf32>,
          %add3A_151 = arith.addf %mul3A_147, %get3A_150 : vector<16xf32>
          tpu.vector_store_idx %arg12[%add3A_61, %broadcast_in_dim3A_138], %add3A_151 : memref<128x128xf32, #tpu.memory_space<vmem>>[vector<16xi32>, vector<16xi32>], vector<16xf32>,
          %scan3A_152 = arith.constant 2 : i32
          %scan3A_153 = arith.addi %scan3A_121, %scan3A_152 : i32
          %broadcast_in_dim3A_154 = vector.broadcast %scan3A_153 : i32 to vector<16xi32>
          %get3A_155 = arith.index_cast %scan3A_153 : i32 to index
          %get3A_156 = arith.constant 0 : index
          %get3A_157 = tpu.vector_load %arg13[%get3A_155, %get3A_156] {strides = array<i32>} : memref<128x16xf32, #tpu.memory_space<vmem>>, vector<16xf32>,
          %mul3A_158 = arith.mulf %get3A_157, %mul3A_111 : vector<16xf32>
          %add3A_159 = arith.addf %mul3A_158, %mul3A_114 : vector<16xf32>
          %get3A_160 = arith.index_cast %scan3A_153 : i32 to index
          %get3A_161 = arith.constant 0 : index
          %get3A_162 = tpu.vector_load %arg16[%get3A_160, %get3A_161] {strides = array<i32>} : memref<128x16xf32, #tpu.memory_space<vmem>>, vector<16xf32>,
          %mul3A_163 = arith.mulf %add3A_159, %get3A_162 : vector<16xf32>
          %get3A_164 = arith.index_cast %scan3A_153 : i32 to index
          %get3A_165 = arith.constant 0 : index
          %get3A_166 = tpu.vector_load %arg17[%get3A_164, %get3A_165] {strides = array<i32>} : memref<128x16xf32, #tpu.memory_space<vmem>>, vector<16xf32>,
          %add3A_167 = arith.addf %mul3A_163, %get3A_166 : vector<16xf32>
          tpu.vector_store_idx %arg12[%add3A_61, %broadcast_in_dim3A_154], %add3A_167 : memref<128x128xf32, #tpu.memory_space<vmem>>[vector<16xi32>, vector<16xi32>], vector<16xf32>,
          %scan3A_168 = arith.constant 3 : i32
          %scan3A_169 = arith.addi %scan3A_121, %scan3A_168 : i32
          %broadcast_in_dim3A_170 = vector.broadcast %scan3A_169 : i32 to vector<16xi32>
          %get3A_171 = arith.index_cast %scan3A_169 : i32 to index
          %get3A_172 = arith.constant 0 : index
          %get3A_173 = tpu.vector_load %arg13[%get3A_171, %get3A_172] {strides = array<i32>} : memref<128x16xf32, #tpu.memory_space<vmem>>, vector<16xf32>,
          %mul3A_174 = arith.mulf %get3A_173, %mul3A_111 : vector<16xf32>
          %add3A_175 = arith.addf %mul3A_174, %mul3A_114 : vector<16xf32>
          %get3A_176 = arith.index_cast %scan3A_169 : i32 to index
          %get3A_177 = arith.constant 0 : index
          %get3A_178 = tpu.vector_load %arg16[%get3A_176, %get3A_177] {strides = array<i32>} : memref<128x16xf32, #tpu.memory_space<vmem>>, vector<16xf32>,
          %mul3A_179 = arith.mulf %add3A_175, %get3A_178 : vector<16xf32>
          %get3A_180 = arith.index_cast %scan3A_169 : i32 to index
          %get3A_181 = arith.constant 0 : index
          %get3A_182 = tpu.vector_load %arg17[%get3A_180, %get3A_181] {strides = array<i32>} : memref<128x16xf32, #tpu.memory_space<vmem>>, vector<16xf32>,
          %add3A_183 = arith.addf %mul3A_179, %get3A_182 : vector<16xf32>
          tpu.vector_store_idx %arg12[%add3A_61, %broadcast_in_dim3A_170], %add3A_183 : memref<128x128xf32, #tpu.memory_space<vmem>>[vector<16xi32>, vector<16xi32>], vector<16xf32>,
          %scan3A_184 = arith.constant 4 : i32
          %scan3A_185 = arith.addi %scan3A_121, %scan3A_184 : i32
          %broadcast_in_dim3A_186 = vector.broadcast %scan3A_185 : i32 to vector<16xi32>
          %get3A_187 = arith.index_cast %scan3A_185 : i32 to index
          %get3A_188 = arith.constant 0 : index
          %get3A_189 = tpu.vector_load %arg13[%get3A_187, %get3A_188] {strides = array<i32>} : memref<128x16xf32, #tpu.memory_space<vmem>>, vector<16xf32>,
          %mul3A_190 = arith.mulf %get3A_189, %mul3A_111 : vector<16xf32>
          %add3A_191 = arith.addf %mul3A_190, %mul3A_114 : vector<16xf32>
          %get3A_192 = arith.index_cast %scan3A_185 : i32 to index
          %get3A_193 = arith.constant 0 : index
          %get3A_194 = tpu.vector_load %arg16[%get3A_192, %get3A_193] {strides = array<i32>} : memref<128x16xf32, #tpu.memory_space<vmem>>, vector<16xf32>,
          %mul3A_195 = arith.mulf %add3A_191, %get3A_194 : vector<16xf32>
          %get3A_196 = arith.index_cast %scan3A_185 : i32 to index
          %get3A_197 = arith.constant 0 : index
          %get3A_198 = tpu.vector_load %arg17[%get3A_196, %get3A_197] {strides = array<i32>} : memref<128x16xf32, #tpu.memory_space<vmem>>, vector<16xf32>,
          %add3A_199 = arith.addf %mul3A_195, %get3A_198 : vector<16xf32>
          tpu.vector_store_idx %arg12[%add3A_61, %broadcast_in_dim3A_186], %add3A_199 : memref<128x128xf32, #tpu.memory_space<vmem>>[vector<16xi32>, vector<16xi32>], vector<16xf32>,
          %scan3A_200 = arith.constant 5 : i32
          %scan3A_201 = arith.addi %scan3A_121, %scan3A_200 : i32
          %broadcast_in_dim3A_202 = vector.broadcast %scan3A_201 : i32 to vector<16xi32>
          %get3A_203 = arith.index_cast %scan3A_201 : i32 to index
          %get3A_204 = arith.constant 0 : index
          %get3A_205 = tpu.vector_load %arg13[%get3A_203, %get3A_204] {strides = array<i32>} : memref<128x16xf32, #tpu.memory_space<vmem>>, vector<16xf32>,
          %mul3A_206 = arith.mulf %get3A_205, %mul3A_111 : vector<16xf32>
          %add3A_207 = arith.addf %mul3A_206, %mul3A_114 : vector<16xf32>
          %get3A_208 = arith.index_cast %scan3A_201 : i32 to index
          %get3A_209 = arith.constant 0 : index
          %get3A_210 = tpu.vector_load %arg16[%get3A_208, %get3A_209] {strides = array<i32>} : memref<128x16xf32, #tpu.memory_space<vmem>>, vector<16xf32>,
          %mul3A_211 = arith.mulf %add3A_207, %get3A_210 : vector<16xf32>
          %get3A_212 = arith.index_cast %scan3A_201 : i32 to index
          %get3A_213 = arith.constant 0 : index
          %get3A_214 = tpu.vector_load %arg17[%get3A_212, %get3A_213] {strides = array<i32>} : memref<128x16xf32, #tpu.memory_space<vmem>>, vector<16xf32>,
          %add3A_215 = arith.addf %mul3A_211, %get3A_214 : vector<16xf32>
          tpu.vector_store_idx %arg12[%add3A_61, %broadcast_in_dim3A_202], %add3A_215 : memref<128x128xf32, #tpu.memory_space<vmem>>[vector<16xi32>, vector<16xi32>], vector<16xf32>,
          %scan3A_216 = arith.constant 6 : i32
          %scan3A_217 = arith.addi %scan3A_121, %scan3A_216 : i32
          %broadcast_in_dim3A_218 = vector.broadcast %scan3A_217 : i32 to vector<16xi32>
          %get3A_219 = arith.index_cast %scan3A_217 : i32 to index
          %get3A_220 = arith.constant 0 : index
          %get3A_221 = tpu.vector_load %arg13[%get3A_219, %get3A_220] {strides = array<i32>} : memref<128x16xf32, #tpu.memory_space<vmem>>, vector<16xf32>,
          %mul3A_222 = arith.mulf %get3A_221, %mul3A_111 : vector<16xf32>
          %add3A_223 = arith.addf %mul3A_222, %mul3A_114 : vector<16xf32>
          %get3A_224 = arith.index_cast %scan3A_217 : i32 to index
          %get3A_225 = arith.constant 0 : index
          %get3A_226 = tpu.vector_load %arg16[%get3A_224, %get3A_225] {strides = array<i32>} : memref<128x16xf32, #tpu.memory_space<vmem>>, vector<16xf32>,
          %mul3A_227 = arith.mulf %add3A_223, %get3A_226 : vector<16xf32>
          %get3A_228 = arith.index_cast %scan3A_217 : i32 to index
          %get3A_229 = arith.constant 0 : index
          %get3A_230 = tpu.vector_load %arg17[%get3A_228, %get3A_229] {strides = array<i32>} : memref<128x16xf32, #tpu.memory_space<vmem>>, vector<16xf32>,
          %add3A_231 = arith.addf %mul3A_227, %get3A_230 : vector<16xf32>
          tpu.vector_store_idx %arg12[%add3A_61, %broadcast_in_dim3A_218], %add3A_231 : memref<128x128xf32, #tpu.memory_space<vmem>>[vector<16xi32>, vector<16xi32>], vector<16xf32>,
          %scan3A_232 = arith.constant 7 : i32
          %scan3A_233 = arith.addi %scan3A_121, %scan3A_232 : i32
          %broadcast_in_dim3A_234 = vector.broadcast %scan3A_233 : i32 to vector<16xi32>
          %get3A_235 = arith.index_cast %scan3A_233 : i32 to index
          %get3A_236 = arith.constant 0 : index
          %get3A_237 = tpu.vector_load %arg13[%get3A_235, %get3A_236] {strides = array<i32>} : memref<128x16xf32, #tpu.memory_space<vmem>>, vector<16xf32>,
          %mul3A_238 = arith.mulf %get3A_237, %mul3A_111 : vector<16xf32>
          %add3A_239 = arith.addf %mul3A_238, %mul3A_114 : vector<16xf32>
          %get3A_240 = arith.index_cast %scan3A_233 : i32 to index
          %get3A_241 = arith.constant 0 : index
          %get3A_242 = tpu.vector_load %arg16[%get3A_240, %get3A_241] {strides = array<i32>} : memref<128x16xf32, #tpu.memory_space<vmem>>, vector<16xf32>,
          %mul3A_243 = arith.mulf %add3A_239, %get3A_242 : vector<16xf32>
          %get3A_244 = arith.index_cast %scan3A_233 : i32 to index
          %get3A_245 = arith.constant 0 : index
          %get3A_246 = tpu.vector_load %arg17[%get3A_244, %get3A_245] {strides = array<i32>} : memref<128x16xf32, #tpu.memory_space<vmem>>, vector<16xf32>,
          %add3A_247 = arith.addf %mul3A_243, %get3A_246 : vector<16xf32>
          tpu.vector_store_idx %arg12[%add3A_61, %broadcast_in_dim3A_234], %add3A_247 : memref<128x128xf32, #tpu.memory_space<vmem>>[vector<16xi32>, vector<16xi32>], vector<16xf32>,
          %scan3A_248 = arith.constant 8 : i32
          %scan3A_249 = arith.addi %scan3A_121, %scan3A_248 : i32
          %broadcast_in_dim3A_250 = vector.broadcast %scan3A_249 : i32 to vector<16xi32>
          %get3A_251 = arith.index_cast %scan3A_249 : i32 to index
          %get3A_252 = arith.constant 0 : index
          %get3A_253 = tpu.vector_load %arg13[%get3A_251, %get3A_252] {strides = array<i32>} : memref<128x16xf32, #tpu.memory_space<vmem>>, vector<16xf32>,
          %mul3A_254 = arith.mulf %get3A_253, %mul3A_111 : vector<16xf32>
          %add3A_255 = arith.addf %mul3A_254, %mul3A_114 : vector<16xf32>
          %get3A_256 = arith.index_cast %scan3A_249 : i32 to index
          %get3A_257 = arith.constant 0 : index
          %get3A_258 = tpu.vector_load %arg16[%get3A_256, %get3A_257] {strides = array<i32>} : memref<128x16xf32, #tpu.memory_space<vmem>>, vector<16xf32>,
          %mul3A_259 = arith.mulf %add3A_255, %get3A_258 : vector<16xf32>
          %get3A_260 = arith.index_cast %scan3A_249 : i32 to index
          %get3A_261 = arith.constant 0 : index
          %get3A_262 = tpu.vector_load %arg17[%get3A_260, %get3A_261] {strides = array<i32>} : memref<128x16xf32, #tpu.memory_space<vmem>>, vector<16xf32>,
          %add3A_263 = arith.addf %mul3A_259, %get3A_262 : vector<16xf32>
          tpu.vector_store_idx %arg12[%add3A_61, %broadcast_in_dim3A_250], %add3A_263 : memref<128x128xf32, #tpu.memory_space<vmem>>[vector<16xi32>, vector<16xi32>], vector<16xf32>,
          %scan3A_264 = arith.constant 9 : i32
          %scan3A_265 = arith.addi %scan3A_121, %scan3A_264 : i32
          %broadcast_in_dim3A_266 = vector.broadcast %scan3A_265 : i32 to vector<16xi32>
          %get3A_267 = arith.index_cast %scan3A_265 : i32 to index
          %get3A_268 = arith.constant 0 : index
          %get3A_269 = tpu.vector_load %arg13[%get3A_267, %get3A_268] {strides = array<i32>} : memref<128x16xf32, #tpu.memory_space<vmem>>, vector<16xf32>,
          %mul3A_270 = arith.mulf %get3A_269, %mul3A_111 : vector<16xf32>
          %add3A_271 = arith.addf %mul3A_270, %mul3A_114 : vector<16xf32>
          %get3A_272 = arith.index_cast %scan3A_265 : i32 to index
          %get3A_273 = arith.constant 0 : index
          %get3A_274 = tpu.vector_load %arg16[%get3A_272, %get3A_273] {strides = array<i32>} : memref<128x16xf32, #tpu.memory_space<vmem>>, vector<16xf32>,
          %mul3A_275 = arith.mulf %add3A_271, %get3A_274 : vector<16xf32>
          %get3A_276 = arith.index_cast %scan3A_265 : i32 to index
          %get3A_277 = arith.constant 0 : index
          %get3A_278 = tpu.vector_load %arg17[%get3A_276, %get3A_277] {strides = array<i32>} : memref<128x16xf32, #tpu.memory_space<vmem>>, vector<16xf32>,
          %add3A_279 = arith.addf %mul3A_275, %get3A_278 : vector<16xf32>
          tpu.vector_store_idx %arg12[%add3A_61, %broadcast_in_dim3A_266], %add3A_279 : memref<128x128xf32, #tpu.memory_space<vmem>>[vector<16xi32>, vector<16xi32>], vector<16xf32>,
          %scan3A_280 = arith.constant 10 : i32
          %scan3A_281 = arith.addi %scan3A_121, %scan3A_280 : i32
          %broadcast_in_dim3A_282 = vector.broadcast %scan3A_281 : i32 to vector<16xi32>
          %get3A_283 = arith.index_cast %scan3A_281 : i32 to index
          %get3A_284 = arith.constant 0 : index
          %get3A_285 = tpu.vector_load %arg13[%get3A_283, %get3A_284] {strides = array<i32>} : memref<128x16xf32, #tpu.memory_space<vmem>>, vector<16xf32>,
          %mul3A_286 = arith.mulf %get3A_285, %mul3A_111 : vector<16xf32>
          %add3A_287 = arith.addf %mul3A_286, %mul3A_114 : vector<16xf32>
          %get3A_288 = arith.index_cast %scan3A_281 : i32 to index
          %get3A_289 = arith.constant 0 : index
          %get3A_290 = tpu.vector_load %arg16[%get3A_288, %get3A_289] {strides = array<i32>} : memref<128x16xf32, #tpu.memory_space<vmem>>, vector<16xf32>,
          %mul3A_291 = arith.mulf %add3A_287, %get3A_290 : vector<16xf32>
          %get3A_292 = arith.index_cast %scan3A_281 : i32 to index
          %get3A_293 = arith.constant 0 : index
          %get3A_294 = tpu.vector_load %arg17[%get3A_292, %get3A_293] {strides = array<i32>} : memref<128x16xf32, #tpu.memory_space<vmem>>, vector<16xf32>,
          %add3A_295 = arith.addf %mul3A_291, %get3A_294 : vector<16xf32>
          tpu.vector_store_idx %arg12[%add3A_61, %broadcast_in_dim3A_282], %add3A_295 : memref<128x128xf32, #tpu.memory_space<vmem>>[vector<16xi32>, vector<16xi32>], vector<16xf32>,
          %scan3A_296 = arith.constant 11 : i32
          %scan3A_297 = arith.addi %scan3A_121, %scan3A_296 : i32
          %broadcast_in_dim3A_298 = vector.broadcast %scan3A_297 : i32 to vector<16xi32>
          %get3A_299 = arith.index_cast %scan3A_297 : i32 to index
          %get3A_300 = arith.constant 0 : index
          %get3A_301 = tpu.vector_load %arg13[%get3A_299, %get3A_300] {strides = array<i32>} : memref<128x16xf32, #tpu.memory_space<vmem>>, vector<16xf32>,
          %mul3A_302 = arith.mulf %get3A_301, %mul3A_111 : vector<16xf32>
          %add3A_303 = arith.addf %mul3A_302, %mul3A_114 : vector<16xf32>
          %get3A_304 = arith.index_cast %scan3A_297 : i32 to index
          %get3A_305 = arith.constant 0 : index
          %get3A_306 = tpu.vector_load %arg16[%get3A_304, %get3A_305] {strides = array<i32>} : memref<128x16xf32, #tpu.memory_space<vmem>>, vector<16xf32>,
          %mul3A_307 = arith.mulf %add3A_303, %get3A_306 : vector<16xf32>
          %get3A_308 = arith.index_cast %scan3A_297 : i32 to index
          %get3A_309 = arith.constant 0 : index
          %get3A_310 = tpu.vector_load %arg17[%get3A_308, %get3A_309] {strides = array<i32>} : memref<128x16xf32, #tpu.memory_space<vmem>>, vector<16xf32>,
          %add3A_311 = arith.addf %mul3A_307, %get3A_310 : vector<16xf32>
          tpu.vector_store_idx %arg12[%add3A_61, %broadcast_in_dim3A_298], %add3A_311 : memref<128x128xf32, #tpu.memory_space<vmem>>[vector<16xi32>, vector<16xi32>], vector<16xf32>,
          %scan3A_312 = arith.constant 12 : i32
          %scan3A_313 = arith.addi %scan3A_121, %scan3A_312 : i32
          %broadcast_in_dim3A_314 = vector.broadcast %scan3A_313 : i32 to vector<16xi32>
          %get3A_315 = arith.index_cast %scan3A_313 : i32 to index
          %get3A_316 = arith.constant 0 : index
          %get3A_317 = tpu.vector_load %arg13[%get3A_315, %get3A_316] {strides = array<i32>} : memref<128x16xf32, #tpu.memory_space<vmem>>, vector<16xf32>,
          %mul3A_318 = arith.mulf %get3A_317, %mul3A_111 : vector<16xf32>
          %add3A_319 = arith.addf %mul3A_318, %mul3A_114 : vector<16xf32>
          %get3A_320 = arith.index_cast %scan3A_313 : i32 to index
          %get3A_321 = arith.constant 0 : index
          %get3A_322 = tpu.vector_load %arg16[%get3A_320, %get3A_321] {strides = array<i32>} : memref<128x16xf32, #tpu.memory_space<vmem>>, vector<16xf32>,
          %mul3A_323 = arith.mulf %add3A_319, %get3A_322 : vector<16xf32>
          %get3A_324 = arith.index_cast %scan3A_313 : i32 to index
          %get3A_325 = arith.constant 0 : index
          %get3A_326 = tpu.vector_load %arg17[%get3A_324, %get3A_325] {strides = array<i32>} : memref<128x16xf32, #tpu.memory_space<vmem>>, vector<16xf32>,
          %add3A_327 = arith.addf %mul3A_323, %get3A_326 : vector<16xf32>
          tpu.vector_store_idx %arg12[%add3A_61, %broadcast_in_dim3A_314], %add3A_327 : memref<128x128xf32, #tpu.memory_space<vmem>>[vector<16xi32>, vector<16xi32>], vector<16xf32>,
          %scan3A_328 = arith.constant 13 : i32
          %scan3A_329 = arith.addi %scan3A_121, %scan3A_328 : i32
          %broadcast_in_dim3A_330 = vector.broadcast %scan3A_329 : i32 to vector<16xi32>
          %get3A_331 = arith.index_cast %scan3A_329 : i32 to index
          %get3A_332 = arith.constant 0 : index
          %get3A_333 = tpu.vector_load %arg13[%get3A_331, %get3A_332] {strides = array<i32>} : memref<128x16xf32, #tpu.memory_space<vmem>>, vector<16xf32>,
          %mul3A_334 = arith.mulf %get3A_333, %mul3A_111 : vector<16xf32>
          %add3A_335 = arith.addf %mul3A_334, %mul3A_114 : vector<16xf32>
          %get3A_336 = arith.index_cast %scan3A_329 : i32 to index
          %get3A_337 = arith.constant 0 : index
          %get3A_338 = tpu.vector_load %arg16[%get3A_336, %get3A_337] {strides = array<i32>} : memref<128x16xf32, #tpu.memory_space<vmem>>, vector<16xf32>,
          %mul3A_339 = arith.mulf %add3A_335, %get3A_338 : vector<16xf32>
          %get3A_340 = arith.index_cast %scan3A_329 : i32 to index
          %get3A_341 = arith.constant 0 : index
          %get3A_342 = tpu.vector_load %arg17[%get3A_340, %get3A_341] {strides = array<i32>} : memref<128x16xf32, #tpu.memory_space<vmem>>, vector<16xf32>,
          %add3A_343 = arith.addf %mul3A_339, %get3A_342 : vector<16xf32>
          tpu.vector_store_idx %arg12[%add3A_61, %broadcast_in_dim3A_330], %add3A_343 : memref<128x128xf32, #tpu.memory_space<vmem>>[vector<16xi32>, vector<16xi32>], vector<16xf32>,
          %scan3A_344 = arith.constant 14 : i32
          %scan3A_345 = arith.addi %scan3A_121, %scan3A_344 : i32
          %broadcast_in_dim3A_346 = vector.broadcast %scan3A_345 : i32 to vector<16xi32>
          %get3A_347 = arith.index_cast %scan3A_345 : i32 to index
          %get3A_348 = arith.constant 0 : index
          %get3A_349 = tpu.vector_load %arg13[%get3A_347, %get3A_348] {strides = array<i32>} : memref<128x16xf32, #tpu.memory_space<vmem>>, vector<16xf32>,
          %mul3A_350 = arith.mulf %get3A_349, %mul3A_111 : vector<16xf32>
          %add3A_351 = arith.addf %mul3A_350, %mul3A_114 : vector<16xf32>
          %get3A_352 = arith.index_cast %scan3A_345 : i32 to index
          %get3A_353 = arith.constant 0 : index
          %get3A_354 = tpu.vector_load %arg16[%get3A_352, %get3A_353] {strides = array<i32>} : memref<128x16xf32, #tpu.memory_space<vmem>>, vector<16xf32>,
          %mul3A_355 = arith.mulf %add3A_351, %get3A_354 : vector<16xf32>
          %get3A_356 = arith.index_cast %scan3A_345 : i32 to index
          %get3A_357 = arith.constant 0 : index
          %get3A_358 = tpu.vector_load %arg17[%get3A_356, %get3A_357] {strides = array<i32>} : memref<128x16xf32, #tpu.memory_space<vmem>>, vector<16xf32>,
          %add3A_359 = arith.addf %mul3A_355, %get3A_358 : vector<16xf32>
          tpu.vector_store_idx %arg12[%add3A_61, %broadcast_in_dim3A_346], %add3A_359 : memref<128x128xf32, #tpu.memory_space<vmem>>[vector<16xi32>, vector<16xi32>], vector<16xf32>,
          %scan3A_360 = arith.constant 15 : i32
          %scan3A_361 = arith.addi %scan3A_121, %scan3A_360 : i32
          %broadcast_in_dim3A_362 = vector.broadcast %scan3A_361 : i32 to vector<16xi32>
          %get3A_363 = arith.index_cast %scan3A_361 : i32 to index
          %get3A_364 = arith.constant 0 : index
          %get3A_365 = tpu.vector_load %arg13[%get3A_363, %get3A_364] {strides = array<i32>} : memref<128x16xf32, #tpu.memory_space<vmem>>, vector<16xf32>,
          %mul3A_366 = arith.mulf %get3A_365, %mul3A_111 : vector<16xf32>
          %add3A_367 = arith.addf %mul3A_366, %mul3A_114 : vector<16xf32>
          %get3A_368 = arith.index_cast %scan3A_361 : i32 to index
          %get3A_369 = arith.constant 0 : index
          %get3A_370 = tpu.vector_load %arg16[%get3A_368, %get3A_369] {strides = array<i32>} : memref<128x16xf32, #tpu.memory_space<vmem>>, vector<16xf32>,
          %mul3A_371 = arith.mulf %add3A_367, %get3A_370 : vector<16xf32>
          %get3A_372 = arith.index_cast %scan3A_361 : i32 to index
          %get3A_373 = arith.constant 0 : index
          %get3A_374 = tpu.vector_load %arg17[%get3A_372, %get3A_373] {strides = array<i32>} : memref<128x16xf32, #tpu.memory_space<vmem>>, vector<16xf32>,
          %add3A_375 = arith.addf %mul3A_371, %get3A_374 : vector<16xf32>
          tpu.vector_store_idx %arg12[%add3A_61, %broadcast_in_dim3A_362], %add3A_375 : memref<128x128xf32, #tpu.memory_space<vmem>>[vector<16xi32>, vector<16xi32>], vector<16xf32>,
        }
        %scan3A_120 = arith.constant 128 : i32
      }
      %scan3A_55 = arith.constant 8 : i32
      "tpu.region"() ({
        %run_scoped3A = tpu.sem_alloc : memref<!tpu.dma_semaphore, #tpu.memory_space<semaphore_mem>>
        %dma_start3A_56 = arith.constant 0 : i32
        %dma_start3A_57 = tpu.memref_slice %arg9[%add3A_41, %dma_start3A_56] : memref<262144x128xf32, #tpu.memory_space<hbm>> -> memref<128x128xf32, #tpu.memory_space<hbm>>
        %dma_start3A_58 = arith.constant 0 : i32
        %dma_start3A_59 = tpu.memref_slice %arg9[%add3A_41, %dma_start3A_58] : memref<262144x128xf32, #tpu.memory_space<hbm>> -> memref<128x128xf32, #tpu.memory_space<hbm>>
        tpu.enqueue_dma source(%arg12 : memref<128x128xf32, #tpu.memory_space<vmem>>) target(%dma_start3A_59 : memref<128x128xf32, #tpu.memory_space<hbm>>) target_semaphore(%run_scoped3A : memref<!tpu.dma_semaphore, #tpu.memory_space<semaphore_mem>>)
        %dma_wait3A_60 = arith.constant 0 : i32
        %dma_wait3A_61 = tpu.memref_slice %arg9[%add3A_41, %dma_wait3A_60] : memref<262144x128xf32, #tpu.memory_space<hbm>> -> memref<128x128xf32, #tpu.memory_space<hbm>>
        %dma_wait3A_62 = arith.constant 0 : i32
        %dma_wait3A_63 = tpu.memref_slice %arg9[%add3A_41, %dma_wait3A_62] : memref<262144x128xf32, #tpu.memory_space<hbm>> -> memref<128x128xf32, #tpu.memory_space<hbm>>
        tpu.wait_dma2 semaphore(%run_scoped3A : memref<!tpu.dma_semaphore, #tpu.memory_space<semaphore_mem>>) src(%arg12 : memref<128x128xf32, #tpu.memory_space<vmem>>) dst(%dma_wait3A_63 : memref<128x128xf32, #tpu.memory_space<hbm>>)
        tpu.yield
      }) : () -> ()
    }
    %scan3A_8 = arith.constant 32 : i32
    "tpu.region"() ({
      %run_scoped3A = tpu.sem_alloc : memref<!tpu.dma_semaphore, #tpu.memory_space<semaphore_mem>>
      %dma_start3A = arith.constant 0 : i32
      %dma_start3A_15 = arith.constant 256 : i32
      %dma_start3A_16 = tpu.memref_slice %arg5[%dma_start3A, %dma_start3A_15] : memref<128x512xf32, #tpu.memory_space<hbm>> -> memref<128x256xf32, #tpu.memory_space<hbm>>
      %dma_start3A_17 = arith.constant 0 : i32
      %dma_start3A_18 = arith.constant 256 : i32
      %dma_start3A_19 = tpu.memref_slice %arg5[%dma_start3A_17, %dma_start3A_18] : memref<128x512xf32, #tpu.memory_space<hbm>> -> memref<128x256xf32, #tpu.memory_space<hbm>>
      tpu.enqueue_dma source(%dma_start3A_19 : memref<128x256xf32, #tpu.memory_space<hbm>>) target(%arg14 : memref<128x256xf32, #tpu.memory_space<vmem>>) target_semaphore(%run_scoped3A : memref<!tpu.dma_semaphore, #tpu.memory_space<semaphore_mem>>)
      %dma_wait3A = arith.constant 0 : i32
      %dma_wait3A_20 = arith.constant 256 : i32
      %dma_wait3A_21 = tpu.memref_slice %arg5[%dma_wait3A, %dma_wait3A_20] : memref<128x512xf32, #tpu.memory_space<hbm>> -> memref<128x256xf32, #tpu.memory_space<hbm>>
      %dma_wait3A_22 = arith.constant 0 : i32
      %dma_wait3A_23 = arith.constant 256 : i32
      %dma_wait3A_24 = tpu.memref_slice %arg5[%dma_wait3A_22, %dma_wait3A_23] : memref<128x512xf32, #tpu.memory_space<hbm>> -> memref<128x256xf32, #tpu.memory_space<hbm>>
      tpu.wait_dma2 semaphore(%run_scoped3A : memref<!tpu.dma_semaphore, #tpu.memory_space<semaphore_mem>>) src(%dma_wait3A_24 : memref<128x256xf32, #tpu.memory_space<hbm>>) dst(%arg14 : memref<128x256xf32, #tpu.memory_space<vmem>>)
      tpu.yield
    }) : () -> ()
    %scan3A_9 = arith.constant 0 : i32
    %scan3A_10 = arith.constant 0 : i32
    %scan3A_11 = arith.constant 32 : i32
    %scan3A_12 = arith.addi %scan3A_10, %scan3A_11 : i32
    %scan3A_13 = arith.constant 1 : i32
    scf.for %scan3A_15 = %scan3A_10 to %scan3A_12 step %scan3A_13  : i32 {
      %jit3A = arith.constant 2 : i32
      %div3A = arith.divsi %scan3A_15, %jit3A : i32
      %sign3A = arith.constant 0 : i32
      %sign3A_16 = arith.cmpi sgt, %scan3A_15, %sign3A : i32
      %sign3A_17 = arith.extui %sign3A_16 : i1 to i32
      %sign3A_18 = arith.constant 0 : i32
      %sign3A_19 = arith.cmpi slt, %scan3A_15, %sign3A_18 : i32
      %sign3A_20 = arith.extui %sign3A_19 : i1 to i32
      %sign3A_21 = arith.subi %sign3A_17, %sign3A_20 : i32
      %sign3A_22 = arith.constant 0 : i32
      %sign3A_23 = arith.cmpi sgt, %jit3A, %sign3A_22 : i32
      %sign3A_24 = arith.extui %sign3A_23 : i1 to i32
      %sign3A_25 = arith.constant 0 : i32
      %sign3A_26 = arith.cmpi slt, %jit3A, %sign3A_25 : i32
      %sign3A_27 = arith.extui %sign3A_26 : i1 to i32
      %sign3A_28 = arith.subi %sign3A_24, %sign3A_27 : i32
      %ne3A = arith.cmpi ne, %sign3A_21, %sign3A_28 : i32
      %rem3A = arith.remsi %scan3A_15, %jit3A : i32
      %ne3A_29 = arith.constant 0 : i32
      %ne3A_30 = arith.cmpi ne, %rem3A, %ne3A_29 : i32
      %and3A = arith.andi %ne3A, %ne3A_30 : i1
      %sub3A = arith.constant 1 : i32
      %sub3A_31 = arith.subi %div3A, %sub3A : i32
      %select_n3A = arith.select %and3A, %sub3A_31, %div3A : i32
      %mul3A_32 = arith.constant 4 : i32
      %mul3A_33 = arith.muli %mul3A_32, %select_n3A : i32
      %add3A_34 = arith.constant 2 : i32
      %add3A_35 = arith.addi %mul3A_33, %add3A_34 : i32
      %rem3A_36 = arith.constant 2 : i32
      %rem3A_37 = arith.remsi %scan3A_15, %rem3A_36 : i32
      %add3A_38 = arith.addi %add3A_35, %rem3A_37 : i32
      %mul3A_39 = arith.constant 128 : i32
      %mul3A_40 = arith.muli %add3A_38, %mul3A_39 : i32
      %add3A_41 = arith.addi %mul3A_2, %mul3A_40 : i32
      %rem3A_42 = arith.constant 512 : i32
      %rem3A_43 = arith.remsi %add3A_41, %rem3A_42 : i32
      %sub3A_44 = arith.constant 256 : i32
      %sub3A_45 = arith.subi %rem3A_43, %sub3A_44 : i32
      "tpu.region"() ({
        %run_scoped3A = tpu.sem_alloc : memref<!tpu.dma_semaphore, #tpu.memory_space<semaphore_mem>>
        %dma_start3A_56 = tpu.memref_slice %arg2[%add3A_41] : memref<262144xi32, #tpu.memory_space<hbm>> -> memref<128xi32, #tpu.memory_space<hbm>>
        %dma_start3A_57 = tpu.memref_slice %arg2[%add3A_41] : memref<262144xi32, #tpu.memory_space<hbm>> -> memref<128xi32, #tpu.memory_space<hbm>>
        tpu.enqueue_dma source(%dma_start3A_57 : memref<128xi32, #tpu.memory_space<hbm>>) target(%arg10 : memref<128xi32, #tpu.memory_space<vmem>>) target_semaphore(%run_scoped3A : memref<!tpu.dma_semaphore, #tpu.memory_space<semaphore_mem>>)
        %dma_wait3A_58 = tpu.memref_slice %arg2[%add3A_41] : memref<262144xi32, #tpu.memory_space<hbm>> -> memref<128xi32, #tpu.memory_space<hbm>>
        %dma_wait3A_59 = tpu.memref_slice %arg2[%add3A_41] : memref<262144xi32, #tpu.memory_space<hbm>> -> memref<128xi32, #tpu.memory_space<hbm>>
        tpu.wait_dma2 semaphore(%run_scoped3A : memref<!tpu.dma_semaphore, #tpu.memory_space<semaphore_mem>>) src(%dma_wait3A_59 : memref<128xi32, #tpu.memory_space<hbm>>) dst(%arg10 : memref<128xi32, #tpu.memory_space<vmem>>)
        tpu.yield
      }) : () -> ()
      "tpu.region"() ({
        %run_scoped3A = tpu.sem_alloc : memref<!tpu.dma_semaphore, #tpu.memory_space<semaphore_mem>>
        %dma_start3A_56 = tpu.memref_slice %arg3[%add3A_41] : memref<262144xi32, #tpu.memory_space<hbm>> -> memref<128xi32, #tpu.memory_space<hbm>>
        %dma_start3A_57 = tpu.memref_slice %arg3[%add3A_41] : memref<262144xi32, #tpu.memory_space<hbm>> -> memref<128xi32, #tpu.memory_space<hbm>>
        tpu.enqueue_dma source(%dma_start3A_57 : memref<128xi32, #tpu.memory_space<hbm>>) target(%arg11 : memref<128xi32, #tpu.memory_space<vmem>>) target_semaphore(%run_scoped3A : memref<!tpu.dma_semaphore, #tpu.memory_space<semaphore_mem>>)
        %dma_wait3A_58 = tpu.memref_slice %arg3[%add3A_41] : memref<262144xi32, #tpu.memory_space<hbm>> -> memref<128xi32, #tpu.memory_space<hbm>>
        %dma_wait3A_59 = tpu.memref_slice %arg3[%add3A_41] : memref<262144xi32, #tpu.memory_space<hbm>> -> memref<128xi32, #tpu.memory_space<hbm>>
        tpu.wait_dma2 semaphore(%run_scoped3A : memref<!tpu.dma_semaphore, #tpu.memory_space<semaphore_mem>>) src(%dma_wait3A_59 : memref<128xi32, #tpu.memory_space<hbm>>) dst(%arg11 : memref<128xi32, #tpu.memory_space<vmem>>)
        tpu.yield
      }) : () -> ()
      %dma_start3A = arith.constant 0 : i32
      %dma_start3A_46 = arith.constant 0 : i32
      %dma_start3A_47 = tpu.memref_slice %arg4[%dma_start3A, %dma_start3A_46] : memref<100000x128xf32, #tpu.memory_space<hbm>> -> memref<100000x128xf32, #tpu.memory_space<hbm>>
      tpu.enqueue_indirect_dma source(%dma_start3A_47 : memref<100000x128xf32, #tpu.memory_space<hbm>>) target(%arg12 : memref<128x128xf32, #tpu.memory_space<vmem>>) offsets(%arg10 : memref<128xi32, #tpu.memory_space<vmem>>) semaphore(%arg18 : memref<!tpu.dma_semaphore, #tpu.memory_space<semaphore_mem>>)
      %dma_wait3A = arith.constant 0 : i32
      %dma_wait3A_48 = arith.constant 0 : i32
      %dma_wait3A_49 = tpu.memref_slice %arg4[%dma_wait3A, %dma_wait3A_48] : memref<100000x128xf32, #tpu.memory_space<hbm>> -> memref<100000x128xf32, #tpu.memory_space<hbm>>
      tpu.wait_indirect_dma semaphore(%arg18 : memref<!tpu.dma_semaphore, #tpu.memory_space<semaphore_mem>>) src(%dma_wait3A_49 : memref<100000x128xf32, #tpu.memory_space<hbm>>) dst(%arg12 : memref<128x128xf32, #tpu.memory_space<vmem>>)
      %scan3A_50 = arith.constant 0 : i32
      %scan3A_51 = arith.constant 0 : i32
      %scan3A_52 = arith.constant 8 : i32
      %scan3A_53 = arith.addi %scan3A_51, %scan3A_52 : i32
      %scan3A_54 = arith.constant 1 : i32
      scf.for %scan3A_56 = %scan3A_51 to %scan3A_53 step %scan3A_54  : i32 {
        %mul3A_57 = arith.constant 16 : i32
        %mul3A_58 = arith.muli %scan3A_56, %mul3A_57 : i32
        %get3A = arith.index_cast %mul3A_58 : i32 to index
        %get3A_59 = tpu.vector_load %arg11[%get3A] {strides = array<i32>} : memref<128xi32, #tpu.memory_space<vmem>>, vector<16xi32>,
        %convert_element_type3A = arith.sitofp %get3A_59 : vector<16xi32> to vector<16xf32>
        %add3A_60 = vector.broadcast %mul3A_58 : i32 to vector<16xi32>
        %add3A_61 = arith.addi %add3A_60, %iota3A : vector<16xi32>
        %scan3A_62 = arith.constant 0 : i32
        %scan3A_63 = arith.constant 128 : i32
        %scan3A_64 = arith.addi %scan3A_62, %scan3A_63 : i32
        %scan3A_65 = arith.constant 16 : i32
        %scan3A_66:2 = scf.for %scan3A_121 = %scan3A_62 to %scan3A_64 step %scan3A_65 iter_args(%scan3A_122 = %broadcast_in_dim3A_3, %scan3A_123 = %broadcast_in_dim3A_3) -> (vector<16xf32>, vector<16xf32>)  : i32 {
          %broadcast_in_dim3A_124 = vector.broadcast %scan3A_121 : i32 to vector<16xi32>
          %gather3A = tpu.vector_load_idx %arg12[%add3A_61, %broadcast_in_dim3A_124] : memref<128x128xf32, #tpu.memory_space<vmem>>[vector<16xi32>, vector<16xi32>], vector<16xf32>,
          %add3A_125 = arith.addi %sub3A_45, %mul3A_58 : i32
          %get3A_126 = arith.index_cast %scan3A_121 : i32 to index
          %get3A_127 = arith.index_cast %add3A_125 : i32 to index
          %get3A_128 = tpu.vector_load %arg14[%get3A_126, %get3A_127] {strides = array<i32>} : memref<128x256xf32, #tpu.memory_space<vmem>>, vector<16xf32>,
          %add3A_129 = arith.addf %gather3A, %get3A_128 : vector<16xf32>
          %get3A_130 = arith.index_cast %scan3A_121 : i32 to index
          %get3A_131 = arith.constant 0 : index
          %get3A_132 = tpu.vector_load %arg15[%get3A_130, %get3A_131] {strides = array<i32>} : memref<128x16xf32, #tpu.memory_space<vmem>>, vector<16xf32>,
          %mul3A_133 = arith.mulf %convert_element_type3A, %get3A_132 : vector<16xf32>
          %add3A_134 = arith.addf %add3A_129, %mul3A_133 : vector<16xf32>
          %swap3A = arith.index_cast %scan3A_121 : i32 to index
          %swap3A_135 = arith.constant 0 : index
          %swap3A_136 = tpu.vector_load %arg13[%swap3A, %swap3A_135] {strides = array<i32>} : memref<128x16xf32, #tpu.memory_space<vmem>>, vector<16xf32>,
          tpu.vector_store %arg13[%swap3A, %swap3A_135], %add3A_134 {strides = array<i32>} : memref<128x16xf32, #tpu.memory_space<vmem>>, vector<16xf32>,
          %add3A_137 = arith.addf %scan3A_122, %add3A_134 : vector<16xf32>
          %mul3A_138 = arith.mulf %add3A_134, %add3A_134 : vector<16xf32>
          %add3A_139 = arith.addf %scan3A_123, %mul3A_138 : vector<16xf32>
          %scan3A_140 = arith.constant 1 : i32
          %scan3A_141 = arith.addi %scan3A_121, %scan3A_140 : i32
          %broadcast_in_dim3A_142 = vector.broadcast %scan3A_141 : i32 to vector<16xi32>
          %gather3A_143 = tpu.vector_load_idx %arg12[%add3A_61, %broadcast_in_dim3A_142] : memref<128x128xf32, #tpu.memory_space<vmem>>[vector<16xi32>, vector<16xi32>], vector<16xf32>,
          %add3A_144 = arith.addi %sub3A_45, %mul3A_58 : i32
          %get3A_145 = arith.index_cast %scan3A_141 : i32 to index
          %get3A_146 = arith.index_cast %add3A_144 : i32 to index
          %get3A_147 = tpu.vector_load %arg14[%get3A_145, %get3A_146] {strides = array<i32>} : memref<128x256xf32, #tpu.memory_space<vmem>>, vector<16xf32>,
          %add3A_148 = arith.addf %gather3A_143, %get3A_147 : vector<16xf32>
          %get3A_149 = arith.index_cast %scan3A_141 : i32 to index
          %get3A_150 = arith.constant 0 : index
          %get3A_151 = tpu.vector_load %arg15[%get3A_149, %get3A_150] {strides = array<i32>} : memref<128x16xf32, #tpu.memory_space<vmem>>, vector<16xf32>,
          %mul3A_152 = arith.mulf %convert_element_type3A, %get3A_151 : vector<16xf32>
          %add3A_153 = arith.addf %add3A_148, %mul3A_152 : vector<16xf32>
          %swap3A_154 = arith.index_cast %scan3A_141 : i32 to index
          %swap3A_155 = arith.constant 0 : index
          %swap3A_156 = tpu.vector_load %arg13[%swap3A_154, %swap3A_155] {strides = array<i32>} : memref<128x16xf32, #tpu.memory_space<vmem>>, vector<16xf32>,
          tpu.vector_store %arg13[%swap3A_154, %swap3A_155], %add3A_153 {strides = array<i32>} : memref<128x16xf32, #tpu.memory_space<vmem>>, vector<16xf32>,
          %add3A_157 = arith.addf %add3A_137, %add3A_153 : vector<16xf32>
          %mul3A_158 = arith.mulf %add3A_153, %add3A_153 : vector<16xf32>
          %add3A_159 = arith.addf %add3A_139, %mul3A_158 : vector<16xf32>
          %scan3A_160 = arith.constant 2 : i32
          %scan3A_161 = arith.addi %scan3A_121, %scan3A_160 : i32
          %broadcast_in_dim3A_162 = vector.broadcast %scan3A_161 : i32 to vector<16xi32>
          %gather3A_163 = tpu.vector_load_idx %arg12[%add3A_61, %broadcast_in_dim3A_162] : memref<128x128xf32, #tpu.memory_space<vmem>>[vector<16xi32>, vector<16xi32>], vector<16xf32>,
          %add3A_164 = arith.addi %sub3A_45, %mul3A_58 : i32
          %get3A_165 = arith.index_cast %scan3A_161 : i32 to index
          %get3A_166 = arith.index_cast %add3A_164 : i32 to index
          %get3A_167 = tpu.vector_load %arg14[%get3A_165, %get3A_166] {strides = array<i32>} : memref<128x256xf32, #tpu.memory_space<vmem>>, vector<16xf32>,
          %add3A_168 = arith.addf %gather3A_163, %get3A_167 : vector<16xf32>
          %get3A_169 = arith.index_cast %scan3A_161 : i32 to index
          %get3A_170 = arith.constant 0 : index
          %get3A_171 = tpu.vector_load %arg15[%get3A_169, %get3A_170] {strides = array<i32>} : memref<128x16xf32, #tpu.memory_space<vmem>>, vector<16xf32>,
          %mul3A_172 = arith.mulf %convert_element_type3A, %get3A_171 : vector<16xf32>
          %add3A_173 = arith.addf %add3A_168, %mul3A_172 : vector<16xf32>
          %swap3A_174 = arith.index_cast %scan3A_161 : i32 to index
          %swap3A_175 = arith.constant 0 : index
          %swap3A_176 = tpu.vector_load %arg13[%swap3A_174, %swap3A_175] {strides = array<i32>} : memref<128x16xf32, #tpu.memory_space<vmem>>, vector<16xf32>,
          tpu.vector_store %arg13[%swap3A_174, %swap3A_175], %add3A_173 {strides = array<i32>} : memref<128x16xf32, #tpu.memory_space<vmem>>, vector<16xf32>,
          %add3A_177 = arith.addf %add3A_157, %add3A_173 : vector<16xf32>
          %mul3A_178 = arith.mulf %add3A_173, %add3A_173 : vector<16xf32>
          %add3A_179 = arith.addf %add3A_159, %mul3A_178 : vector<16xf32>
          %scan3A_180 = arith.constant 3 : i32
          %scan3A_181 = arith.addi %scan3A_121, %scan3A_180 : i32
          %broadcast_in_dim3A_182 = vector.broadcast %scan3A_181 : i32 to vector<16xi32>
          %gather3A_183 = tpu.vector_load_idx %arg12[%add3A_61, %broadcast_in_dim3A_182] : memref<128x128xf32, #tpu.memory_space<vmem>>[vector<16xi32>, vector<16xi32>], vector<16xf32>,
          %add3A_184 = arith.addi %sub3A_45, %mul3A_58 : i32
          %get3A_185 = arith.index_cast %scan3A_181 : i32 to index
          %get3A_186 = arith.index_cast %add3A_184 : i32 to index
          %get3A_187 = tpu.vector_load %arg14[%get3A_185, %get3A_186] {strides = array<i32>} : memref<128x256xf32, #tpu.memory_space<vmem>>, vector<16xf32>,
          %add3A_188 = arith.addf %gather3A_183, %get3A_187 : vector<16xf32>
          %get3A_189 = arith.index_cast %scan3A_181 : i32 to index
          %get3A_190 = arith.constant 0 : index
          %get3A_191 = tpu.vector_load %arg15[%get3A_189, %get3A_190] {strides = array<i32>} : memref<128x16xf32, #tpu.memory_space<vmem>>, vector<16xf32>,
          %mul3A_192 = arith.mulf %convert_element_type3A, %get3A_191 : vector<16xf32>
          %add3A_193 = arith.addf %add3A_188, %mul3A_192 : vector<16xf32>
          %swap3A_194 = arith.index_cast %scan3A_181 : i32 to index
          %swap3A_195 = arith.constant 0 : index
          %swap3A_196 = tpu.vector_load %arg13[%swap3A_194, %swap3A_195] {strides = array<i32>} : memref<128x16xf32, #tpu.memory_space<vmem>>, vector<16xf32>,
          tpu.vector_store %arg13[%swap3A_194, %swap3A_195], %add3A_193 {strides = array<i32>} : memref<128x16xf32, #tpu.memory_space<vmem>>, vector<16xf32>,
          %add3A_197 = arith.addf %add3A_177, %add3A_193 : vector<16xf32>
          %mul3A_198 = arith.mulf %add3A_193, %add3A_193 : vector<16xf32>
          %add3A_199 = arith.addf %add3A_179, %mul3A_198 : vector<16xf32>
          %scan3A_200 = arith.constant 4 : i32
          %scan3A_201 = arith.addi %scan3A_121, %scan3A_200 : i32
          %broadcast_in_dim3A_202 = vector.broadcast %scan3A_201 : i32 to vector<16xi32>
          %gather3A_203 = tpu.vector_load_idx %arg12[%add3A_61, %broadcast_in_dim3A_202] : memref<128x128xf32, #tpu.memory_space<vmem>>[vector<16xi32>, vector<16xi32>], vector<16xf32>,
          %add3A_204 = arith.addi %sub3A_45, %mul3A_58 : i32
          %get3A_205 = arith.index_cast %scan3A_201 : i32 to index
          %get3A_206 = arith.index_cast %add3A_204 : i32 to index
          %get3A_207 = tpu.vector_load %arg14[%get3A_205, %get3A_206] {strides = array<i32>} : memref<128x256xf32, #tpu.memory_space<vmem>>, vector<16xf32>,
          %add3A_208 = arith.addf %gather3A_203, %get3A_207 : vector<16xf32>
          %get3A_209 = arith.index_cast %scan3A_201 : i32 to index
          %get3A_210 = arith.constant 0 : index
          %get3A_211 = tpu.vector_load %arg15[%get3A_209, %get3A_210] {strides = array<i32>} : memref<128x16xf32, #tpu.memory_space<vmem>>, vector<16xf32>,
          %mul3A_212 = arith.mulf %convert_element_type3A, %get3A_211 : vector<16xf32>
          %add3A_213 = arith.addf %add3A_208, %mul3A_212 : vector<16xf32>
          %swap3A_214 = arith.index_cast %scan3A_201 : i32 to index
          %swap3A_215 = arith.constant 0 : index
          %swap3A_216 = tpu.vector_load %arg13[%swap3A_214, %swap3A_215] {strides = array<i32>} : memref<128x16xf32, #tpu.memory_space<vmem>>, vector<16xf32>,
          tpu.vector_store %arg13[%swap3A_214, %swap3A_215], %add3A_213 {strides = array<i32>} : memref<128x16xf32, #tpu.memory_space<vmem>>, vector<16xf32>,
          %add3A_217 = arith.addf %add3A_197, %add3A_213 : vector<16xf32>
          %mul3A_218 = arith.mulf %add3A_213, %add3A_213 : vector<16xf32>
          %add3A_219 = arith.addf %add3A_199, %mul3A_218 : vector<16xf32>
          %scan3A_220 = arith.constant 5 : i32
          %scan3A_221 = arith.addi %scan3A_121, %scan3A_220 : i32
          %broadcast_in_dim3A_222 = vector.broadcast %scan3A_221 : i32 to vector<16xi32>
          %gather3A_223 = tpu.vector_load_idx %arg12[%add3A_61, %broadcast_in_dim3A_222] : memref<128x128xf32, #tpu.memory_space<vmem>>[vector<16xi32>, vector<16xi32>], vector<16xf32>,
          %add3A_224 = arith.addi %sub3A_45, %mul3A_58 : i32
          %get3A_225 = arith.index_cast %scan3A_221 : i32 to index
          %get3A_226 = arith.index_cast %add3A_224 : i32 to index
          %get3A_227 = tpu.vector_load %arg14[%get3A_225, %get3A_226] {strides = array<i32>} : memref<128x256xf32, #tpu.memory_space<vmem>>, vector<16xf32>,
          %add3A_228 = arith.addf %gather3A_223, %get3A_227 : vector<16xf32>
          %get3A_229 = arith.index_cast %scan3A_221 : i32 to index
          %get3A_230 = arith.constant 0 : index
          %get3A_231 = tpu.vector_load %arg15[%get3A_229, %get3A_230] {strides = array<i32>} : memref<128x16xf32, #tpu.memory_space<vmem>>, vector<16xf32>,
          %mul3A_232 = arith.mulf %convert_element_type3A, %get3A_231 : vector<16xf32>
          %add3A_233 = arith.addf %add3A_228, %mul3A_232 : vector<16xf32>
          %swap3A_234 = arith.index_cast %scan3A_221 : i32 to index
          %swap3A_235 = arith.constant 0 : index
          %swap3A_236 = tpu.vector_load %arg13[%swap3A_234, %swap3A_235] {strides = array<i32>} : memref<128x16xf32, #tpu.memory_space<vmem>>, vector<16xf32>,
          tpu.vector_store %arg13[%swap3A_234, %swap3A_235], %add3A_233 {strides = array<i32>} : memref<128x16xf32, #tpu.memory_space<vmem>>, vector<16xf32>,
          %add3A_237 = arith.addf %add3A_217, %add3A_233 : vector<16xf32>
          %mul3A_238 = arith.mulf %add3A_233, %add3A_233 : vector<16xf32>
          %add3A_239 = arith.addf %add3A_219, %mul3A_238 : vector<16xf32>
          %scan3A_240 = arith.constant 6 : i32
          %scan3A_241 = arith.addi %scan3A_121, %scan3A_240 : i32
          %broadcast_in_dim3A_242 = vector.broadcast %scan3A_241 : i32 to vector<16xi32>
          %gather3A_243 = tpu.vector_load_idx %arg12[%add3A_61, %broadcast_in_dim3A_242] : memref<128x128xf32, #tpu.memory_space<vmem>>[vector<16xi32>, vector<16xi32>], vector<16xf32>,
          %add3A_244 = arith.addi %sub3A_45, %mul3A_58 : i32
          %get3A_245 = arith.index_cast %scan3A_241 : i32 to index
          %get3A_246 = arith.index_cast %add3A_244 : i32 to index
          %get3A_247 = tpu.vector_load %arg14[%get3A_245, %get3A_246] {strides = array<i32>} : memref<128x256xf32, #tpu.memory_space<vmem>>, vector<16xf32>,
          %add3A_248 = arith.addf %gather3A_243, %get3A_247 : vector<16xf32>
          %get3A_249 = arith.index_cast %scan3A_241 : i32 to index
          %get3A_250 = arith.constant 0 : index
          %get3A_251 = tpu.vector_load %arg15[%get3A_249, %get3A_250] {strides = array<i32>} : memref<128x16xf32, #tpu.memory_space<vmem>>, vector<16xf32>,
          %mul3A_252 = arith.mulf %convert_element_type3A, %get3A_251 : vector<16xf32>
          %add3A_253 = arith.addf %add3A_248, %mul3A_252 : vector<16xf32>
          %swap3A_254 = arith.index_cast %scan3A_241 : i32 to index
          %swap3A_255 = arith.constant 0 : index
          %swap3A_256 = tpu.vector_load %arg13[%swap3A_254, %swap3A_255] {strides = array<i32>} : memref<128x16xf32, #tpu.memory_space<vmem>>, vector<16xf32>,
          tpu.vector_store %arg13[%swap3A_254, %swap3A_255], %add3A_253 {strides = array<i32>} : memref<128x16xf32, #tpu.memory_space<vmem>>, vector<16xf32>,
          %add3A_257 = arith.addf %add3A_237, %add3A_253 : vector<16xf32>
          %mul3A_258 = arith.mulf %add3A_253, %add3A_253 : vector<16xf32>
          %add3A_259 = arith.addf %add3A_239, %mul3A_258 : vector<16xf32>
          %scan3A_260 = arith.constant 7 : i32
          %scan3A_261 = arith.addi %scan3A_121, %scan3A_260 : i32
          %broadcast_in_dim3A_262 = vector.broadcast %scan3A_261 : i32 to vector<16xi32>
          %gather3A_263 = tpu.vector_load_idx %arg12[%add3A_61, %broadcast_in_dim3A_262] : memref<128x128xf32, #tpu.memory_space<vmem>>[vector<16xi32>, vector<16xi32>], vector<16xf32>,
          %add3A_264 = arith.addi %sub3A_45, %mul3A_58 : i32
          %get3A_265 = arith.index_cast %scan3A_261 : i32 to index
          %get3A_266 = arith.index_cast %add3A_264 : i32 to index
          %get3A_267 = tpu.vector_load %arg14[%get3A_265, %get3A_266] {strides = array<i32>} : memref<128x256xf32, #tpu.memory_space<vmem>>, vector<16xf32>,
          %add3A_268 = arith.addf %gather3A_263, %get3A_267 : vector<16xf32>
          %get3A_269 = arith.index_cast %scan3A_261 : i32 to index
          %get3A_270 = arith.constant 0 : index
          %get3A_271 = tpu.vector_load %arg15[%get3A_269, %get3A_270] {strides = array<i32>} : memref<128x16xf32, #tpu.memory_space<vmem>>, vector<16xf32>,
          %mul3A_272 = arith.mulf %convert_element_type3A, %get3A_271 : vector<16xf32>
          %add3A_273 = arith.addf %add3A_268, %mul3A_272 : vector<16xf32>
          %swap3A_274 = arith.index_cast %scan3A_261 : i32 to index
          %swap3A_275 = arith.constant 0 : index
          %swap3A_276 = tpu.vector_load %arg13[%swap3A_274, %swap3A_275] {strides = array<i32>} : memref<128x16xf32, #tpu.memory_space<vmem>>, vector<16xf32>,
          tpu.vector_store %arg13[%swap3A_274, %swap3A_275], %add3A_273 {strides = array<i32>} : memref<128x16xf32, #tpu.memory_space<vmem>>, vector<16xf32>,
          %add3A_277 = arith.addf %add3A_257, %add3A_273 : vector<16xf32>
          %mul3A_278 = arith.mulf %add3A_273, %add3A_273 : vector<16xf32>
          %add3A_279 = arith.addf %add3A_259, %mul3A_278 : vector<16xf32>
          %scan3A_280 = arith.constant 8 : i32
          %scan3A_281 = arith.addi %scan3A_121, %scan3A_280 : i32
          %broadcast_in_dim3A_282 = vector.broadcast %scan3A_281 : i32 to vector<16xi32>
          %gather3A_283 = tpu.vector_load_idx %arg12[%add3A_61, %broadcast_in_dim3A_282] : memref<128x128xf32, #tpu.memory_space<vmem>>[vector<16xi32>, vector<16xi32>], vector<16xf32>,
          %add3A_284 = arith.addi %sub3A_45, %mul3A_58 : i32
          %get3A_285 = arith.index_cast %scan3A_281 : i32 to index
          %get3A_286 = arith.index_cast %add3A_284 : i32 to index
          %get3A_287 = tpu.vector_load %arg14[%get3A_285, %get3A_286] {strides = array<i32>} : memref<128x256xf32, #tpu.memory_space<vmem>>, vector<16xf32>,
          %add3A_288 = arith.addf %gather3A_283, %get3A_287 : vector<16xf32>
          %get3A_289 = arith.index_cast %scan3A_281 : i32 to index
          %get3A_290 = arith.constant 0 : index
          %get3A_291 = tpu.vector_load %arg15[%get3A_289, %get3A_290] {strides = array<i32>} : memref<128x16xf32, #tpu.memory_space<vmem>>, vector<16xf32>,
          %mul3A_292 = arith.mulf %convert_element_type3A, %get3A_291 : vector<16xf32>
          %add3A_293 = arith.addf %add3A_288, %mul3A_292 : vector<16xf32>
          %swap3A_294 = arith.index_cast %scan3A_281 : i32 to index
          %swap3A_295 = arith.constant 0 : index
          %swap3A_296 = tpu.vector_load %arg13[%swap3A_294, %swap3A_295] {strides = array<i32>} : memref<128x16xf32, #tpu.memory_space<vmem>>, vector<16xf32>,
          tpu.vector_store %arg13[%swap3A_294, %swap3A_295], %add3A_293 {strides = array<i32>} : memref<128x16xf32, #tpu.memory_space<vmem>>, vector<16xf32>,
          %add3A_297 = arith.addf %add3A_277, %add3A_293 : vector<16xf32>
          %mul3A_298 = arith.mulf %add3A_293, %add3A_293 : vector<16xf32>
          %add3A_299 = arith.addf %add3A_279, %mul3A_298 : vector<16xf32>
          %scan3A_300 = arith.constant 9 : i32
          %scan3A_301 = arith.addi %scan3A_121, %scan3A_300 : i32
          %broadcast_in_dim3A_302 = vector.broadcast %scan3A_301 : i32 to vector<16xi32>
          %gather3A_303 = tpu.vector_load_idx %arg12[%add3A_61, %broadcast_in_dim3A_302] : memref<128x128xf32, #tpu.memory_space<vmem>>[vector<16xi32>, vector<16xi32>], vector<16xf32>,
          %add3A_304 = arith.addi %sub3A_45, %mul3A_58 : i32
          %get3A_305 = arith.index_cast %scan3A_301 : i32 to index
          %get3A_306 = arith.index_cast %add3A_304 : i32 to index
          %get3A_307 = tpu.vector_load %arg14[%get3A_305, %get3A_306] {strides = array<i32>} : memref<128x256xf32, #tpu.memory_space<vmem>>, vector<16xf32>,
          %add3A_308 = arith.addf %gather3A_303, %get3A_307 : vector<16xf32>
          %get3A_309 = arith.index_cast %scan3A_301 : i32 to index
          %get3A_310 = arith.constant 0 : index
          %get3A_311 = tpu.vector_load %arg15[%get3A_309, %get3A_310] {strides = array<i32>} : memref<128x16xf32, #tpu.memory_space<vmem>>, vector<16xf32>,
          %mul3A_312 = arith.mulf %convert_element_type3A, %get3A_311 : vector<16xf32>
          %add3A_313 = arith.addf %add3A_308, %mul3A_312 : vector<16xf32>
          %swap3A_314 = arith.index_cast %scan3A_301 : i32 to index
          %swap3A_315 = arith.constant 0 : index
          %swap3A_316 = tpu.vector_load %arg13[%swap3A_314, %swap3A_315] {strides = array<i32>} : memref<128x16xf32, #tpu.memory_space<vmem>>, vector<16xf32>,
          tpu.vector_store %arg13[%swap3A_314, %swap3A_315], %add3A_313 {strides = array<i32>} : memref<128x16xf32, #tpu.memory_space<vmem>>, vector<16xf32>,
          %add3A_317 = arith.addf %add3A_297, %add3A_313 : vector<16xf32>
          %mul3A_318 = arith.mulf %add3A_313, %add3A_313 : vector<16xf32>
          %add3A_319 = arith.addf %add3A_299, %mul3A_318 : vector<16xf32>
          %scan3A_320 = arith.constant 10 : i32
          %scan3A_321 = arith.addi %scan3A_121, %scan3A_320 : i32
          %broadcast_in_dim3A_322 = vector.broadcast %scan3A_321 : i32 to vector<16xi32>
          %gather3A_323 = tpu.vector_load_idx %arg12[%add3A_61, %broadcast_in_dim3A_322] : memref<128x128xf32, #tpu.memory_space<vmem>>[vector<16xi32>, vector<16xi32>], vector<16xf32>,
          %add3A_324 = arith.addi %sub3A_45, %mul3A_58 : i32
          %get3A_325 = arith.index_cast %scan3A_321 : i32 to index
          %get3A_326 = arith.index_cast %add3A_324 : i32 to index
          %get3A_327 = tpu.vector_load %arg14[%get3A_325, %get3A_326] {strides = array<i32>} : memref<128x256xf32, #tpu.memory_space<vmem>>, vector<16xf32>,
          %add3A_328 = arith.addf %gather3A_323, %get3A_327 : vector<16xf32>
          %get3A_329 = arith.index_cast %scan3A_321 : i32 to index
          %get3A_330 = arith.constant 0 : index
          %get3A_331 = tpu.vector_load %arg15[%get3A_329, %get3A_330] {strides = array<i32>} : memref<128x16xf32, #tpu.memory_space<vmem>>, vector<16xf32>,
          %mul3A_332 = arith.mulf %convert_element_type3A, %get3A_331 : vector<16xf32>
          %add3A_333 = arith.addf %add3A_328, %mul3A_332 : vector<16xf32>
          %swap3A_334 = arith.index_cast %scan3A_321 : i32 to index
          %swap3A_335 = arith.constant 0 : index
          %swap3A_336 = tpu.vector_load %arg13[%swap3A_334, %swap3A_335] {strides = array<i32>} : memref<128x16xf32, #tpu.memory_space<vmem>>, vector<16xf32>,
          tpu.vector_store %arg13[%swap3A_334, %swap3A_335], %add3A_333 {strides = array<i32>} : memref<128x16xf32, #tpu.memory_space<vmem>>, vector<16xf32>,
          %add3A_337 = arith.addf %add3A_317, %add3A_333 : vector<16xf32>
          %mul3A_338 = arith.mulf %add3A_333, %add3A_333 : vector<16xf32>
          %add3A_339 = arith.addf %add3A_319, %mul3A_338 : vector<16xf32>
          %scan3A_340 = arith.constant 11 : i32
          %scan3A_341 = arith.addi %scan3A_121, %scan3A_340 : i32
          %broadcast_in_dim3A_342 = vector.broadcast %scan3A_341 : i32 to vector<16xi32>
          %gather3A_343 = tpu.vector_load_idx %arg12[%add3A_61, %broadcast_in_dim3A_342] : memref<128x128xf32, #tpu.memory_space<vmem>>[vector<16xi32>, vector<16xi32>], vector<16xf32>,
          %add3A_344 = arith.addi %sub3A_45, %mul3A_58 : i32
          %get3A_345 = arith.index_cast %scan3A_341 : i32 to index
          %get3A_346 = arith.index_cast %add3A_344 : i32 to index
          %get3A_347 = tpu.vector_load %arg14[%get3A_345, %get3A_346] {strides = array<i32>} : memref<128x256xf32, #tpu.memory_space<vmem>>, vector<16xf32>,
          %add3A_348 = arith.addf %gather3A_343, %get3A_347 : vector<16xf32>
          %get3A_349 = arith.index_cast %scan3A_341 : i32 to index
          %get3A_350 = arith.constant 0 : index
          %get3A_351 = tpu.vector_load %arg15[%get3A_349, %get3A_350] {strides = array<i32>} : memref<128x16xf32, #tpu.memory_space<vmem>>, vector<16xf32>,
          %mul3A_352 = arith.mulf %convert_element_type3A, %get3A_351 : vector<16xf32>
          %add3A_353 = arith.addf %add3A_348, %mul3A_352 : vector<16xf32>
          %swap3A_354 = arith.index_cast %scan3A_341 : i32 to index
          %swap3A_355 = arith.constant 0 : index
          %swap3A_356 = tpu.vector_load %arg13[%swap3A_354, %swap3A_355] {strides = array<i32>} : memref<128x16xf32, #tpu.memory_space<vmem>>, vector<16xf32>,
          tpu.vector_store %arg13[%swap3A_354, %swap3A_355], %add3A_353 {strides = array<i32>} : memref<128x16xf32, #tpu.memory_space<vmem>>, vector<16xf32>,
          %add3A_357 = arith.addf %add3A_337, %add3A_353 : vector<16xf32>
          %mul3A_358 = arith.mulf %add3A_353, %add3A_353 : vector<16xf32>
          %add3A_359 = arith.addf %add3A_339, %mul3A_358 : vector<16xf32>
          %scan3A_360 = arith.constant 12 : i32
          %scan3A_361 = arith.addi %scan3A_121, %scan3A_360 : i32
          %broadcast_in_dim3A_362 = vector.broadcast %scan3A_361 : i32 to vector<16xi32>
          %gather3A_363 = tpu.vector_load_idx %arg12[%add3A_61, %broadcast_in_dim3A_362] : memref<128x128xf32, #tpu.memory_space<vmem>>[vector<16xi32>, vector<16xi32>], vector<16xf32>,
          %add3A_364 = arith.addi %sub3A_45, %mul3A_58 : i32
          %get3A_365 = arith.index_cast %scan3A_361 : i32 to index
          %get3A_366 = arith.index_cast %add3A_364 : i32 to index
          %get3A_367 = tpu.vector_load %arg14[%get3A_365, %get3A_366] {strides = array<i32>} : memref<128x256xf32, #tpu.memory_space<vmem>>, vector<16xf32>,
          %add3A_368 = arith.addf %gather3A_363, %get3A_367 : vector<16xf32>
          %get3A_369 = arith.index_cast %scan3A_361 : i32 to index
          %get3A_370 = arith.constant 0 : index
          %get3A_371 = tpu.vector_load %arg15[%get3A_369, %get3A_370] {strides = array<i32>} : memref<128x16xf32, #tpu.memory_space<vmem>>, vector<16xf32>,
          %mul3A_372 = arith.mulf %convert_element_type3A, %get3A_371 : vector<16xf32>
          %add3A_373 = arith.addf %add3A_368, %mul3A_372 : vector<16xf32>
          %swap3A_374 = arith.index_cast %scan3A_361 : i32 to index
          %swap3A_375 = arith.constant 0 : index
          %swap3A_376 = tpu.vector_load %arg13[%swap3A_374, %swap3A_375] {strides = array<i32>} : memref<128x16xf32, #tpu.memory_space<vmem>>, vector<16xf32>,
          tpu.vector_store %arg13[%swap3A_374, %swap3A_375], %add3A_373 {strides = array<i32>} : memref<128x16xf32, #tpu.memory_space<vmem>>, vector<16xf32>,
          %add3A_377 = arith.addf %add3A_357, %add3A_373 : vector<16xf32>
          %mul3A_378 = arith.mulf %add3A_373, %add3A_373 : vector<16xf32>
          %add3A_379 = arith.addf %add3A_359, %mul3A_378 : vector<16xf32>
          %scan3A_380 = arith.constant 13 : i32
          %scan3A_381 = arith.addi %scan3A_121, %scan3A_380 : i32
          %broadcast_in_dim3A_382 = vector.broadcast %scan3A_381 : i32 to vector<16xi32>
          %gather3A_383 = tpu.vector_load_idx %arg12[%add3A_61, %broadcast_in_dim3A_382] : memref<128x128xf32, #tpu.memory_space<vmem>>[vector<16xi32>, vector<16xi32>], vector<16xf32>,
          %add3A_384 = arith.addi %sub3A_45, %mul3A_58 : i32
          %get3A_385 = arith.index_cast %scan3A_381 : i32 to index
          %get3A_386 = arith.index_cast %add3A_384 : i32 to index
          %get3A_387 = tpu.vector_load %arg14[%get3A_385, %get3A_386] {strides = array<i32>} : memref<128x256xf32, #tpu.memory_space<vmem>>, vector<16xf32>,
          %add3A_388 = arith.addf %gather3A_383, %get3A_387 : vector<16xf32>
          %get3A_389 = arith.index_cast %scan3A_381 : i32 to index
          %get3A_390 = arith.constant 0 : index
          %get3A_391 = tpu.vector_load %arg15[%get3A_389, %get3A_390] {strides = array<i32>} : memref<128x16xf32, #tpu.memory_space<vmem>>, vector<16xf32>,
          %mul3A_392 = arith.mulf %convert_element_type3A, %get3A_391 : vector<16xf32>
          %add3A_393 = arith.addf %add3A_388, %mul3A_392 : vector<16xf32>
          %swap3A_394 = arith.index_cast %scan3A_381 : i32 to index
          %swap3A_395 = arith.constant 0 : index
          %swap3A_396 = tpu.vector_load %arg13[%swap3A_394, %swap3A_395] {strides = array<i32>} : memref<128x16xf32, #tpu.memory_space<vmem>>, vector<16xf32>,
          tpu.vector_store %arg13[%swap3A_394, %swap3A_395], %add3A_393 {strides = array<i32>} : memref<128x16xf32, #tpu.memory_space<vmem>>, vector<16xf32>,
          %add3A_397 = arith.addf %add3A_377, %add3A_393 : vector<16xf32>
          %mul3A_398 = arith.mulf %add3A_393, %add3A_393 : vector<16xf32>
          %add3A_399 = arith.addf %add3A_379, %mul3A_398 : vector<16xf32>
          %scan3A_400 = arith.constant 14 : i32
          %scan3A_401 = arith.addi %scan3A_121, %scan3A_400 : i32
          %broadcast_in_dim3A_402 = vector.broadcast %scan3A_401 : i32 to vector<16xi32>
          %gather3A_403 = tpu.vector_load_idx %arg12[%add3A_61, %broadcast_in_dim3A_402] : memref<128x128xf32, #tpu.memory_space<vmem>>[vector<16xi32>, vector<16xi32>], vector<16xf32>,
          %add3A_404 = arith.addi %sub3A_45, %mul3A_58 : i32
          %get3A_405 = arith.index_cast %scan3A_401 : i32 to index
          %get3A_406 = arith.index_cast %add3A_404 : i32 to index
          %get3A_407 = tpu.vector_load %arg14[%get3A_405, %get3A_406] {strides = array<i32>} : memref<128x256xf32, #tpu.memory_space<vmem>>, vector<16xf32>,
          %add3A_408 = arith.addf %gather3A_403, %get3A_407 : vector<16xf32>
          %get3A_409 = arith.index_cast %scan3A_401 : i32 to index
          %get3A_410 = arith.constant 0 : index
          %get3A_411 = tpu.vector_load %arg15[%get3A_409, %get3A_410] {strides = array<i32>} : memref<128x16xf32, #tpu.memory_space<vmem>>, vector<16xf32>,
          %mul3A_412 = arith.mulf %convert_element_type3A, %get3A_411 : vector<16xf32>
          %add3A_413 = arith.addf %add3A_408, %mul3A_412 : vector<16xf32>
          %swap3A_414 = arith.index_cast %scan3A_401 : i32 to index
          %swap3A_415 = arith.constant 0 : index
          %swap3A_416 = tpu.vector_load %arg13[%swap3A_414, %swap3A_415] {strides = array<i32>} : memref<128x16xf32, #tpu.memory_space<vmem>>, vector<16xf32>,
          tpu.vector_store %arg13[%swap3A_414, %swap3A_415], %add3A_413 {strides = array<i32>} : memref<128x16xf32, #tpu.memory_space<vmem>>, vector<16xf32>,
          %add3A_417 = arith.addf %add3A_397, %add3A_413 : vector<16xf32>
          %mul3A_418 = arith.mulf %add3A_413, %add3A_413 : vector<16xf32>
          %add3A_419 = arith.addf %add3A_399, %mul3A_418 : vector<16xf32>
          %scan3A_420 = arith.constant 15 : i32
          %scan3A_421 = arith.addi %scan3A_121, %scan3A_420 : i32
          %broadcast_in_dim3A_422 = vector.broadcast %scan3A_421 : i32 to vector<16xi32>
          %gather3A_423 = tpu.vector_load_idx %arg12[%add3A_61, %broadcast_in_dim3A_422] : memref<128x128xf32, #tpu.memory_space<vmem>>[vector<16xi32>, vector<16xi32>], vector<16xf32>,
          %add3A_424 = arith.addi %sub3A_45, %mul3A_58 : i32
          %get3A_425 = arith.index_cast %scan3A_421 : i32 to index
          %get3A_426 = arith.index_cast %add3A_424 : i32 to index
          %get3A_427 = tpu.vector_load %arg14[%get3A_425, %get3A_426] {strides = array<i32>} : memref<128x256xf32, #tpu.memory_space<vmem>>, vector<16xf32>,
          %add3A_428 = arith.addf %gather3A_423, %get3A_427 : vector<16xf32>
          %get3A_429 = arith.index_cast %scan3A_421 : i32 to index
          %get3A_430 = arith.constant 0 : index
          %get3A_431 = tpu.vector_load %arg15[%get3A_429, %get3A_430] {strides = array<i32>} : memref<128x16xf32, #tpu.memory_space<vmem>>, vector<16xf32>,
          %mul3A_432 = arith.mulf %convert_element_type3A, %get3A_431 : vector<16xf32>
          %add3A_433 = arith.addf %add3A_428, %mul3A_432 : vector<16xf32>
          %swap3A_434 = arith.index_cast %scan3A_421 : i32 to index
          %swap3A_435 = arith.constant 0 : index
          %swap3A_436 = tpu.vector_load %arg13[%swap3A_434, %swap3A_435] {strides = array<i32>} : memref<128x16xf32, #tpu.memory_space<vmem>>, vector<16xf32>,
          tpu.vector_store %arg13[%swap3A_434, %swap3A_435], %add3A_433 {strides = array<i32>} : memref<128x16xf32, #tpu.memory_space<vmem>>, vector<16xf32>,
          %add3A_437 = arith.addf %add3A_417, %add3A_433 : vector<16xf32>
          %mul3A_438 = arith.mulf %add3A_433, %add3A_433 : vector<16xf32>
          %add3A_439 = arith.addf %add3A_419, %mul3A_438 : vector<16xf32>
          scf.yield %add3A_437, %add3A_439 : vector<16xf32>, vector<16xf32>
        }
        %scan3A_67 = arith.constant 128 : i32
        %mul3A_68 = arith.constant 7.812500e-03 : f32
        %mul3A_69 = vector.broadcast %mul3A_68 : f32 to vector<16xf32>
        %mul3A_70 = arith.mulf %scan3A_66#0, %mul3A_69 : vector<16xf32>
        %mul3A_71 = arith.constant 7.812500e-03 : f32
        %mul3A_72 = vector.broadcast %mul3A_71 : f32 to vector<16xf32>
        %mul3A_73 = arith.mulf %scan3A_66#1, %mul3A_72 : vector<16xf32>
        %mul3A_74 = arith.mulf %mul3A_70, %mul3A_70 : vector<16xf32>
        %sub3A_75 = arith.subf %mul3A_73, %mul3A_74 : vector<16xf32>
        %add3A_76 = arith.constant 9.99999996E-13 : f32
        %add3A_77 = vector.broadcast %add3A_76 : f32 to vector<16xf32>
        %add3A_78 = arith.addf %sub3A_75, %add3A_77 : vector<16xf32>
        %bitcast_convert_type3A = tpu.bitcast %add3A_78 : vector<16xf32> -> vector<16xi32>
        %shift_right_logical3A = arith.constant 1 : i32
        %shift_right_logical3A_79 = vector.broadcast %shift_right_logical3A : i32 to vector<16xi32>
        %shift_right_logical3A_80 = arith.shrui %bitcast_convert_type3A, %shift_right_logical3A_79 : vector<16xi32>
        %sub3A_81 = arith.constant 1597463007 : i32
        %sub3A_82 = vector.broadcast %sub3A_81 : i32 to vector<16xi32>
        %sub3A_83 = arith.subi %sub3A_82, %shift_right_logical3A_80 : vector<16xi32>
        %bitcast_convert_type3A_84 = tpu.bitcast %sub3A_83 : vector<16xi32> -> vector<16xf32>
        %mul3A_85 = arith.constant 5.000000e-01 : f32
        %mul3A_86 = vector.broadcast %mul3A_85 : f32 to vector<16xf32>
        %mul3A_87 = arith.mulf %mul3A_86, %add3A_78 : vector<16xf32>
        %mul3A_88 = arith.mulf %mul3A_87, %bitcast_convert_type3A_84 : vector<16xf32>
        %mul3A_89 = arith.mulf %mul3A_88, %bitcast_convert_type3A_84 : vector<16xf32>
        %sub3A_90 = arith.constant 1.500000e+00 : f32
        %sub3A_91 = vector.broadcast %sub3A_90 : f32 to vector<16xf32>
        %sub3A_92 = arith.subf %sub3A_91, %mul3A_89 : vector<16xf32>
        %mul3A_93 = arith.mulf %bitcast_convert_type3A_84, %sub3A_92 : vector<16xf32>
        %mul3A_94 = arith.constant 5.000000e-01 : f32
        %mul3A_95 = vector.broadcast %mul3A_94 : f32 to vector<16xf32>
        %mul3A_96 = arith.mulf %mul3A_95, %add3A_78 : vector<16xf32>
        %mul3A_97 = arith.mulf %mul3A_96, %mul3A_93 : vector<16xf32>
        %mul3A_98 = arith.mulf %mul3A_97, %mul3A_93 : vector<16xf32>
        %sub3A_99 = arith.constant 1.500000e+00 : f32
        %sub3A_100 = vector.broadcast %sub3A_99 : f32 to vector<16xf32>
        %sub3A_101 = arith.subf %sub3A_100, %mul3A_98 : vector<16xf32>
        %mul3A_102 = arith.mulf %mul3A_93, %sub3A_101 : vector<16xf32>
        %mul3A_103 = arith.constant 5.000000e-01 : f32
        %mul3A_104 = vector.broadcast %mul3A_103 : f32 to vector<16xf32>
        %mul3A_105 = arith.mulf %mul3A_104, %add3A_78 : vector<16xf32>
        %mul3A_106 = arith.mulf %mul3A_105, %mul3A_102 : vector<16xf32>
        %mul3A_107 = arith.mulf %mul3A_106, %mul3A_102 : vector<16xf32>
        %sub3A_108 = arith.constant 1.500000e+00 : f32
        %sub3A_109 = vector.broadcast %sub3A_108 : f32 to vector<16xf32>
        %sub3A_110 = arith.subf %sub3A_109, %mul3A_107 : vector<16xf32>
        %mul3A_111 = arith.mulf %mul3A_102, %sub3A_110 : vector<16xf32>
        %neg3A = arith.constant 0.000000e+00 : f32
        %neg3A_112 = vector.broadcast %neg3A : f32 to vector<16xf32>
        %neg3A_113 = arith.subf %neg3A_112, %mul3A_70 : vector<16xf32>
        %mul3A_114 = arith.mulf %neg3A_113, %mul3A_111 : vector<16xf32>
        %scan3A_115 = arith.constant 0 : i32
        %scan3A_116 = arith.constant 0 : i32
        %scan3A_117 = arith.constant 128 : i32
        %scan3A_118 = arith.addi %scan3A_116, %scan3A_117 : i32
        %scan3A_119 = arith.constant 16 : i32
        scf.for %scan3A_121 = %scan3A_116 to %scan3A_118 step %scan3A_119  : i32 {
          %broadcast_in_dim3A_122 = vector.broadcast %scan3A_121 : i32 to vector<16xi32>
          %get3A_123 = arith.index_cast %scan3A_121 : i32 to index
          %get3A_124 = arith.constant 0 : index
          %get3A_125 = tpu.vector_load %arg13[%get3A_123, %get3A_124] {strides = array<i32>} : memref<128x16xf32, #tpu.memory_space<vmem>>, vector<16xf32>,
          %mul3A_126 = arith.mulf %get3A_125, %mul3A_111 : vector<16xf32>
          %add3A_127 = arith.addf %mul3A_126, %mul3A_114 : vector<16xf32>
          %get3A_128 = arith.index_cast %scan3A_121 : i32 to index
          %get3A_129 = arith.constant 0 : index
          %get3A_130 = tpu.vector_load %arg16[%get3A_128, %get3A_129] {strides = array<i32>} : memref<128x16xf32, #tpu.memory_space<vmem>>, vector<16xf32>,
          %mul3A_131 = arith.mulf %add3A_127, %get3A_130 : vector<16xf32>
          %get3A_132 = arith.index_cast %scan3A_121 : i32 to index
          %get3A_133 = arith.constant 0 : index
          %get3A_134 = tpu.vector_load %arg17[%get3A_132, %get3A_133] {strides = array<i32>} : memref<128x16xf32, #tpu.memory_space<vmem>>, vector<16xf32>,
          %add3A_135 = arith.addf %mul3A_131, %get3A_134 : vector<16xf32>
          tpu.vector_store_idx %arg12[%add3A_61, %broadcast_in_dim3A_122], %add3A_135 : memref<128x128xf32, #tpu.memory_space<vmem>>[vector<16xi32>, vector<16xi32>], vector<16xf32>,
          %scan3A_136 = arith.constant 1 : i32
          %scan3A_137 = arith.addi %scan3A_121, %scan3A_136 : i32
          %broadcast_in_dim3A_138 = vector.broadcast %scan3A_137 : i32 to vector<16xi32>
          %get3A_139 = arith.index_cast %scan3A_137 : i32 to index
          %get3A_140 = arith.constant 0 : index
          %get3A_141 = tpu.vector_load %arg13[%get3A_139, %get3A_140] {strides = array<i32>} : memref<128x16xf32, #tpu.memory_space<vmem>>, vector<16xf32>,
          %mul3A_142 = arith.mulf %get3A_141, %mul3A_111 : vector<16xf32>
          %add3A_143 = arith.addf %mul3A_142, %mul3A_114 : vector<16xf32>
          %get3A_144 = arith.index_cast %scan3A_137 : i32 to index
          %get3A_145 = arith.constant 0 : index
          %get3A_146 = tpu.vector_load %arg16[%get3A_144, %get3A_145] {strides = array<i32>} : memref<128x16xf32, #tpu.memory_space<vmem>>, vector<16xf32>,
          %mul3A_147 = arith.mulf %add3A_143, %get3A_146 : vector<16xf32>
          %get3A_148 = arith.index_cast %scan3A_137 : i32 to index
          %get3A_149 = arith.constant 0 : index
          %get3A_150 = tpu.vector_load %arg17[%get3A_148, %get3A_149] {strides = array<i32>} : memref<128x16xf32, #tpu.memory_space<vmem>>, vector<16xf32>,
          %add3A_151 = arith.addf %mul3A_147, %get3A_150 : vector<16xf32>
          tpu.vector_store_idx %arg12[%add3A_61, %broadcast_in_dim3A_138], %add3A_151 : memref<128x128xf32, #tpu.memory_space<vmem>>[vector<16xi32>, vector<16xi32>], vector<16xf32>,
          %scan3A_152 = arith.constant 2 : i32
          %scan3A_153 = arith.addi %scan3A_121, %scan3A_152 : i32
          %broadcast_in_dim3A_154 = vector.broadcast %scan3A_153 : i32 to vector<16xi32>
          %get3A_155 = arith.index_cast %scan3A_153 : i32 to index
          %get3A_156 = arith.constant 0 : index
          %get3A_157 = tpu.vector_load %arg13[%get3A_155, %get3A_156] {strides = array<i32>} : memref<128x16xf32, #tpu.memory_space<vmem>>, vector<16xf32>,
          %mul3A_158 = arith.mulf %get3A_157, %mul3A_111 : vector<16xf32>
          %add3A_159 = arith.addf %mul3A_158, %mul3A_114 : vector<16xf32>
          %get3A_160 = arith.index_cast %scan3A_153 : i32 to index
          %get3A_161 = arith.constant 0 : index
          %get3A_162 = tpu.vector_load %arg16[%get3A_160, %get3A_161] {strides = array<i32>} : memref<128x16xf32, #tpu.memory_space<vmem>>, vector<16xf32>,
          %mul3A_163 = arith.mulf %add3A_159, %get3A_162 : vector<16xf32>
          %get3A_164 = arith.index_cast %scan3A_153 : i32 to index
          %get3A_165 = arith.constant 0 : index
          %get3A_166 = tpu.vector_load %arg17[%get3A_164, %get3A_165] {strides = array<i32>} : memref<128x16xf32, #tpu.memory_space<vmem>>, vector<16xf32>,
          %add3A_167 = arith.addf %mul3A_163, %get3A_166 : vector<16xf32>
          tpu.vector_store_idx %arg12[%add3A_61, %broadcast_in_dim3A_154], %add3A_167 : memref<128x128xf32, #tpu.memory_space<vmem>>[vector<16xi32>, vector<16xi32>], vector<16xf32>,
          %scan3A_168 = arith.constant 3 : i32
          %scan3A_169 = arith.addi %scan3A_121, %scan3A_168 : i32
          %broadcast_in_dim3A_170 = vector.broadcast %scan3A_169 : i32 to vector<16xi32>
          %get3A_171 = arith.index_cast %scan3A_169 : i32 to index
          %get3A_172 = arith.constant 0 : index
          %get3A_173 = tpu.vector_load %arg13[%get3A_171, %get3A_172] {strides = array<i32>} : memref<128x16xf32, #tpu.memory_space<vmem>>, vector<16xf32>,
          %mul3A_174 = arith.mulf %get3A_173, %mul3A_111 : vector<16xf32>
          %add3A_175 = arith.addf %mul3A_174, %mul3A_114 : vector<16xf32>
          %get3A_176 = arith.index_cast %scan3A_169 : i32 to index
          %get3A_177 = arith.constant 0 : index
          %get3A_178 = tpu.vector_load %arg16[%get3A_176, %get3A_177] {strides = array<i32>} : memref<128x16xf32, #tpu.memory_space<vmem>>, vector<16xf32>,
          %mul3A_179 = arith.mulf %add3A_175, %get3A_178 : vector<16xf32>
          %get3A_180 = arith.index_cast %scan3A_169 : i32 to index
          %get3A_181 = arith.constant 0 : index
          %get3A_182 = tpu.vector_load %arg17[%get3A_180, %get3A_181] {strides = array<i32>} : memref<128x16xf32, #tpu.memory_space<vmem>>, vector<16xf32>,
          %add3A_183 = arith.addf %mul3A_179, %get3A_182 : vector<16xf32>
          tpu.vector_store_idx %arg12[%add3A_61, %broadcast_in_dim3A_170], %add3A_183 : memref<128x128xf32, #tpu.memory_space<vmem>>[vector<16xi32>, vector<16xi32>], vector<16xf32>,
          %scan3A_184 = arith.constant 4 : i32
          %scan3A_185 = arith.addi %scan3A_121, %scan3A_184 : i32
          %broadcast_in_dim3A_186 = vector.broadcast %scan3A_185 : i32 to vector<16xi32>
          %get3A_187 = arith.index_cast %scan3A_185 : i32 to index
          %get3A_188 = arith.constant 0 : index
          %get3A_189 = tpu.vector_load %arg13[%get3A_187, %get3A_188] {strides = array<i32>} : memref<128x16xf32, #tpu.memory_space<vmem>>, vector<16xf32>,
          %mul3A_190 = arith.mulf %get3A_189, %mul3A_111 : vector<16xf32>
          %add3A_191 = arith.addf %mul3A_190, %mul3A_114 : vector<16xf32>
          %get3A_192 = arith.index_cast %scan3A_185 : i32 to index
          %get3A_193 = arith.constant 0 : index
          %get3A_194 = tpu.vector_load %arg16[%get3A_192, %get3A_193] {strides = array<i32>} : memref<128x16xf32, #tpu.memory_space<vmem>>, vector<16xf32>,
          %mul3A_195 = arith.mulf %add3A_191, %get3A_194 : vector<16xf32>
          %get3A_196 = arith.index_cast %scan3A_185 : i32 to index
          %get3A_197 = arith.constant 0 : index
          %get3A_198 = tpu.vector_load %arg17[%get3A_196, %get3A_197] {strides = array<i32>} : memref<128x16xf32, #tpu.memory_space<vmem>>, vector<16xf32>,
          %add3A_199 = arith.addf %mul3A_195, %get3A_198 : vector<16xf32>
          tpu.vector_store_idx %arg12[%add3A_61, %broadcast_in_dim3A_186], %add3A_199 : memref<128x128xf32, #tpu.memory_space<vmem>>[vector<16xi32>, vector<16xi32>], vector<16xf32>,
          %scan3A_200 = arith.constant 5 : i32
          %scan3A_201 = arith.addi %scan3A_121, %scan3A_200 : i32
          %broadcast_in_dim3A_202 = vector.broadcast %scan3A_201 : i32 to vector<16xi32>
          %get3A_203 = arith.index_cast %scan3A_201 : i32 to index
          %get3A_204 = arith.constant 0 : index
          %get3A_205 = tpu.vector_load %arg13[%get3A_203, %get3A_204] {strides = array<i32>} : memref<128x16xf32, #tpu.memory_space<vmem>>, vector<16xf32>,
          %mul3A_206 = arith.mulf %get3A_205, %mul3A_111 : vector<16xf32>
          %add3A_207 = arith.addf %mul3A_206, %mul3A_114 : vector<16xf32>
          %get3A_208 = arith.index_cast %scan3A_201 : i32 to index
          %get3A_209 = arith.constant 0 : index
          %get3A_210 = tpu.vector_load %arg16[%get3A_208, %get3A_209] {strides = array<i32>} : memref<128x16xf32, #tpu.memory_space<vmem>>, vector<16xf32>,
          %mul3A_211 = arith.mulf %add3A_207, %get3A_210 : vector<16xf32>
          %get3A_212 = arith.index_cast %scan3A_201 : i32 to index
          %get3A_213 = arith.constant 0 : index
          %get3A_214 = tpu.vector_load %arg17[%get3A_212, %get3A_213] {strides = array<i32>} : memref<128x16xf32, #tpu.memory_space<vmem>>, vector<16xf32>,
          %add3A_215 = arith.addf %mul3A_211, %get3A_214 : vector<16xf32>
          tpu.vector_store_idx %arg12[%add3A_61, %broadcast_in_dim3A_202], %add3A_215 : memref<128x128xf32, #tpu.memory_space<vmem>>[vector<16xi32>, vector<16xi32>], vector<16xf32>,
          %scan3A_216 = arith.constant 6 : i32
          %scan3A_217 = arith.addi %scan3A_121, %scan3A_216 : i32
          %broadcast_in_dim3A_218 = vector.broadcast %scan3A_217 : i32 to vector<16xi32>
          %get3A_219 = arith.index_cast %scan3A_217 : i32 to index
          %get3A_220 = arith.constant 0 : index
          %get3A_221 = tpu.vector_load %arg13[%get3A_219, %get3A_220] {strides = array<i32>} : memref<128x16xf32, #tpu.memory_space<vmem>>, vector<16xf32>,
          %mul3A_222 = arith.mulf %get3A_221, %mul3A_111 : vector<16xf32>
          %add3A_223 = arith.addf %mul3A_222, %mul3A_114 : vector<16xf32>
          %get3A_224 = arith.index_cast %scan3A_217 : i32 to index
          %get3A_225 = arith.constant 0 : index
          %get3A_226 = tpu.vector_load %arg16[%get3A_224, %get3A_225] {strides = array<i32>} : memref<128x16xf32, #tpu.memory_space<vmem>>, vector<16xf32>,
          %mul3A_227 = arith.mulf %add3A_223, %get3A_226 : vector<16xf32>
          %get3A_228 = arith.index_cast %scan3A_217 : i32 to index
          %get3A_229 = arith.constant 0 : index
          %get3A_230 = tpu.vector_load %arg17[%get3A_228, %get3A_229] {strides = array<i32>} : memref<128x16xf32, #tpu.memory_space<vmem>>, vector<16xf32>,
          %add3A_231 = arith.addf %mul3A_227, %get3A_230 : vector<16xf32>
          tpu.vector_store_idx %arg12[%add3A_61, %broadcast_in_dim3A_218], %add3A_231 : memref<128x128xf32, #tpu.memory_space<vmem>>[vector<16xi32>, vector<16xi32>], vector<16xf32>,
          %scan3A_232 = arith.constant 7 : i32
          %scan3A_233 = arith.addi %scan3A_121, %scan3A_232 : i32
          %broadcast_in_dim3A_234 = vector.broadcast %scan3A_233 : i32 to vector<16xi32>
          %get3A_235 = arith.index_cast %scan3A_233 : i32 to index
          %get3A_236 = arith.constant 0 : index
          %get3A_237 = tpu.vector_load %arg13[%get3A_235, %get3A_236] {strides = array<i32>} : memref<128x16xf32, #tpu.memory_space<vmem>>, vector<16xf32>,
          %mul3A_238 = arith.mulf %get3A_237, %mul3A_111 : vector<16xf32>
          %add3A_239 = arith.addf %mul3A_238, %mul3A_114 : vector<16xf32>
          %get3A_240 = arith.index_cast %scan3A_233 : i32 to index
          %get3A_241 = arith.constant 0 : index
          %get3A_242 = tpu.vector_load %arg16[%get3A_240, %get3A_241] {strides = array<i32>} : memref<128x16xf32, #tpu.memory_space<vmem>>, vector<16xf32>,
          %mul3A_243 = arith.mulf %add3A_239, %get3A_242 : vector<16xf32>
          %get3A_244 = arith.index_cast %scan3A_233 : i32 to index
          %get3A_245 = arith.constant 0 : index
          %get3A_246 = tpu.vector_load %arg17[%get3A_244, %get3A_245] {strides = array<i32>} : memref<128x16xf32, #tpu.memory_space<vmem>>, vector<16xf32>,
          %add3A_247 = arith.addf %mul3A_243, %get3A_246 : vector<16xf32>
          tpu.vector_store_idx %arg12[%add3A_61, %broadcast_in_dim3A_234], %add3A_247 : memref<128x128xf32, #tpu.memory_space<vmem>>[vector<16xi32>, vector<16xi32>], vector<16xf32>,
          %scan3A_248 = arith.constant 8 : i32
          %scan3A_249 = arith.addi %scan3A_121, %scan3A_248 : i32
          %broadcast_in_dim3A_250 = vector.broadcast %scan3A_249 : i32 to vector<16xi32>
          %get3A_251 = arith.index_cast %scan3A_249 : i32 to index
          %get3A_252 = arith.constant 0 : index
          %get3A_253 = tpu.vector_load %arg13[%get3A_251, %get3A_252] {strides = array<i32>} : memref<128x16xf32, #tpu.memory_space<vmem>>, vector<16xf32>,
          %mul3A_254 = arith.mulf %get3A_253, %mul3A_111 : vector<16xf32>
          %add3A_255 = arith.addf %mul3A_254, %mul3A_114 : vector<16xf32>
          %get3A_256 = arith.index_cast %scan3A_249 : i32 to index
          %get3A_257 = arith.constant 0 : index
          %get3A_258 = tpu.vector_load %arg16[%get3A_256, %get3A_257] {strides = array<i32>} : memref<128x16xf32, #tpu.memory_space<vmem>>, vector<16xf32>,
          %mul3A_259 = arith.mulf %add3A_255, %get3A_258 : vector<16xf32>
          %get3A_260 = arith.index_cast %scan3A_249 : i32 to index
          %get3A_261 = arith.constant 0 : index
          %get3A_262 = tpu.vector_load %arg17[%get3A_260, %get3A_261] {strides = array<i32>} : memref<128x16xf32, #tpu.memory_space<vmem>>, vector<16xf32>,
          %add3A_263 = arith.addf %mul3A_259, %get3A_262 : vector<16xf32>
          tpu.vector_store_idx %arg12[%add3A_61, %broadcast_in_dim3A_250], %add3A_263 : memref<128x128xf32, #tpu.memory_space<vmem>>[vector<16xi32>, vector<16xi32>], vector<16xf32>,
          %scan3A_264 = arith.constant 9 : i32
          %scan3A_265 = arith.addi %scan3A_121, %scan3A_264 : i32
          %broadcast_in_dim3A_266 = vector.broadcast %scan3A_265 : i32 to vector<16xi32>
          %get3A_267 = arith.index_cast %scan3A_265 : i32 to index
          %get3A_268 = arith.constant 0 : index
          %get3A_269 = tpu.vector_load %arg13[%get3A_267, %get3A_268] {strides = array<i32>} : memref<128x16xf32, #tpu.memory_space<vmem>>, vector<16xf32>,
          %mul3A_270 = arith.mulf %get3A_269, %mul3A_111 : vector<16xf32>
          %add3A_271 = arith.addf %mul3A_270, %mul3A_114 : vector<16xf32>
          %get3A_272 = arith.index_cast %scan3A_265 : i32 to index
          %get3A_273 = arith.constant 0 : index
          %get3A_274 = tpu.vector_load %arg16[%get3A_272, %get3A_273] {strides = array<i32>} : memref<128x16xf32, #tpu.memory_space<vmem>>, vector<16xf32>,
          %mul3A_275 = arith.mulf %add3A_271, %get3A_274 : vector<16xf32>
          %get3A_276 = arith.index_cast %scan3A_265 : i32 to index
          %get3A_277 = arith.constant 0 : index
          %get3A_278 = tpu.vector_load %arg17[%get3A_276, %get3A_277] {strides = array<i32>} : memref<128x16xf32, #tpu.memory_space<vmem>>, vector<16xf32>,
          %add3A_279 = arith.addf %mul3A_275, %get3A_278 : vector<16xf32>
          tpu.vector_store_idx %arg12[%add3A_61, %broadcast_in_dim3A_266], %add3A_279 : memref<128x128xf32, #tpu.memory_space<vmem>>[vector<16xi32>, vector<16xi32>], vector<16xf32>,
          %scan3A_280 = arith.constant 10 : i32
          %scan3A_281 = arith.addi %scan3A_121, %scan3A_280 : i32
          %broadcast_in_dim3A_282 = vector.broadcast %scan3A_281 : i32 to vector<16xi32>
          %get3A_283 = arith.index_cast %scan3A_281 : i32 to index
          %get3A_284 = arith.constant 0 : index
          %get3A_285 = tpu.vector_load %arg13[%get3A_283, %get3A_284] {strides = array<i32>} : memref<128x16xf32, #tpu.memory_space<vmem>>, vector<16xf32>,
          %mul3A_286 = arith.mulf %get3A_285, %mul3A_111 : vector<16xf32>
          %add3A_287 = arith.addf %mul3A_286, %mul3A_114 : vector<16xf32>
          %get3A_288 = arith.index_cast %scan3A_281 : i32 to index
          %get3A_289 = arith.constant 0 : index
          %get3A_290 = tpu.vector_load %arg16[%get3A_288, %get3A_289] {strides = array<i32>} : memref<128x16xf32, #tpu.memory_space<vmem>>, vector<16xf32>,
          %mul3A_291 = arith.mulf %add3A_287, %get3A_290 : vector<16xf32>
          %get3A_292 = arith.index_cast %scan3A_281 : i32 to index
          %get3A_293 = arith.constant 0 : index
          %get3A_294 = tpu.vector_load %arg17[%get3A_292, %get3A_293] {strides = array<i32>} : memref<128x16xf32, #tpu.memory_space<vmem>>, vector<16xf32>,
          %add3A_295 = arith.addf %mul3A_291, %get3A_294 : vector<16xf32>
          tpu.vector_store_idx %arg12[%add3A_61, %broadcast_in_dim3A_282], %add3A_295 : memref<128x128xf32, #tpu.memory_space<vmem>>[vector<16xi32>, vector<16xi32>], vector<16xf32>,
          %scan3A_296 = arith.constant 11 : i32
          %scan3A_297 = arith.addi %scan3A_121, %scan3A_296 : i32
          %broadcast_in_dim3A_298 = vector.broadcast %scan3A_297 : i32 to vector<16xi32>
          %get3A_299 = arith.index_cast %scan3A_297 : i32 to index
          %get3A_300 = arith.constant 0 : index
          %get3A_301 = tpu.vector_load %arg13[%get3A_299, %get3A_300] {strides = array<i32>} : memref<128x16xf32, #tpu.memory_space<vmem>>, vector<16xf32>,
          %mul3A_302 = arith.mulf %get3A_301, %mul3A_111 : vector<16xf32>
          %add3A_303 = arith.addf %mul3A_302, %mul3A_114 : vector<16xf32>
          %get3A_304 = arith.index_cast %scan3A_297 : i32 to index
          %get3A_305 = arith.constant 0 : index
          %get3A_306 = tpu.vector_load %arg16[%get3A_304, %get3A_305] {strides = array<i32>} : memref<128x16xf32, #tpu.memory_space<vmem>>, vector<16xf32>,
          %mul3A_307 = arith.mulf %add3A_303, %get3A_306 : vector<16xf32>
          %get3A_308 = arith.index_cast %scan3A_297 : i32 to index
          %get3A_309 = arith.constant 0 : index
          %get3A_310 = tpu.vector_load %arg17[%get3A_308, %get3A_309] {strides = array<i32>} : memref<128x16xf32, #tpu.memory_space<vmem>>, vector<16xf32>,
          %add3A_311 = arith.addf %mul3A_307, %get3A_310 : vector<16xf32>
          tpu.vector_store_idx %arg12[%add3A_61, %broadcast_in_dim3A_298], %add3A_311 : memref<128x128xf32, #tpu.memory_space<vmem>>[vector<16xi32>, vector<16xi32>], vector<16xf32>,
          %scan3A_312 = arith.constant 12 : i32
          %scan3A_313 = arith.addi %scan3A_121, %scan3A_312 : i32
          %broadcast_in_dim3A_314 = vector.broadcast %scan3A_313 : i32 to vector<16xi32>
          %get3A_315 = arith.index_cast %scan3A_313 : i32 to index
          %get3A_316 = arith.constant 0 : index
          %get3A_317 = tpu.vector_load %arg13[%get3A_315, %get3A_316] {strides = array<i32>} : memref<128x16xf32, #tpu.memory_space<vmem>>, vector<16xf32>,
          %mul3A_318 = arith.mulf %get3A_317, %mul3A_111 : vector<16xf32>
          %add3A_319 = arith.addf %mul3A_318, %mul3A_114 : vector<16xf32>
          %get3A_320 = arith.index_cast %scan3A_313 : i32 to index
          %get3A_321 = arith.constant 0 : index
          %get3A_322 = tpu.vector_load %arg16[%get3A_320, %get3A_321] {strides = array<i32>} : memref<128x16xf32, #tpu.memory_space<vmem>>, vector<16xf32>,
          %mul3A_323 = arith.mulf %add3A_319, %get3A_322 : vector<16xf32>
          %get3A_324 = arith.index_cast %scan3A_313 : i32 to index
          %get3A_325 = arith.constant 0 : index
          %get3A_326 = tpu.vector_load %arg17[%get3A_324, %get3A_325] {strides = array<i32>} : memref<128x16xf32, #tpu.memory_space<vmem>>, vector<16xf32>,
          %add3A_327 = arith.addf %mul3A_323, %get3A_326 : vector<16xf32>
          tpu.vector_store_idx %arg12[%add3A_61, %broadcast_in_dim3A_314], %add3A_327 : memref<128x128xf32, #tpu.memory_space<vmem>>[vector<16xi32>, vector<16xi32>], vector<16xf32>,
          %scan3A_328 = arith.constant 13 : i32
          %scan3A_329 = arith.addi %scan3A_121, %scan3A_328 : i32
          %broadcast_in_dim3A_330 = vector.broadcast %scan3A_329 : i32 to vector<16xi32>
          %get3A_331 = arith.index_cast %scan3A_329 : i32 to index
          %get3A_332 = arith.constant 0 : index
          %get3A_333 = tpu.vector_load %arg13[%get3A_331, %get3A_332] {strides = array<i32>} : memref<128x16xf32, #tpu.memory_space<vmem>>, vector<16xf32>,
          %mul3A_334 = arith.mulf %get3A_333, %mul3A_111 : vector<16xf32>
          %add3A_335 = arith.addf %mul3A_334, %mul3A_114 : vector<16xf32>
          %get3A_336 = arith.index_cast %scan3A_329 : i32 to index
          %get3A_337 = arith.constant 0 : index
          %get3A_338 = tpu.vector_load %arg16[%get3A_336, %get3A_337] {strides = array<i32>} : memref<128x16xf32, #tpu.memory_space<vmem>>, vector<16xf32>,
          %mul3A_339 = arith.mulf %add3A_335, %get3A_338 : vector<16xf32>
          %get3A_340 = arith.index_cast %scan3A_329 : i32 to index
          %get3A_341 = arith.constant 0 : index
          %get3A_342 = tpu.vector_load %arg17[%get3A_340, %get3A_341] {strides = array<i32>} : memref<128x16xf32, #tpu.memory_space<vmem>>, vector<16xf32>,
          %add3A_343 = arith.addf %mul3A_339, %get3A_342 : vector<16xf32>
          tpu.vector_store_idx %arg12[%add3A_61, %broadcast_in_dim3A_330], %add3A_343 : memref<128x128xf32, #tpu.memory_space<vmem>>[vector<16xi32>, vector<16xi32>], vector<16xf32>,
          %scan3A_344 = arith.constant 14 : i32
          %scan3A_345 = arith.addi %scan3A_121, %scan3A_344 : i32
          %broadcast_in_dim3A_346 = vector.broadcast %scan3A_345 : i32 to vector<16xi32>
          %get3A_347 = arith.index_cast %scan3A_345 : i32 to index
          %get3A_348 = arith.constant 0 : index
          %get3A_349 = tpu.vector_load %arg13[%get3A_347, %get3A_348] {strides = array<i32>} : memref<128x16xf32, #tpu.memory_space<vmem>>, vector<16xf32>,
          %mul3A_350 = arith.mulf %get3A_349, %mul3A_111 : vector<16xf32>
          %add3A_351 = arith.addf %mul3A_350, %mul3A_114 : vector<16xf32>
          %get3A_352 = arith.index_cast %scan3A_345 : i32 to index
          %get3A_353 = arith.constant 0 : index
          %get3A_354 = tpu.vector_load %arg16[%get3A_352, %get3A_353] {strides = array<i32>} : memref<128x16xf32, #tpu.memory_space<vmem>>, vector<16xf32>,
          %mul3A_355 = arith.mulf %add3A_351, %get3A_354 : vector<16xf32>
          %get3A_356 = arith.index_cast %scan3A_345 : i32 to index
          %get3A_357 = arith.constant 0 : index
          %get3A_358 = tpu.vector_load %arg17[%get3A_356, %get3A_357] {strides = array<i32>} : memref<128x16xf32, #tpu.memory_space<vmem>>, vector<16xf32>,
          %add3A_359 = arith.addf %mul3A_355, %get3A_358 : vector<16xf32>
          tpu.vector_store_idx %arg12[%add3A_61, %broadcast_in_dim3A_346], %add3A_359 : memref<128x128xf32, #tpu.memory_space<vmem>>[vector<16xi32>, vector<16xi32>], vector<16xf32>,
          %scan3A_360 = arith.constant 15 : i32
          %scan3A_361 = arith.addi %scan3A_121, %scan3A_360 : i32
          %broadcast_in_dim3A_362 = vector.broadcast %scan3A_361 : i32 to vector<16xi32>
          %get3A_363 = arith.index_cast %scan3A_361 : i32 to index
          %get3A_364 = arith.constant 0 : index
          %get3A_365 = tpu.vector_load %arg13[%get3A_363, %get3A_364] {strides = array<i32>} : memref<128x16xf32, #tpu.memory_space<vmem>>, vector<16xf32>,
          %mul3A_366 = arith.mulf %get3A_365, %mul3A_111 : vector<16xf32>
          %add3A_367 = arith.addf %mul3A_366, %mul3A_114 : vector<16xf32>
          %get3A_368 = arith.index_cast %scan3A_361 : i32 to index
          %get3A_369 = arith.constant 0 : index
          %get3A_370 = tpu.vector_load %arg16[%get3A_368, %get3A_369] {strides = array<i32>} : memref<128x16xf32, #tpu.memory_space<vmem>>, vector<16xf32>,
          %mul3A_371 = arith.mulf %add3A_367, %get3A_370 : vector<16xf32>
          %get3A_372 = arith.index_cast %scan3A_361 : i32 to index
          %get3A_373 = arith.constant 0 : index
          %get3A_374 = tpu.vector_load %arg17[%get3A_372, %get3A_373] {strides = array<i32>} : memref<128x16xf32, #tpu.memory_space<vmem>>, vector<16xf32>,
          %add3A_375 = arith.addf %mul3A_371, %get3A_374 : vector<16xf32>
          tpu.vector_store_idx %arg12[%add3A_61, %broadcast_in_dim3A_362], %add3A_375 : memref<128x128xf32, #tpu.memory_space<vmem>>[vector<16xi32>, vector<16xi32>], vector<16xf32>,
        }
        %scan3A_120 = arith.constant 128 : i32
      }
      %scan3A_55 = arith.constant 8 : i32
      "tpu.region"() ({
        %run_scoped3A = tpu.sem_alloc : memref<!tpu.dma_semaphore, #tpu.memory_space<semaphore_mem>>
        %dma_start3A_56 = arith.constant 0 : i32
        %dma_start3A_57 = tpu.memref_slice %arg9[%add3A_41, %dma_start3A_56] : memref<262144x128xf32, #tpu.memory_space<hbm>> -> memref<128x128xf32, #tpu.memory_space<hbm>>
        %dma_start3A_58 = arith.constant 0 : i32
        %dma_start3A_59 = tpu.memref_slice %arg9[%add3A_41, %dma_start3A_58] : memref<262144x128xf32, #tpu.memory_space<hbm>> -> memref<128x128xf32, #tpu.memory_space<hbm>>
        tpu.enqueue_dma source(%arg12 : memref<128x128xf32, #tpu.memory_space<vmem>>) target(%dma_start3A_59 : memref<128x128xf32, #tpu.memory_space<hbm>>) target_semaphore(%run_scoped3A : memref<!tpu.dma_semaphore, #tpu.memory_space<semaphore_mem>>)
        %dma_wait3A_60 = arith.constant 0 : i32
        %dma_wait3A_61 = tpu.memref_slice %arg9[%add3A_41, %dma_wait3A_60] : memref<262144x128xf32, #tpu.memory_space<hbm>> -> memref<128x128xf32, #tpu.memory_space<hbm>>
        %dma_wait3A_62 = arith.constant 0 : i32
        %dma_wait3A_63 = tpu.memref_slice %arg9[%add3A_41, %dma_wait3A_62] : memref<262144x128xf32, #tpu.memory_space<hbm>> -> memref<128x128xf32, #tpu.memory_space<hbm>>
        tpu.wait_dma2 semaphore(%run_scoped3A : memref<!tpu.dma_semaphore, #tpu.memory_space<semaphore_mem>>) src(%arg12 : memref<128x128xf32, #tpu.memory_space<vmem>>) dst(%dma_wait3A_63 : memref<128x128xf32, #tpu.memory_space<hbm>>)
        tpu.yield
      }) : () -> ()
    }
    %scan3A_14 = arith.constant 32 : i32
    return
  }
}

</mosaic_0001>

<sc_bundles>
// kernel: kernel.3.cloned.1.call-start
scs
__scs_entry_jumppad:
0x0: {  	(pc) =	sbr.rel $0x88, $3  }
0x1: {  	(tag) =	ssettag $0x0;
	lr =	simm.s32 $0x1  }
0x2: {  	[smem:$0x3F9A] =	sst lr;
	_ =	strace $0xD0000000  }
0x3: {  	_ = 	snop  }
0x4: {  	_ = 	snop  }
0x5: {  	_ = 	snop  }
0x6: {  	_ = 	snop  }
0x7: {  	_ = 	snop  }
__scs_overlays_trampoline_lowered:
0x8: {  	[smem:$0x3FA9] =	sst s0  }
0x9: {  	[smem:$0x3FAA] =	sst s1  }
0xa: {  	[smem:$0x3FAB] =	sst s2  }
0xb: {  	[smem:$0x3FAC] =	sst s3  }
0xc: {  	[smem:$0x3FAD] =	sst s4  }
0xd: {  	[smem:$0x3FAE] =	sst s5  }
0xe: {  	[smem:$0x3FAF] =	sst s6  }
0xf: {  	[smem:$0x3FB0] =	sst s7  }
0x10: {  	[smem:$0x3FB1] =	sst s8  }
0x11: {  	[smem:$0x3FB2] =	sst s9;
	s0 =	simm.s32 @!p0 $0x0  }
0x12: {  	s1 =	sld [smem:$0x3F98];
	s0 =	simm.s32 @p0 $0x1  }
0x13: {  	[smem:$0x3FB3] =	sst s0;
	s0 =	simm.s32 @!p1 $0x0  }
0x14: {  	s2 =	sld [smem:$0x3F97];
	s0 =	simm.s32 @p1 $0x1  }
0x15: {  	[smem:$0x3FB4] =	sst s0;
	s0 =	simm.s32 @!p2 $0x0  }
0x16: {  	s3 =	sld [smem:$0x3FDB];
	s0 =	simm.s32 @p2 $0x1  }
0x17: {  	s4 =	simm.s32 $0x1BF5;
	[smem:$0x3FB6] =	sst s0  }
0x18: {  	s0 =	sld [smem:$0x3F99];
	_ =	swait.ge [sflag:s4], $0x0  }
0x19: {  	s7 =	sld [smem:$0x3F9A]  }
0x1a: {  	s8 =	sadd.s32 $0xFFFFE003, lr  }
0x1b: {  	s9 =	sadd.s32 $0xFFFFFEF7, lr;
	s5 =	simm.s32 $0xFFFFFFFF;
	p2 =	slt.u32 s8, $0xFFFFF086  }
0x1c: {  	p1 =	slt.u32 s9, $0xF7A;
	s5 =	simm.s32 @!p2 $0x0  }
0x1d: {  	s5 =	simm.s32 @p1 $0x1;
	p0 =	seq.s32 s7, s2  }
0x1e: {  	s7 =	smul.u32 @!p0 $0xF7A, s2;
	p2 =	seq.s32 @!p0 s5, $0x0  }
0x1f: {  	s9 =	smul.u32 $0xF7A, s1;
	s8 =	simm.s32 @!p0 $0x1BF5;
	p2 =	por !p2, p0  }
0x20: {  	[sflag:s8] =	ssyncset.s32 @!p0 $0xFFFFF086;
	s6 =	sadd.s32 @!p0 s3, s7;
	s7 =	simm.s32 @!p0 $0x108  }
0x21: {  	s3 =	sadd.s32 s3, s9;
	s6 =	sadd.s32 @!p0 $0x88, s6;
	s7 =	simm.s32 @p2 $0x1082  }
0x22: {  	[simem:s7], [sflag:s8] =	dma.local @!p0 [hbm:s6], $0xF7A  }
0x23: {  	s9 =	sor.u32 $0xD0000000, s2;
	s6 =	simm.s32 $0x108;
	_ =	swait.ge @!p0 [sflag:s8], $0x0  }
0x24: {  	s3 =	sadd.s32 $0x88, s3;
	s6 =	simm.s32 @!p1 $0x1082;
	[sflag:s4] =	ssyncset.s32 $0xFFFFF086  }
0x25: {  	[simem:s6], [sflag:s4] =	dma.local [hbm:s3], $0xF7A  }
0x26: {  	[smem:$0x3F9A] =	sst s1;
	(tag) =	ssettag s2;
	_ =	strace s9  }
0x27: {  	s1 =	sld [smem:$0x3FAA]  }
0x28: {  	s2 =	sld [smem:$0x3FAB]  }
0x29: {  	s4 =	sld [smem:$0x3FAD]  }
0x2a: {  	p0 =	seq.s32 s5, $0x0;
	s5 =	sld [smem:$0x3FAE]  }
0x2b: {  	s6 =	sld [smem:$0x3FAF]  }
0x2c: {  	s7 =	sld [smem:$0x3FB0]  }
0x2d: {  	s3 =	simm.s32 $0x108;
	s8 =	sld [smem:$0x3FB1]  }
0x2e: {  	s3 =	simm.s32 @!p0 $0x1082;
	s9 =	sld [smem:$0x3FB2]  }
0x2f: {  	lr =	sadd.s32 s0, s3;
	s0 =	sld [smem:$0x3FA9]  }
0x30: {  	s3 =	sld [smem:$0x3FAC]  }
0x31: {  	[smem:$0x3FB5] =	sst s10  }
0x32: {  	s10 =	sld [smem:$0x3FB3];
	_ =	sdelay $0x3  }
0x33: {  	p0 =	seq.s32 s10, $0x1;
	s10 =	sld [smem:$0x3FB5];
	_ =	sdelay $0x3  }
0x34: {  	[smem:$0x3FB5] =	sst s10  }
0x35: {  	s10 =	sld [smem:$0x3FB4];
	_ =	sdelay $0x3  }
0x36: {  	p1 =	seq.s32 s10, $0x1;
	s10 =	sld [smem:$0x3FB5];
	_ =	sdelay $0x3  }
0x37: {  	[smem:$0x3FB5] =	sst s10  }
0x38: {  	s10 =	sld [smem:$0x3FB6]  }
0x39: {  	_ = 	snop;
	(pc) =	sbr.ind lr, $3  }
0x3a: {  	_ = 	snop  }
0x3b: {  	_ = 	snop  }
0x3c: {  	p2 =	seq.s32 s10, $0x1;
	s10 =	sld [smem:$0x3FB5]  }
0x3d: {  	_ =	shalt  }
0x3e: {  	_ =	shalt  }
0x3f: {  	_ =	shalt  }
0x40: {  	_ =	shalt  }
0x41: {  	_ =	shalt  }
0x42: {  	_ =	shalt  }
0x43: {  	_ =	shalt  }
0x44: {  	_ =	shalt  }
0x45: {  	_ =	shalt  }
0x46: {  	_ =	shalt  }
0x47: {  	_ =	shalt  }
0x48: {  	_ =	shalt  }
0x49: {  	_ =	shalt  }
0x4a: {  	_ =	shalt  }
0x4b: {  	_ =	shalt  }
0x4c: {  	_ =	shalt  }
0x4d: {  	_ =	shalt  }
0x4e: {  	_ =	shalt  }
0x4f: {  	_ =	shalt  }
0x50: {  	_ =	shalt  }
0x51: {  	_ =	shalt  }
0x52: {  	_ =	shalt  }
0x53: {  	_ =	shalt  }
0x54: {  	_ =	shalt  }
0x55: {  	_ =	shalt  }
0x56: {  	_ =	shalt  }
0x57: {  	_ =	shalt  }
0x58: {  	_ =	shalt  }
0x59: {  	_ =	shalt  }
0x5a: {  	_ =	shalt  }
0x5b: {  	_ =	shalt  }
0x5c: {  	_ =	shalt  }
0x5d: {  	_ =	shalt  }
0x5e: {  	_ =	shalt  }
0x5f: {  	_ =	shalt  }
0x60: {  	_ =	shalt  }
0x61: {  	_ =	shalt  }
0x62: {  	_ =	shalt  }
0x63: {  	_ =	shalt  }
0x64: {  	_ =	shalt  }
0x65: {  	_ =	shalt  }
0x66: {  	_ =	shalt  }
0x67: {  	_ =	shalt  }
0x68: {  	_ =	shalt  }
0x69: {  	_ =	shalt  }
0x6a: {  	_ =	shalt  }
0x6b: {  	_ =	shalt  }
0x6c: {  	_ =	shalt  }
0x6d: {  	_ =	shalt  }
0x6e: {  	_ =	shalt  }
0x6f: {  	_ =	shalt  }
0x70: {  	_ =	shalt  }
0x71: {  	_ =	shalt  }
0x72: {  	_ =	shalt  }
0x73: {  	_ =	shalt  }
0x74: {  	_ =	shalt  }
0x75: {  	_ =	shalt  }
0x76: {  	_ =	shalt  }
0x77: {  	_ =	shalt  }
0x78: {  	_ =	shalt  }
0x79: {  	_ =	shalt  }
0x7a: {  	_ =	shalt  }
0x7b: {  	_ =	shalt  }
0x7c: {  	_ =	shalt  }
0x7d: {  	_ =	shalt  }
0x7e: {  	_ =	shalt  }
0x7f: {  	_ =	shalt  }
0x80: {  	_ =	shalt  }
0x81: {  	_ =	shalt  }
0x82: {  	_ =	shalt  }
0x83: {  	_ =	shalt  }
0x84: {  	_ =	shalt  }
0x85: {  	_ =	shalt  }
0x86: {  	_ =	shalt  }
0x87: {  	_ =	shalt  }
.Lfunc_end0:
.L_simem_size_0:
called_computation_lowered:
.L_overlay_start_0:
0x88: {  	s2 =	sld [smem:$0x3FD9]  }
0x89: {  	s3 =	sld [smem:$0x3FFE];
	_ =	sdelay $0x1  }
0x8a: {  	s1 =	srdreg.scid  }
0x8b: {  	s0 =	sand.u32 $0x1, s1  }
0x8c: {  	s17 =	sshll.u32 s0, $0xA;
	s2 =	sadd.s32 s3, s2  }
0x8d: {  	s2 =	sadd.s32 s2, s17  }
0x8e: {  	[smem:$0x3FC1] =	sst s2  }
0x8f: {  	_ = 	snop  }
0x90: {  	s2 =	sld [smem:$0x3FC7]  }
0x91: {  	s18 =	sld [smem:$0x3FD0];
	(tm) =	ssettm $0x1  }
0x92: {  	s4 =	sld [smem:$0x3FFB];
	_ =	sdelay $0x3  }
0x93: {  	_ =	strace s4  }
0x94: {  	s4 =	sld [smem:$0x3FFC];
	_ =	sdelay $0x3  }
0x95: {  	_ =	strace s4  }
0x96: {  	s4 =	sld [smem:$0x3FFD];
	_ =	sdelay $0x3  }
0x97: {  	_ =	strace s4  }
0x98: {  	_ =	strace $0x8FFFFFFF  }
0x99: {  	s19 =	sld [smem:$0x3FDB];
	_ =	sdelay $0x1  }
0x9a: {  	s5 =	simm.s32 $_scs_section_size  }
0x9b: {  	s6 =	simm.s32 $_size__tile_overlayer_lowered;
	s7 =	simm.s32 $_tile_overlayer_lowered  }
0x9c: {  	s22 =	simm.s32 $0x1BFF;
	s21 =	sshll.u32 s7, $0x1;
	s4 =	sadd.s32 s5, s19  }
0x9d: {  	s8 =	simm.s32 $0x0;
	s20 =	sshll.u32 s6, $0x1;
	s6 =	sadd.s32 s21, s4  }
0x9e: {  	[timem:s8], [sflag:s22] =	dma.local [hbm:s6], s20  }
0x9f: {  	_ =	swait.ge [sflag:s22], s20  }
0xa0: {  	s5 =	ssub.s32 $0x0, s20;
	[sflag:s22] =	ssyncset.done $0x0  }
0xa1: {  	[sflag:s22] =	ssyncadd.s32 s5;
	_ =	sdelay $0x1  }
0xa2: {  	s23 =	simm.s32 $0x1B8B  }
0xa3: {  	_ =	swait.ge [sflag:s23], $0x1  }
0xa4: {  	[sflag:s23] =	ssyncset.done $0x0  }
0xa5: {  	s25 =	simm.s32 $0x1B8E;
	s24 =	sld [smem:$0x3FFE];
	[sflag:s23] =	ssyncadd.s32 $0xFFFFFFFF  }
0xa6: {  	s26 =	simm.s32 $execute0_lowered;
	[smem:$0x3FD2] =	sst s25  }
0xa7: {  	s6 =	sshll.u32 s26, $0x1;
	_ =	strace $0x80000046;
	[dreg:$0x1] =	wrdreg $0xFFFFFFFF  }
0xa8: {  	s28 =	simm.s32 $_size_execute0_lowered;
	s4 =	sadd.s32 s4, s6;
	[dreg:$0x0] =	wrdreg $0x0  }
0xa9: {  	s6 =	sshll.u32 s28, $0x1;
	[dreg:$0x2] =	wrdreg s4  }
0xaa: {  	[dreg:$0x3] =	wrdreg s6  }
0xab: {  	[dreg:$0x4] =	wrdreg $0xC0  }
0xac: {  	_ =	task [dreg:s8], $0x5FFFF  }
0xad: {  	[dreg:$0x1] =	wrdreg $0xFFFFFFFF  }
0xae: {  	[dreg:$0x0] =	wrdreg $0x60  }
0xaf: {  	[dreg:$0x2] =	wrdreg s24  }
0xb0: {  	[dreg:$0x3] =	wrdreg s2  }
0xb1: {  	[dreg:$0x4] =	wrdreg s18  }
0xb2: {  	[dreg:$0x5] =	wrdreg $0x9  }
0xb3: {  	_ =	task.clear_ibuf [dreg:s8], $0x6FFFF;
	_ =	strace $0x90000046  }
0xb4: {  	s29 =	simm.s32 $0x9;
	_ =	strace $0x80000048  }
0xb5: {  	_ =	swait.ge [sflag:s29], $0x1  }
0xb6: {  	[sflag:s29] =	ssyncadd.s32 $0xFFFFFFFF  }
0xb7: {  	_ =	strace $0x90000048  }
0xb8: {  	_ =	sfence  }
0xb9: {  	s30 =	sld [smem:$0x0];
	_ =	sdelay $0x2  }
0xba: {  	s31 =	sshll.u32 s1, $0xD;
	s1 =	sshrl.u32 s1, $0x2  }
0xbb: {  	s3 =	sand.u32 $0x4000, s31;
	s1 =	sadd.s32 s1, s30  }
0xbc: {  	s0 =	sor.u32 s3, s0;
	s1 =	sshll.u32 s1, $0x11  }
0xbd: {  	s0 =	sor.u32 s1, s0  }
0xbe: {  	s0 =	sadd.s32 $0x8F2B, s0  }
0xbf: {  	[sflag:s0] =	ssyncadd.remote.s32 $0x1  }
0xc0: {  	_ =	sfence.sel $0xFFFF  }
0xc1: {  	[dreg:$0x0] =	wrdreg $0xFFFFFFFF;
	(pc) =	sbr.abs _section_cstart, $3  }
0xc2: {  	[dreg:$0x1] =	wrdreg $0xFFFFFFFF  }
0xc3: {  	_ =	task.clear_ibuf [dreg:s8], $0x2FFFF;
	_ =	strace $0x9FFFFFFF  }
0xc4: {  	(tm) =	ssettm $0x7FFFFFFF  }
0xc5: {  	_ =	shalt  }
tec
execute0_lowered:
.L_overlay_start_1:
0x0: {  	(tag) =	ssettag $0x1  }
0x1: {  	s0 =	rddreg [dreg:$0x0]  }
0x2: {  	s1 =	rddreg [dreg:$0x1]  }
0x3: {  	s2 =	rddreg [dreg:$0x2];
	s3 =	simm.s32 $0x0  }
0x4: {  	s7 =	srdreg.scid;
	s13 =	stileid.u32;
	s15 =	simm.s32 $0x2  }
0x5: {  	s21 =	simm.s32 $0x1;
	s22 =	simm.s32 $0x80;
	s23 =	simm.s32 $0x100  }
0x6: {  	s24 =	simm.s32 $0x0;
	[smem:$0x7FF] =	sst s3;
	s4 =	sadd.s32 $0x400, s0  }
0x7: {  	s5 =	sadd.s32 $0x8400, s0;
	s6 =	sadd.s32 $0x10400, s0;
	s7 =	sand.u32 $0x1, s7  }
0x8: {  	s8 =	sadd.s32 $0x12400, s0;
	s9 =	sadd.s32 $0x12C00, s0;
	s11 =	ssub.s32 $0x2, s7  }
0x9: {  	s10 =	sadd.s32 $0x13400, s0;
	s13 =	sshll.u32 s13, $0xE;
	s12 =	sshrl.u32 s11, $0x1  }
0xa: {  	v0 =	vlaneseq.u32;
	_ =	strace $0x80000047;
	s7 =	sshll.u32 s7, $0xD;
	s14 =	ssub.s32 s11, s12  }
0xb: {  	v0 =	vmul.u32 $0x80, v0;
	s11 =	sor.u32 s7, s13;
	s12 =	sadd.s32 $0x10500, s0;
	s13 =	smax.u32 s14, $0x1  }
.LBB2_1:
0xc: {  	s0 =	simm.s32 $0x10100  }
0xd: {  	[tilespmem:s0], [sflag:$0x2] =	stream.linear.gather [hbm4b:s8+s3], $0x4000, $0x38;
	[tilespmem:$0x1C100] =	vst v63  }
0xe: {  	_ =	swait.ge [sflag:s15], $0x4000  }
0xf: {  	[sflag:s15] =	ssyncset.done $0x0  }
0x10: {  	s29 =	simm.s32 $0x14100;
	[sflag:s15] =	ssyncadd.s32 $0xFFFFC000  }
0x11: {  	[tilespmem:s29], [sflag:$0x2] =	stream.linear.gather [hbm4b:s9+s3], $0x4000, $0x38;
	[tilespmem:$0x1C100] =	vst v63  }
0x12: {  	_ =	swait.ge [sflag:s15], $0x4000  }
0x13: {  	[sflag:s15] =	ssyncset.done $0x0  }
0x14: {  	s30 =	simm.s32 $0x18100;
	[sflag:s15] =	ssyncadd.s32 $0xFFFFC000  }
0x15: {  	[tilespmem:s30], [sflag:$0x2] =	stream.linear.gather [hbm4b:s10+s3], $0x4000, $0x38;
	[tilespmem:$0x1C100] =	vst v63  }
0x16: {  	_ =	swait.ge [sflag:s15], $0x4000  }
0x17: {  	s31 =	simm.s32 $0x800;
	[sflag:s15] =	ssyncset.done $0x0  }
0x18: {  	s7 =	simm.s32 $0x1000;
	s14 =	simm.s32 $0x8100;
	[sflag:s15] =	ssyncadd.s32 $0xFFFFC000  }
0x19: {  	[tilespmem:s14], [sflag:$0x2] =	stream.strided.gather [hbm4b:s6+s31], $0x8000, s7, s31, $0x38;
	[tilespmem:$0x1C100] =	vst v63  }
0x1a: {  	_ =	swait.ge [sflag:s15], $0x8000  }
0x1b: {  	[sflag:s15] =	ssyncset.done $0x0  }
0x1c: {  	p0 =	por $0x0, $0x0;
	s25 =	simm.s32 $0x0;
	[sflag:s15] =	ssyncadd.s32 $0xFFFF8000  }
.LBB2_2:
0x1d: {  	s0 =	sshll.u32 s25, $0x8  }
0x1e: {  	s7 =	sshll.u32 s25, $0x7;
	s0 =	sand.u32 $0x1E00, s0  }
0x1f: {  	s7 =	sand.u32 $0x80, s7;
	s0 =	sor.u32 s0, s11  }
0x20: {  	s26 =	sor.u32 s7, s0  }
0x21: {  	s0 =	sshrl.u32 s26, $0x3  }
0x22: {  	s28 =	simm.s32 $0x0;
	s31 =	sadd.s32 s4, s0  }
0x23: {  	[tilespmem:s28], [sflag:$0x2] =	stream.linear.gather [hbm4b:s31+s28], $0x80, $0x38;
	[tilespmem:$0x1C100] =	vst v63  }
0x24: {  	_ =	swait.ge [sflag:s15], $0x80  }
0x25: {  	[sflag:s15] =	ssyncset.done $0x0  }
0x26: {  	s0 =	sadd.s32 s5, s0;
	[sflag:s15] =	ssyncadd.s32 $0xFFFFFF80  }
0x27: {  	[tilespmem:s22], [sflag:$0x2] =	stream.linear.gather [hbm4b:s0+s28], $0x80, $0x38;
	[tilespmem:$0x1C100] =	vst v63  }
0x28: {  	_ =	swait.ge [sflag:s15], $0x80  }
0x29: {  	[sflag:s15] =	ssyncset.done $0x0  }
0x2a: {  	s0 =	simm.s32 $0x1;
	[sflag:s15] =	ssyncadd.s32 $0xFFFFFF80  }
0x2b: {  	[tilespmem:s23], [sflag:$0x1] =	stream.indirect.gather [hbm4b:s1+s22], $0x80, s28, s22, $0xb8;
	[tilespmem:$0x1C100] =	vst v63  }
0x2c: {  	s0 =	simm.s32 @!p0 $0x0;
	_ =	swait.ge [sflag:s21], $0x4000  }
0x2d: {  	s0 =	sshll.u32 s0, $0xA;
	[sflag:s21] =	ssyncset.done $0x0  }
0x2e: {  	s30 =	simm.s32 $0x0;
	s18 =	sor.u32 $0x8900, s0;
	[sflag:s21] =	ssyncadd.s32 $0xFFFFC000  }
.LBB2_3:
0x2f: {  	s0 =	sshll.u32 s30, $0x4;
	v1 =	vmov s28  }
0x30: {  	v2 =	vmov s0;
	v1 =	vand.u32 $0x70, v1  }
0x31: {  	v2 =	vshll.u32 v2, $0x7;
	v3 =	vbroadcast v1, $0x0  }
0x32: {  	v1 =	vor.u32 v0, v2  }
0x33: {  	v2 =	vor.u32 v1, v3;
	_ =	sdelay $0x1  }
0x34: {  	v6 =	vld [tilespmem:s18+$0xFFFFF800]  }
0x35: {  	s31 =	simm.s32 $0x10500;
	v3 =	vld [tilespmem:s0+$0x80]  }
0x36: {  	v4 =	vld [tilespmem:s31+$0xFFFFFC00]  }
0x37: {  	v5 =	vld.idx.msk [tilespmem:v2+s23+$0x0], $0xffff  }
0x38: {  	s16 =	simm.s32 $0x1  }
0x39: {  	v7 =	vmov s16  }
0x3a: {  	v2 =	vcvt.s32.f32 v3;
	v3 =	vand.u32 $0x71, v7  }
0x3b: {  	v3 =	vbroadcast v3, $0x0  }
0x3c: {  	v4 =	vmul.f32 v2, v4;
	v5 =	vadd.f32 v6, v5  }
0x3d: {  	v6 =	vor.u32 v1, v3  }
0x3e: {  	v3 =	vadd.f32 v4, v5  }
0x3f: {  	s0 =	simm.s32 $0x4500  }
0x40: {  	[tilespmem:s0+$0xFFFFFC00] =	vst v3  }
0x41: {  	v4 =	vld [tilespmem:s18+$0xFFFFF880]  }
0x42: {  	v5 =	vld.idx.msk [tilespmem:v6+s23+$0x0], $0xffff  }
0x43: {  	s7 =	simm.s32 $0x2;
	v6 =	vld [tilespmem:s31+$0xFFFFFC80]  }
0x44: {  	v7 =	vmov s7  }
0x45: {  	v7 =	vand.u32 $0x72, v7  }
0x46: {  	v7 =	vbroadcast v7, $0x0;
	_ =	sdelay $0x1  }
0x47: {  	v4 =	vadd.f32 v4, v5;
	v5 =	vmul.f32 v2, v6;
	v6 =	vor.u32 v1, v7;
	_ =	sdelay $0x1  }
0x48: {  	v4 =	vadd.f32 v5, v4;
	_ =	sdelay $0x1  }
0x49: {  	[tilespmem:s0+$0xFFFFFC80] =	vst v4  }
0x4a: {  	v5 =	vld.idx.msk [tilespmem:v6+s23+$0x0], $0xffff  }
0x4b: {  	v6 =	vld [tilespmem:s31+$0xFFFFFD00]  }
0x4c: {  	s17 =	simm.s32 $0x3;
	v7 =	vld [tilespmem:s18+$0xFFFFF900]  }
0x4d: {  	v8 =	vmov s17  }
0x4e: {  	v8 =	vand.u32 $0x73, v8  }
0x4f: {  	v8 =	vbroadcast v8, $0x0;
	_ =	sdelay $0x1  }
0x50: {  	v6 =	vmul.f32 v2, v6;
	v5 =	vadd.f32 v7, v5;
	v7 =	vor.u32 v1, v8;
	_ =	sdelay $0x1  }
0x51: {  	v5 =	vadd.f32 v6, v5;
	_ =	sdelay $0x1  }
0x52: {  	[tilespmem:s0+$0xFFFFFD00] =	vst v5  }
0x53: {  	v6 =	vld.idx.msk [tilespmem:v7+s23+$0x0], $0xffff  }
0x54: {  	v7 =	vld [tilespmem:s31+$0xFFFFFD80]  }
0x55: {  	s19 =	simm.s32 $0x4;
	v8 =	vld [tilespmem:s18+$0xFFFFF980]  }
0x56: {  	v9 =	vmov s19  }
0x57: {  	v9 =	vand.u32 $0x74, v9  }
0x58: {  	v9 =	vbroadcast v9, $0x0;
	_ =	sdelay $0x1  }
0x59: {  	v7 =	vmul.f32 v2, v7;
	v6 =	vadd.f32 v8, v6;
	v8 =	vor.u32 v1, v9;
	_ =	sdelay $0x1  }
0x5a: {  	v6 =	vadd.f32 v7, v6;
	_ =	sdelay $0x1  }
0x5b: {  	[tilespmem:s0+$0xFFFFFD80] =	vst v6  }
0x5c: {  	v7 =	vld.idx.msk [tilespmem:v8+s23+$0x0], $0xffff  }
0x5d: {  	v8 =	vld [tilespmem:s18+$0xFFFFFA00]  }
0x5e: {  	s20 =	simm.s32 $0x5;
	v9 =	vld [tilespmem:s31+$0xFFFFFE00]  }
0x5f: {  	v10 =	vmov s20  }
0x60: {  	v10 =	vand.u32 $0x75, v10  }
0x61: {  	v10 =	vbroadcast v10, $0x0;
	_ =	sdelay $0x1  }
0x62: {  	v7 =	vadd.f32 v8, v7;
	v8 =	vmul.f32 v2, v9;
	v9 =	vor.u32 v1, v10;
	_ =	sdelay $0x1  }
0x63: {  	v8 =	vadd.f32 v8, v7;
	_ =	sdelay $0x1  }
0x64: {  	[tilespmem:s0+$0xFFFFFE00] =	vst v8  }
0x65: {  	v7 =	vld.idx.msk [tilespmem:v9+s23+$0x0], $0xffff  }
0x66: {  	v9 =	vld [tilespmem:s18+$0xFFFFFA80]  }
0x67: {  	s14 =	simm.s32 $0x6;
	v10 =	vld [tilespmem:s31+$0xFFFFFE80]  }
0x68: {  	v11 =	vmov s14  }
0x69: {  	v11 =	vand.u32 $0x76, v11  }
0x6a: {  	v11 =	vbroadcast v11, $0x0;
	_ =	sdelay $0x1  }
0x6b: {  	v7 =	vadd.f32 v9, v7;
	v9 =	vmul.f32 v2, v10;
	v10 =	vor.u32 v1, v11;
	_ =	sdelay $0x1  }
0x6c: {  	v12 =	vadd.f32 v9, v7;
	_ =	sdelay $0x1  }
0x6d: {  	[tilespmem:s0+$0xFFFFFE80] =	vst v12  }
0x6e: {  	v7 =	vld.idx.msk [tilespmem:v10+s23+$0x0], $0xffff  }
0x6f: {  	v9 =	vld [tilespmem:s18+$0xFFFFFB00]  }
0x70: {  	s16 =	simm.s32 $0x7;
	v10 =	vld [tilespmem:s31+$0xFFFFFF00]  }
0x71: {  	v11 =	vmov s16  }
0x72: {  	v11 =	vand.u32 $0x77, v11  }
0x73: {  	v11 =	vbroadcast v11, $0x0;
	_ =	sdelay $0x1  }
0x74: {  	v7 =	vadd.f32 v9, v7;
	v9 =	vmul.f32 v2, v10;
	v10 =	vor.u32 v1, v11;
	_ =	sdelay $0x1  }
0x75: {  	v14 =	vadd.f32 v9, v7;
	_ =	sdelay $0x1  }
0x76: {  	[tilespmem:s0+$0xFFFFFF00] =	vst v14  }
0x77: {  	v7 =	vld.idx.msk [tilespmem:v10+s23+$0x0], $0xffff  }
0x78: {  	v9 =	vld [tilespmem:s18+$0xFFFFFB80]  }
0x79: {  	s17 =	simm.s32 $0x8;
	v10 =	vld [tilespmem:s31+$0xFFFFFF80]  }
0x7a: {  	v11 =	vmov s17  }
0x7b: {  	v11 =	vand.u32 $0x78, v11  }
0x7c: {  	v11 =	vbroadcast v11, $0x0;
	_ =	sdelay $0x1  }
0x7d: {  	v7 =	vadd.f32 v9, v7;
	v9 =	vmul.f32 v2, v10;
	v10 =	vor.u32 v1, v11;
	_ =	sdelay $0x1  }
0x7e: {  	v17 =	vadd.f32 v9, v7;
	_ =	sdelay $0x1  }
0x7f: {  	[tilespmem:s0+$0xFFFFFF80] =	vst v17  }
0x80: {  	v7 =	vld.idx.msk [tilespmem:v10+s23+$0x0], $0xffff  }
0x81: {  	v9 =	vld [tilespmem:s18+$0x0]  }
0x82: {  	s19 =	simm.s32 $0x9;
	v10 =	vld [tilespmem:s31+$0x0]  }
0x83: {  	v11 =	vmov s19  }
0x84: {  	v11 =	vand.u32 $0x79, v11  }
0x85: {  	v11 =	vbroadcast v11, $0x0;
	_ =	sdelay $0x1  }
0x86: {  	v7 =	vadd.f32 v9, v7;
	v9 =	vmul.f32 v2, v10;
	v10 =	vor.u32 v1, v11;
	_ =	sdelay $0x1  }
0x87: {  	v7 =	vadd.f32 v9, v7;
	_ =	sdelay $0x1  }
0x88: {  	[tilespmem:s0+$0x0] =	vst v7  }
0x89: {  	v9 =	vld.idx.msk [tilespmem:v10+s23+$0x0], $0xffff  }
0x8a: {  	v10 =	vld [tilespmem:s18+$0x80]  }
0x8b: {  	s20 =	simm.s32 $0xA;
	v11 =	vld [tilespmem:s31+$0x80]  }
0x8c: {  	v13 =	vmov s20  }
0x8d: {  	v13 =	vand.u32 $0x7A, v13  }
0x8e: {  	v13 =	vbroadcast v13, $0x0;
	_ =	sdelay $0x1  }
0x8f: {  	v9 =	vadd.f32 v10, v9;
	v10 =	vmul.f32 v2, v11;
	v11 =	vor.u32 v1, v13;
	_ =	sdelay $0x1  }
0x90: {  	v9 =	vadd.f32 v10, v9;
	_ =	sdelay $0x1  }
0x91: {  	[tilespmem:s0+$0x80] =	vst v9  }
0x92: {  	v10 =	vld.idx.msk [tilespmem:v11+s23+$0x0], $0xffff  }
0x93: {  	v11 =	vld [tilespmem:s18+$0x100]  }
0x94: {  	s14 =	simm.s32 $0xB;
	v13 =	vld [tilespmem:s31+$0x100]  }
0x95: {  	v15 =	vmov s14  }
0x96: {  	v15 =	vand.u32 $0x7B, v15  }
0x97: {  	v15 =	vbroadcast v15, $0x0;
	_ =	sdelay $0x1  }
0x98: {  	v10 =	vadd.f32 v11, v10;
	v11 =	vmul.f32 v2, v13;
	v13 =	vor.u32 v1, v15;
	_ =	sdelay $0x1  }
0x99: {  	v11 =	vadd.f32 v11, v10;
	_ =	sdelay $0x1  }
0x9a: {  	[tilespmem:s0+$0x100] =	vst v11  }
0x9b: {  	v10 =	vld.idx.msk [tilespmem:v13+s23+$0x0], $0xffff  }
0x9c: {  	v13 =	vld [tilespmem:s18+$0x180]  }
0x9d: {  	v15 =	vld [tilespmem:s31+$0x180]  }
0x9e: {  	s16 =	simm.s32 $0xC  }
0x9f: {  	v16 =	vmov s16  }
0xa0: {  	v16 =	vand.u32 $0x7C, v16  }
0xa1: {  	v16 =	vbroadcast v16, $0x0  }
0xa2: {  	v10 =	vadd.f32 v13, v10;
	v13 =	vmul.f32 v2, v15  }
0xa3: {  	v16 =	vor.u32 v1, v16  }
0xa4: {  	v15 =	vadd.f32 v13, v10;
	_ =	sdelay $0x1  }
0xa5: {  	[tilespmem:s0+$0x180] =	vst v15  }
0xa6: {  	v10 =	vld [tilespmem:s18+$0x200]  }
0xa7: {  	v13 =	vld.idx.msk [tilespmem:v16+s23+$0x0], $0xffff  }
0xa8: {  	s17 =	simm.s32 $0xD;
	v16 =	vld [tilespmem:s31+$0x200]  }
0xa9: {  	v18 =	vmov s17  }
0xaa: {  	v18 =	vand.u32 $0x7D, v18  }
0xab: {  	v18 =	vbroadcast v18, $0x0;
	_ =	sdelay $0x1  }
0xac: {  	v10 =	vadd.f32 v10, v13;
	v13 =	vmul.f32 v2, v16;
	v16 =	vor.u32 v1, v18;
	_ =	sdelay $0x1  }
0xad: {  	v19 =	vadd.f32 v13, v10  }
0xae: {  	v10 =	vmul.f32 v3, v3  }
0xaf: {  	v13 =	vimm.f32 $0.0e+00;
	[tilespmem:s0+$0x200] =	vst v19  }
0xb0: {  	v18 =	vmul.f32 v4, v4;
	v10 =	vadd.f32 v10, v13;
	v16 =	vld.idx.msk [tilespmem:v16+s23+$0x0], $0xffff  }
0xb1: {  	s19 =	simm.s32 $0xE;
	v20 =	vld [tilespmem:s18+$0x280]  }
0xb2: {  	v22 =	vmov s19;
	v21 =	vld [tilespmem:s31+$0x280];
	v10 =	vadd.f32 v18, v10;
	v18 =	vmul.f32 v5, v5  }
0xb3: {  	v22 =	vand.u32 $0x7E, v22  }
0xb4: {  	v3 =	vadd.f32 v3, v13;
	v10 =	vadd.f32 v18, v10;
	v18 =	vmul.f32 v6, v6  }
0xb5: {  	v13 =	vbroadcast v22, $0x0  }
0xb6: {  	v4 =	vadd.f32 v4, v3;
	v10 =	vadd.f32 v18, v10;
	v18 =	vmul.f32 v8, v8  }
0xb7: {  	v13 =	vor.u32 v1, v13;
	v16 =	vadd.f32 v20, v16;
	v20 =	vmul.f32 v2, v21  }
0xb8: {  	v4 =	vadd.f32 v5, v4;
	v10 =	vadd.f32 v18, v10;
	v18 =	vmul.f32 v12, v12  }
0xb9: {  	v3 =	vadd.f32 v20, v16  }
0xba: {  	v4 =	vadd.f32 v6, v4;
	v5 =	vadd.f32 v18, v10;
	v10 =	vmul.f32 v14, v14  }
0xbb: {  	[tilespmem:s0+$0x280] =	vst v3  }
0xbc: {  	v6 =	vmul.f32 v17, v17;
	v4 =	vadd.f32 v8, v4;
	v8 =	vld [tilespmem:s18+$0x300];
	v5 =	vadd.f32 v10, v5  }
0xbd: {  	v10 =	vld.idx.msk [tilespmem:v13+s23+$0x0], $0xffff  }
0xbe: {  	v13 =	vadd.f32 v6, v5;
	v5 =	vld [tilespmem:s31+$0x300]  }
0xbf: {  	s20 =	simm.s32 $0xF  }
0xc0: {  	v22 =	vmul.f32 v19, v19;
	v4 =	vadd.f32 v12, v4;
	v6 =	vmov s20  }
0xc1: {  	v21 =	vmul.f32 v15, v15;
	v16 =	vmul.f32 v7, v7;
	v6 =	vand.u32 $0x7F, v6  }
0xc2: {  	v20 =	vmul.f32 v11, v11;
	v12 =	vadd.f32 v14, v4;
	v14 =	vbroadcast v6, $0x0  }
0xc3: {  	s29 =	smov.u32 s18;
	s14 =	simm.s32 $0x10500;
	v18 =	vmul.f32 v9, v9;
	v8 =	vadd.f32 v8, v10;
	v10 =	vmul.f32 v2, v5  }
0xc4: {  	s7 =	simm.s32 $0x4500;
	s16 =	simm.s32 $0x10;
	s17 =	smov.u32 s18;
	v4 =	vmul.f32 v3, v3;
	v6 =	vadd.f32 v17, v12;
	v5 =	vor.u32 v1, v14  }
.LBB2_4:
0xc5: {  	v8 =	vadd.f32 v10, v8;
	s0 =	sadd.s32 $0x800, s0;
	s17 =	sadd.s32 $0x1000, s17;
	s31 =	sadd.s32 $0x800, s31  }
0xc6: {  	p1 =	slt.u32 s16, $0x70;
	s19 =	smov.u32 s16;
	s16 =	sadd.s32 $0x10, s16;
	v6 =	vadd.f32 v7, v6  }
0xc7: {  	v7 =	vadd.f32 v16, v13;
	[tilespmem:s7+$0x300] =	vst v8;
	v10 =	vmul.f32 v8, v8  }
0xc8: {  	v6 =	vadd.f32 v9, v6;
	v9 =	vld [tilespmem:s29+$0x380];
	s29 =	smov.u32 s17  }
0xc9: {  	v7 =	vadd.f32 v18, v7;
	v12 =	vld [tilespmem:s14+$0x380];
	s14 =	smov.u32 s31  }
0xca: {  	v6 =	vadd.f32 v11, v6;
	v5 =	vld.idx.msk [tilespmem:v5+s23+$0x0], $0xffff  }
0xcb: {  	v7 =	vadd.f32 v20, v7  }
0xcc: {  	v6 =	vadd.f32 v15, v6  }
0xcd: {  	v11 =	vmov s19;
	v7 =	vadd.f32 v21, v7  }
0xce: {  	v11 =	vand.u32 $0x70, v11;
	v6 =	vadd.f32 v19, v6;
	v12 =	vmul.f32 v2, v12  }
0xcf: {  	v11 =	vbroadcast v11, $0x0;
	v7 =	vadd.f32 v22, v7  }
0xd0: {  	v5 =	vadd.f32 v9, v5;
	v3 =	vadd.f32 v3, v6  }
0xd1: {  	v6 =	vor.u32 v1, v11;
	v4 =	vadd.f32 v4, v7  }
0xd2: {  	v5 =	vadd.f32 v12, v5;
	v3 =	vadd.f32 v8, v3  }
0xd3: {  	v4 =	vadd.f32 v10, v4  }
0xd4: {  	[tilespmem:s7+$0x380] =	vst v5;
	v3 =	vadd.f32 v5, v3;
	v5 =	vmul.f32 v5, v5;
	s7 =	smov.u32 s0  }
0xd5: {  	v7 =	vld [tilespmem:s31+$0xFFFFFC00]  }
0xd6: {  	v6 =	vld.idx.msk [tilespmem:v6+s23+$0x0], $0xffff;
	v5 =	vadd.f32 v5, v4  }
0xd7: {  	s20 =	sadd.s32 $0x1, s19;
	v4 =	vld [tilespmem:s17+$0xFFFFF800]  }
0xd8: {  	v8 =	vmov s20  }
0xd9: {  	v8 =	vand.u32 $0x71, v8  }
0xda: {  	v8 =	vbroadcast v8, $0x0;
	_ =	sdelay $0x1  }
0xdb: {  	v4 =	vadd.f32 v4, v6;
	v6 =	vmul.f32 v2, v7;
	v7 =	vor.u32 v1, v8;
	_ =	sdelay $0x1  }
0xdc: {  	v4 =	vadd.f32 v6, v4;
	_ =	sdelay $0x1  }
0xdd: {  	[tilespmem:s0+$0xFFFFFC00] =	vst v4;
	v6 =	vmul.f32 v4, v4  }
0xde: {  	v8 =	vld [tilespmem:s17+$0xFFFFF880]  }
0xdf: {  	v6 =	vadd.f32 v6, v5;
	v5 =	vld.idx.msk [tilespmem:v7+s23+$0x0], $0xffff  }
0xe0: {  	s20 =	sadd.s32 $0x2, s19;
	v7 =	vld [tilespmem:s31+$0xFFFFFC80]  }
0xe1: {  	v9 =	vmov s20  }
0xe2: {  	v9 =	vand.u32 $0x72, v9  }
0xe3: {  	v9 =	vbroadcast v9, $0x0;
	_ =	sdelay $0x1  }
0xe4: {  	v5 =	vadd.f32 v8, v5;
	v8 =	vor.u32 v1, v9;
	v7 =	vmul.f32 v2, v7;
	_ =	sdelay $0x1  }
0xe5: {  	v5 =	vadd.f32 v7, v5;
	_ =	sdelay $0x1  }
0xe6: {  	[tilespmem:s0+$0xFFFFFC80] =	vst v5;
	v7 =	vmul.f32 v5, v5  }
0xe7: {  	v8 =	vld.idx.msk [tilespmem:v8+s23+$0x0], $0xffff  }
0xe8: {  	v7 =	vadd.f32 v7, v6;
	v6 =	vld [tilespmem:s31+$0xFFFFFD00]  }
0xe9: {  	s20 =	sadd.s32 $0x3, s19;
	v9 =	vld [tilespmem:s17+$0xFFFFF900]  }
0xea: {  	v10 =	vmov s20  }
0xeb: {  	v10 =	vand.u32 $0x73, v10  }
0xec: {  	v10 =	vbroadcast v10, $0x0  }
0xed: {  	v6 =	vmul.f32 v2, v6  }
0xee: {  	v8 =	vadd.f32 v9, v8;
	v9 =	vor.u32 v1, v10;
	_ =	sdelay $0x1  }
0xef: {  	v6 =	vadd.f32 v6, v8;
	_ =	sdelay $0x1  }
0xf0: {  	[tilespmem:s0+$0xFFFFFD00] =	vst v6  }
0xf1: {  	v8 =	vld.idx.msk [tilespmem:v9+s23+$0x0], $0xffff  }
0xf2: {  	v9 =	vld [tilespmem:s31+$0xFFFFFD80]  }
0xf3: {  	s20 =	sadd.s32 $0x4, s19;
	v10 =	vld [tilespmem:s17+$0xFFFFF980]  }
0xf4: {  	v11 =	vmov s20  }
0xf5: {  	v11 =	vand.u32 $0x74, v11  }
0xf6: {  	v11 =	vbroadcast v11, $0x0  }
0xf7: {  	v9 =	vmul.f32 v2, v9  }
0xf8: {  	v8 =	vadd.f32 v10, v8;
	v10 =	vor.u32 v1, v11;
	_ =	sdelay $0x1  }
0xf9: {  	v11 =	vmul.f32 v6, v6;
	v8 =	vadd.f32 v9, v8;
	_ =	sdelay $0x1  }
0xfa: {  	v7 =	vadd.f32 v11, v7;
	[tilespmem:s0+$0xFFFFFD80] =	vst v8;
	v9 =	vmul.f32 v8, v8  }
0xfb: {  	v10 =	vld.idx.msk [tilespmem:v10+s23+$0x0], $0xffff  }
0xfc: {  	v7 =	vadd.f32 v9, v7;
	v9 =	vld [tilespmem:s17+$0xFFFFFA00]  }
0xfd: {  	s20 =	sadd.s32 $0x5, s19;
	v11 =	vld [tilespmem:s31+$0xFFFFFE00]  }
0xfe: {  	v12 =	vmov s20  }
0xff: {  	v12 =	vand.u32 $0x75, v12  }
0x100: {  	v12 =	vbroadcast v12, $0x0  }
0x101: {  	v9 =	vadd.f32 v9, v10  }
0x102: {  	v10 =	vmul.f32 v2, v11;
	v11 =	vor.u32 v1, v12;
	_ =	sdelay $0x1  }
0x103: {  	v10 =	vadd.f32 v10, v9;
	_ =	sdelay $0x1  }
0x104: {  	[tilespmem:s0+$0xFFFFFE00] =	vst v10;
	v9 =	vmul.f32 v10, v10  }
0x105: {  	v11 =	vld.idx.msk [tilespmem:v11+s23+$0x0], $0xffff  }
0x106: {  	v7 =	vadd.f32 v9, v7;
	v9 =	vld [tilespmem:s17+$0xFFFFFA80]  }
0x107: {  	s20 =	sadd.s32 $0x6, s19;
	v12 =	vld [tilespmem:s31+$0xFFFFFE80]  }
0x108: {  	v13 =	vmov s20  }
0x109: {  	v13 =	vand.u32 $0x76, v13  }
0x10a: {  	v13 =	vbroadcast v13, $0x0  }
0x10b: {  	v9 =	vadd.f32 v9, v11  }
0x10c: {  	v13 =	vor.u32 v1, v13;
	v11 =	vmul.f32 v2, v12;
	_ =	sdelay $0x1  }
0x10d: {  	v12 =	vadd.f32 v11, v9;
	_ =	sdelay $0x1  }
0x10e: {  	[tilespmem:s0+$0xFFFFFE80] =	vst v12;
	v9 =	vmul.f32 v12, v12  }
0x10f: {  	v11 =	vld.idx.msk [tilespmem:v13+s23+$0x0], $0xffff  }
0x110: {  	v7 =	vadd.f32 v9, v7;
	v9 =	vld [tilespmem:s17+$0xFFFFFB00]  }
0x111: {  	s20 =	sadd.s32 $0x7, s19;
	v13 =	vld [tilespmem:s31+$0xFFFFFF00]  }
0x112: {  	v14 =	vmov s20  }
0x113: {  	v14 =	vand.u32 $0x77, v14  }
0x114: {  	v14 =	vbroadcast v14, $0x0  }
0x115: {  	v9 =	vadd.f32 v9, v11  }
0x116: {  	v11 =	vmul.f32 v2, v13;
	v13 =	vor.u32 v1, v14;
	_ =	sdelay $0x1  }
0x117: {  	v14 =	vadd.f32 v11, v9;
	_ =	sdelay $0x1  }
0x118: {  	[tilespmem:s0+$0xFFFFFF00] =	vst v14;
	v9 =	vmul.f32 v14, v14  }
0x119: {  	v11 =	vld.idx.msk [tilespmem:v13+s23+$0x0], $0xffff  }
0x11a: {  	v7 =	vadd.f32 v9, v7;
	v9 =	vld [tilespmem:s17+$0xFFFFFB80]  }
0x11b: {  	s20 =	sadd.s32 $0x8, s19;
	v13 =	vld [tilespmem:s31+$0xFFFFFF80]  }
0x11c: {  	v15 =	vmov s20  }
0x11d: {  	v15 =	vand.u32 $0x78, v15  }
0x11e: {  	v15 =	vbroadcast v15, $0x0  }
0x11f: {  	v9 =	vadd.f32 v9, v11  }
0x120: {  	v11 =	vmul.f32 v2, v13;
	v13 =	vor.u32 v1, v15;
	_ =	sdelay $0x1  }
0x121: {  	v17 =	vadd.f32 v11, v9;
	_ =	sdelay $0x1  }
0x122: {  	[tilespmem:s0+$0xFFFFFF80] =	vst v17;
	v9 =	vmul.f32 v17, v17  }
0x123: {  	v11 =	vld.idx.msk [tilespmem:v13+s23+$0x0], $0xffff  }
0x124: {  	v13 =	vadd.f32 v9, v7;
	v7 =	vld [tilespmem:s17+$0x0]  }
0x125: {  	s20 =	sadd.s32 $0x9, s19;
	v9 =	vld [tilespmem:s31+$0x0]  }
0x126: {  	v15 =	vmov s20  }
0x127: {  	v15 =	vand.u32 $0x79, v15  }
0x128: {  	v15 =	vbroadcast v15, $0x0  }
0x129: {  	v7 =	vadd.f32 v7, v11  }
0x12a: {  	v11 =	vor.u32 v1, v15;
	v9 =	vmul.f32 v2, v9;
	_ =	sdelay $0x1  }
0x12b: {  	v7 =	vadd.f32 v9, v7;
	_ =	sdelay $0x1  }
0x12c: {  	[tilespmem:s0+$0x0] =	vst v7;
	v16 =	vmul.f32 v7, v7  }
0x12d: {  	v9 =	vld.idx.msk [tilespmem:v11+s23+$0x0], $0xffff  }
0x12e: {  	v11 =	vld [tilespmem:s17+$0x80]  }
0x12f: {  	s20 =	sadd.s32 $0xA, s19;
	v15 =	vld [tilespmem:s31+$0x80]  }
0x130: {  	v18 =	vmov s20  }
0x131: {  	v18 =	vand.u32 $0x7A, v18  }
0x132: {  	v18 =	vbroadcast v18, $0x0  }
0x133: {  	v9 =	vadd.f32 v11, v9  }
0x134: {  	v11 =	vmul.f32 v2, v15;
	v15 =	vor.u32 v1, v18;
	_ =	sdelay $0x1  }
0x135: {  	v9 =	vadd.f32 v11, v9;
	_ =	sdelay $0x1  }
0x136: {  	[tilespmem:s0+$0x80] =	vst v9;
	v18 =	vmul.f32 v9, v9  }
0x137: {  	v11 =	vld.idx.msk [tilespmem:v15+s23+$0x0], $0xffff  }
0x138: {  	v15 =	vld [tilespmem:s17+$0x100];
	_ =	sdelay $0x1  }
0x139: {  	s20 =	sadd.s32 $0xB, s19;
	v19 =	vld [tilespmem:s31+$0x100]  }
0x13a: {  	v20 =	vmov s20  }
0x13b: {  	v20 =	vand.u32 $0x7B, v20  }
0x13c: {  	v11 =	vadd.f32 v15, v11;
	v15 =	vbroadcast v20, $0x0;
	_ =	sdelay $0x1  }
0x13d: {  	v19 =	vmul.f32 v2, v19;
	v15 =	vor.u32 v1, v15;
	_ =	sdelay $0x1  }
0x13e: {  	v11 =	vadd.f32 v19, v11;
	_ =	sdelay $0x1  }
0x13f: {  	[tilespmem:s0+$0x100] =	vst v11;
	v20 =	vmul.f32 v11, v11  }
0x140: {  	v15 =	vld.idx.msk [tilespmem:v15+s23+$0x0], $0xffff  }
0x141: {  	v19 =	vld [tilespmem:s17+$0x180]  }
0x142: {  	v21 =	vld [tilespmem:s31+$0x180]  }
0x143: {  	s20 =	sadd.s32 $0xC, s19  }
0x144: {  	v22 =	vmov s20  }
0x145: {  	v22 =	vand.u32 $0x7C, v22  }
0x146: {  	v15 =	vadd.f32 v19, v15;
	v19 =	vbroadcast v22, $0x0  }
0x147: {  	v21 =	vmul.f32 v2, v21  }
0x148: {  	v19 =	vor.u32 v1, v19  }
0x149: {  	v15 =	vadd.f32 v21, v15;
	_ =	sdelay $0x1  }
0x14a: {  	[tilespmem:s0+$0x180] =	vst v15;
	v21 =	vmul.f32 v15, v15  }
0x14b: {  	v22 =	vld [tilespmem:s17+$0x200]  }
0x14c: {  	v19 =	vld.idx.msk [tilespmem:v19+s23+$0x0], $0xffff  }
0x14d: {  	v23 =	vld [tilespmem:s31+$0x200]  }
0x14e: {  	s20 =	sadd.s32 $0xD, s19  }
0x14f: {  	v24 =	vmov s20  }
0x150: {  	v24 =	vand.u32 $0x7D, v24  }
0x151: {  	v24 =	vbroadcast v24, $0x0  }
0x152: {  	v19 =	vadd.f32 v22, v19;
	v22 =	vmul.f32 v2, v23  }
0x153: {  	v23 =	vor.u32 v1, v24  }
0x154: {  	v19 =	vadd.f32 v22, v19;
	_ =	sdelay $0x1  }
0x155: {  	[tilespmem:s0+$0x200] =	vst v19;
	v22 =	vmul.f32 v19, v19  }
0x156: {  	v24 =	vld [tilespmem:s31+$0x280]  }
0x157: {  	v23 =	vld.idx.msk [tilespmem:v23+s23+$0x0], $0xffff  }
0x158: {  	v25 =	vld [tilespmem:s17+$0x280]  }
0x159: {  	s20 =	sadd.s32 $0xE, s19  }
0x15a: {  	v26 =	vmov s20  }
0x15b: {  	v26 =	vand.u32 $0x7E, v26  }
0x15c: {  	v3 =	vadd.f32 v4, v3;
	v4 =	vbroadcast v26, $0x0  }
0x15d: {  	v24 =	vmul.f32 v2, v24;
	v23 =	vadd.f32 v25, v23  }
0x15e: {  	v5 =	vadd.f32 v5, v3;
	v25 =	vor.u32 v1, v4  }
0x15f: {  	v3 =	vadd.f32 v24, v23  }
0x160: {  	v5 =	vadd.f32 v6, v5  }
0x161: {  	[tilespmem:s0+$0x280] =	vst v3;
	v4 =	vmul.f32 v3, v3  }
0x162: {  	v5 =	vadd.f32 v8, v5;
	v6 =	vld [tilespmem:s31+$0x300]  }
0x163: {  	v8 =	vld.idx.msk [tilespmem:v25+s23+$0x0], $0xffff  }
0x164: {  	v5 =	vadd.f32 v10, v5;
	v10 =	vld [tilespmem:s17+$0x300]  }
0x165: {  	s19 =	sadd.s32 $0xF, s19  }
.Ltmp0:
0x166: {  	v5 =	vadd.f32 v12, v5;
	v12 =	vmov s19;
	(pc) =	sbr.rel @p1 .LBB2_4-.Ltmp0, $4  }
0x167: {  	v12 =	vand.u32 $0x7F, v12  }
0x168: {  	v5 =	vadd.f32 v14, v5;
	v12 =	vbroadcast v12, $0x0  }
0x169: {  	v8 =	vadd.f32 v10, v8;
	v10 =	vmul.f32 v2, v6  }
0x16a: {  	v6 =	vadd.f32 v17, v5;
	v5 =	vor.u32 v1, v12  }
0x16b: {  	v8 =	vadd.f32 v10, v8  }
0x16c: {  	v6 =	vadd.f32 v7, v6  }
0x16d: {  	[tilespmem:s7+$0x300] =	vst v8  }
0x16e: {  	v7 =	vadd.f32 v16, v13;
	v6 =	vadd.f32 v9, v6;
	v62 =	vld [tilespmem:s29+$0x380]  }
0x16f: {  	v63 =	vld [tilespmem:s14+$0x380]  }
0x170: {  	v7 =	vadd.f32 v18, v7;
	v5 =	vld.idx.msk [tilespmem:v5+s23+$0x0], $0xffff;
	v6 =	vadd.f32 v11, v6;
	_ =	sdelay $0x1  }
0x171: {  	v7 =	vadd.f32 v20, v7;
	v6 =	vadd.f32 v15, v6;
	_ =	sdelay $0x1  }
0x172: {  	v7 =	vadd.f32 v21, v7;
	v6 =	vadd.f32 v19, v6  }
0x173: {  	v2 =	vmul.f32 v2, v63;
	v5 =	vadd.f32 v62, v5  }
0x174: {  	v7 =	vadd.f32 v22, v7;
	v3 =	vadd.f32 v3, v6  }
0x175: {  	v2 =	vadd.f32 v2, v5  }
0x176: {  	v4 =	vadd.f32 v4, v7;
	v6 =	vmul.f32 v8, v8;
	v3 =	vadd.f32 v8, v3;
	_ =	sdelay $0x1  }
0x177: {  	v5 =	vmul.f32 v2, v2;
	v4 =	vadd.f32 v6, v4;
	v3 =	vadd.f32 v2, v3;
	_ =	sdelay $0x1  }
0x178: {  	v4 =	vadd.f32 v5, v4;
	v3 =	vmul.f32 $7.812500000e-03, v3;
	_ =	sdelay $0x1  }
0x179: {  	v4 =	vmul.f32 $7.812500000e-03, v4;
	v5 =	vmul.f32 v3, v3;
	_ =	sdelay $0x1  }
0x17a: {  	v4 =	vsub.f32 v4, v5;
	_ =	sdelay $0x1  }
0x17b: {  	v4 =	vadd.f32 $9.999999960e-13, v4;
	_ =	sdelay $0x1  }
0x17c: {  	v5 =	vshrl.u32 v4, $0x1;
	v4 =	vmul.f32 $5.000000000e-01, v4  }
0x17d: {  	v5 =	vsub.s32 $0x5F3759DF, v5  }
0x17e: {  	v6 =	vmul.f32 v5, v4;
	_ =	sdelay $0x1  }
0x17f: {  	v6 =	vmul.f32 v5, v6;
	_ =	sdelay $0x1  }
0x180: {  	v6 =	vsub.f32 $1.500000000e+00, v6;
	_ =	sdelay $0x1  }
0x181: {  	v5 =	vmul.f32 v5, v6;
	_ =	sdelay $0x1  }
0x182: {  	v6 =	vmul.f32 v5, v4;
	_ =	sdelay $0x1  }
0x183: {  	v6 =	vmul.f32 v6, v5;
	_ =	sdelay $0x1  }
0x184: {  	v6 =	vsub.f32 $1.500000000e+00, v6;
	_ =	sdelay $0x1  }
0x185: {  	v5 =	vmul.f32 v6, v5;
	_ =	sdelay $0x1  }
0x186: {  	v4 =	vmul.f32 v5, v4;
	_ =	sdelay $0x1  }
0x187: {  	s31 =	simm.s32 $0x4500;
	[tilespmem:s7+$0x380] =	vst v2;
	v2 =	vmul.f32 v4, v5  }
0x188: {  	v4 =	vld [tilespmem:s31+$0xFFFFFC00]  }
0x189: {  	v2 =	vsub.f32 $1.500000000e+00, v2;
	_ =	sdelay $0x1  }
0x18a: {  	s0 =	simm.s32 $0x14500;
	s14 =	simm.s32 $0x0;
	v3 =	vsub.f32 $0.0e+00, v3;
	v2 =	vmul.f32 v2, v5  }
0x18b: {  	v6 =	vld [tilespmem:s0+$0xFFFFFC00];
	v5 =	vmov s14  }
0x18c: {  	s7 =	simm.s32 $0x18500;
	v5 =	vand.u32 $0x70, v5;
	v3 =	vmul.f32 v2, v3;
	v4 =	vmul.f32 v4, v2  }
0x18d: {  	v7 =	vld [tilespmem:s7+$0xFFFFFC00];
	v5 =	vbroadcast v5, $0x0  }
0x18e: {  	v4 =	vadd.f32 v4, v3  }
0x18f: {  	v5 =	vor.u32 v1, v5  }
0x190: {  	v4 =	vmul.f32 v4, v6;
	_ =	sdelay $0x1  }
0x191: {  	v4 =	vadd.f32 v4, v7;
	_ =	sdelay $0x1  }
0x192: {  	[tilespmem:v5+s23+$0x0] =	vst.idx.msk $0xffff, v4  }
0x193: {  	v4 =	vld [tilespmem:s31+$0xFFFFFC80];
	_ =	sdelay $0x2  }
0x194: {  	s16 =	simm.s32 $0x1  }
0x195: {  	v5 =	vmov s16;
	v6 =	vld [tilespmem:s0+$0xFFFFFC80]  }
0x196: {  	v5 =	vand.u32 $0x71, v5;
	v4 =	vmul.f32 v4, v2  }
0x197: {  	v7 =	vld [tilespmem:s7+$0xFFFFFC80];
	v5 =	vbroadcast v5, $0x0  }
0x198: {  	v4 =	vadd.f32 v4, v3  }
0x199: {  	v5 =	vor.u32 v1, v5  }
0x19a: {  	v4 =	vmul.f32 v4, v6;
	_ =	sdelay $0x1  }
0x19b: {  	v4 =	vadd.f32 v4, v7;
	_ =	sdelay $0x1  }
0x19c: {  	[tilespmem:v5+s23+$0x0] =	vst.idx.msk $0xffff, v4  }
0x19d: {  	v4 =	vld [tilespmem:s31+$0xFFFFFD00];
	_ =	sdelay $0x2  }
0x19e: {  	s17 =	simm.s32 $0x2  }
0x19f: {  	v5 =	vmov s17;
	v6 =	vld [tilespmem:s0+$0xFFFFFD00]  }
0x1a0: {  	v5 =	vand.u32 $0x72, v5;
	v4 =	vmul.f32 v4, v2  }
0x1a1: {  	v7 =	vld [tilespmem:s7+$0xFFFFFD00];
	v5 =	vbroadcast v5, $0x0  }
0x1a2: {  	v4 =	vadd.f32 v4, v3  }
0x1a3: {  	v5 =	vor.u32 v1, v5  }
0x1a4: {  	v4 =	vmul.f32 v4, v6;
	_ =	sdelay $0x1  }
0x1a5: {  	v4 =	vadd.f32 v4, v7;
	_ =	sdelay $0x1  }
0x1a6: {  	[tilespmem:v5+s23+$0x0] =	vst.idx.msk $0xffff, v4  }
0x1a7: {  	v4 =	vld [tilespmem:s31+$0xFFFFFD80];
	_ =	sdelay $0x2  }
0x1a8: {  	s19 =	simm.s32 $0x3  }
0x1a9: {  	v5 =	vmov s19;
	v6 =	vld [tilespmem:s0+$0xFFFFFD80]  }
0x1aa: {  	v5 =	vand.u32 $0x73, v5;
	v4 =	vmul.f32 v4, v2  }
0x1ab: {  	v7 =	vld [tilespmem:s7+$0xFFFFFD80];
	v5 =	vbroadcast v5, $0x0  }
0x1ac: {  	v4 =	vadd.f32 v4, v3  }
0x1ad: {  	v5 =	vor.u32 v1, v5  }
0x1ae: {  	v4 =	vmul.f32 v4, v6;
	_ =	sdelay $0x1  }
0x1af: {  	v4 =	vadd.f32 v4, v7;
	_ =	sdelay $0x1  }
0x1b0: {  	[tilespmem:v5+s23+$0x0] =	vst.idx.msk $0xffff, v4  }
0x1b1: {  	v4 =	vld [tilespmem:s31+$0xFFFFFE00];
	_ =	sdelay $0x2  }
0x1b2: {  	s20 =	simm.s32 $0x4  }
0x1b3: {  	v5 =	vmov s20;
	v6 =	vld [tilespmem:s0+$0xFFFFFE00]  }
0x1b4: {  	v5 =	vand.u32 $0x74, v5;
	v4 =	vmul.f32 v4, v2  }
0x1b5: {  	v7 =	vld [tilespmem:s7+$0xFFFFFE00];
	v5 =	vbroadcast v5, $0x0  }
0x1b6: {  	v4 =	vadd.f32 v4, v3  }
0x1b7: {  	v5 =	vor.u32 v1, v5  }
0x1b8: {  	v4 =	vmul.f32 v4, v6;
	_ =	sdelay $0x1  }
0x1b9: {  	v4 =	vadd.f32 v4, v7;
	_ =	sdelay $0x1  }
0x1ba: {  	[tilespmem:v5+s23+$0x0] =	vst.idx.msk $0xffff, v4  }
0x1bb: {  	v4 =	vld [tilespmem:s31+$0xFFFFFE80];
	_ =	sdelay $0x2  }
0x1bc: {  	s29 =	simm.s32 $0x5  }
0x1bd: {  	v5 =	vmov s29;
	v6 =	vld [tilespmem:s0+$0xFFFFFE80]  }
0x1be: {  	v5 =	vand.u32 $0x75, v5;
	v4 =	vmul.f32 v4, v2  }
0x1bf: {  	v7 =	vld [tilespmem:s7+$0xFFFFFE80];
	v5 =	vbroadcast v5, $0x0  }
0x1c0: {  	v4 =	vadd.f32 v4, v3  }
0x1c1: {  	v5 =	vor.u32 v1, v5  }
0x1c2: {  	v4 =	vmul.f32 v4, v6;
	_ =	sdelay $0x1  }
0x1c3: {  	v4 =	vadd.f32 v4, v7;
	_ =	sdelay $0x1  }
0x1c4: {  	[tilespmem:v5+s23+$0x0] =	vst.idx.msk $0xffff, v4  }
0x1c5: {  	v4 =	vld [tilespmem:s31+$0xFFFFFF00];
	_ =	sdelay $0x2  }
0x1c6: {  	s16 =	simm.s32 $0x6  }
0x1c7: {  	v5 =	vmov s16;
	v6 =	vld [tilespmem:s0+$0xFFFFFF00]  }
0x1c8: {  	v5 =	vand.u32 $0x76, v5;
	v4 =	vmul.f32 v4, v2  }
0x1c9: {  	v7 =	vld [tilespmem:s7+$0xFFFFFF00];
	v5 =	vbroadcast v5, $0x0  }
0x1ca: {  	v4 =	vadd.f32 v4, v3  }
0x1cb: {  	v5 =	vor.u32 v1, v5  }
0x1cc: {  	v4 =	vmul.f32 v4, v6;
	_ =	sdelay $0x1  }
0x1cd: {  	v4 =	vadd.f32 v4, v7;
	_ =	sdelay $0x1  }
0x1ce: {  	[tilespmem:v5+s23+$0x0] =	vst.idx.msk $0xffff, v4  }
0x1cf: {  	v4 =	vld [tilespmem:s31+$0xFFFFFF80];
	_ =	sdelay $0x2  }
0x1d0: {  	s17 =	simm.s32 $0x7  }
0x1d1: {  	v5 =	vmov s17;
	v6 =	vld [tilespmem:s0+$0xFFFFFF80]  }
0x1d2: {  	v5 =	vand.u32 $0x77, v5;
	v4 =	vmul.f32 v4, v2  }
0x1d3: {  	v7 =	vld [tilespmem:s7+$0xFFFFFF80];
	v5 =	vbroadcast v5, $0x0  }
0x1d4: {  	v4 =	vadd.f32 v4, v3  }
0x1d5: {  	v5 =	vor.u32 v1, v5  }
0x1d6: {  	v4 =	vmul.f32 v4, v6;
	_ =	sdelay $0x1  }
0x1d7: {  	v4 =	vadd.f32 v4, v7;
	_ =	sdelay $0x1  }
0x1d8: {  	[tilespmem:v5+s23+$0x0] =	vst.idx.msk $0xffff, v4  }
0x1d9: {  	v4 =	vld [tilespmem:s31+$0x0];
	_ =	sdelay $0x2  }
0x1da: {  	s19 =	simm.s32 $0x8  }
0x1db: {  	v5 =	vmov s19;
	v6 =	vld [tilespmem:s0+$0x0]  }
0x1dc: {  	v5 =	vand.u32 $0x78, v5;
	v4 =	vmul.f32 v4, v2  }
0x1dd: {  	v7 =	vld [tilespmem:s7+$0x0];
	v5 =	vbroadcast v5, $0x0  }
0x1de: {  	v4 =	vadd.f32 v4, v3  }
0x1df: {  	v5 =	vor.u32 v1, v5  }
0x1e0: {  	v4 =	vmul.f32 v4, v6;
	_ =	sdelay $0x1  }
0x1e1: {  	v4 =	vadd.f32 v4, v7;
	_ =	sdelay $0x1  }
0x1e2: {  	[tilespmem:v5+s23+$0x0] =	vst.idx.msk $0xffff, v4  }
0x1e3: {  	v4 =	vld [tilespmem:s31+$0x80];
	_ =	sdelay $0x2  }
0x1e4: {  	s20 =	simm.s32 $0x9  }
0x1e5: {  	v6 =	vmov s20;
	v5 =	vld [tilespmem:s0+$0x80]  }
0x1e6: {  	v6 =	vand.u32 $0x79, v6;
	v4 =	vmul.f32 v4, v2  }
0x1e7: {  	v6 =	vbroadcast v6, $0x0;
	v7 =	vld [tilespmem:s7+$0x80]  }
0x1e8: {  	v4 =	vadd.f32 v4, v3  }
0x1e9: {  	v6 =	vor.u32 v1, v6  }
0x1ea: {  	v4 =	vmul.f32 v4, v5;
	_ =	sdelay $0x1  }
0x1eb: {  	v4 =	vadd.f32 v4, v7;
	_ =	sdelay $0x1  }
0x1ec: {  	[tilespmem:v6+s23+$0x0] =	vst.idx.msk $0xffff, v4  }
0x1ed: {  	v4 =	vld [tilespmem:s31+$0x100];
	_ =	sdelay $0x2  }
0x1ee: {  	s29 =	simm.s32 $0xA  }
0x1ef: {  	v6 =	vmov s29;
	v5 =	vld [tilespmem:s0+$0x100]  }
0x1f0: {  	v6 =	vand.u32 $0x7A, v6;
	v4 =	vmul.f32 v4, v2  }
0x1f1: {  	v7 =	vld [tilespmem:s7+$0x100];
	v6 =	vbroadcast v6, $0x0  }
0x1f2: {  	v4 =	vadd.f32 v4, v3  }
0x1f3: {  	v6 =	vor.u32 v1, v6  }
0x1f4: {  	v4 =	vmul.f32 v4, v5;
	_ =	sdelay $0x1  }
0x1f5: {  	v4 =	vadd.f32 v4, v7;
	_ =	sdelay $0x1  }
0x1f6: {  	[tilespmem:v6+s23+$0x0] =	vst.idx.msk $0xffff, v4  }
0x1f7: {  	v4 =	vld [tilespmem:s31+$0x180];
	_ =	sdelay $0x2  }
0x1f8: {  	s16 =	simm.s32 $0xB  }
0x1f9: {  	v6 =	vmov s16;
	v5 =	vld [tilespmem:s0+$0x180]  }
0x1fa: {  	v6 =	vand.u32 $0x7B, v6;
	v4 =	vmul.f32 v4, v2  }
0x1fb: {  	v7 =	vld [tilespmem:s7+$0x180];
	v6 =	vbroadcast v6, $0x0  }
0x1fc: {  	v4 =	vadd.f32 v4, v3  }
0x1fd: {  	v6 =	vor.u32 v1, v6  }
0x1fe: {  	v4 =	vmul.f32 v4, v5;
	_ =	sdelay $0x1  }
0x1ff: {  	v4 =	vadd.f32 v4, v7;
	_ =	sdelay $0x1  }
0x200: {  	[tilespmem:v6+s23+$0x0] =	vst.idx.msk $0xffff, v4  }
0x201: {  	v4 =	vld [tilespmem:s31+$0x200];
	_ =	sdelay $0x2  }
0x202: {  	s17 =	simm.s32 $0xC  }
0x203: {  	v6 =	vmov s17;
	v5 =	vld [tilespmem:s0+$0x200]  }
0x204: {  	v6 =	vand.u32 $0x7C, v6;
	v4 =	vmul.f32 v4, v2  }
0x205: {  	v7 =	vld [tilespmem:s7+$0x200];
	v6 =	vbroadcast v6, $0x0  }
0x206: {  	v4 =	vadd.f32 v4, v3  }
0x207: {  	v6 =	vor.u32 v1, v6  }
0x208: {  	v4 =	vmul.f32 v4, v5;
	_ =	sdelay $0x1  }
0x209: {  	v4 =	vadd.f32 v4, v7;
	_ =	sdelay $0x1  }
0x20a: {  	[tilespmem:v6+s23+$0x0] =	vst.idx.msk $0xffff, v4  }
0x20b: {  	v4 =	vld [tilespmem:s31+$0x280];
	_ =	sdelay $0x2  }
0x20c: {  	s19 =	simm.s32 $0xD  }
0x20d: {  	v6 =	vmov s19;
	v5 =	vld [tilespmem:s0+$0x280]  }
0x20e: {  	v6 =	vand.u32 $0x7D, v6;
	v4 =	vmul.f32 v4, v2  }
0x20f: {  	v7 =	vld [tilespmem:s7+$0x280];
	v6 =	vbroadcast v6, $0x0  }
0x210: {  	v4 =	vadd.f32 v4, v3  }
0x211: {  	v6 =	vor.u32 v1, v6  }
0x212: {  	v4 =	vmul.f32 v4, v5;
	_ =	sdelay $0x1  }
0x213: {  	v4 =	vadd.f32 v4, v7;
	_ =	sdelay $0x1  }
0x214: {  	[tilespmem:v6+s23+$0x0] =	vst.idx.msk $0xffff, v4  }
0x215: {  	v4 =	vld [tilespmem:s31+$0x300];
	_ =	sdelay $0x2  }
0x216: {  	s20 =	simm.s32 $0xE  }
0x217: {  	v6 =	vmov s20;
	v5 =	vld [tilespmem:s0+$0x300]  }
0x218: {  	v6 =	vand.u32 $0x7E, v6;
	v4 =	vmul.f32 v4, v2  }
0x219: {  	v7 =	vld [tilespmem:s7+$0x300];
	v6 =	vbroadcast v6, $0x0  }
0x21a: {  	v4 =	vadd.f32 v4, v3  }
0x21b: {  	v6 =	vor.u32 v1, v6  }
0x21c: {  	v4 =	vmul.f32 v4, v5;
	_ =	sdelay $0x1  }
0x21d: {  	v4 =	vadd.f32 v4, v7;
	_ =	sdelay $0x1  }
0x21e: {  	[tilespmem:v6+s23+$0x0] =	vst.idx.msk $0xffff, v4  }
0x21f: {  	v4 =	vld [tilespmem:s31+$0x380];
	_ =	sdelay $0x3  }
0x220: {  	s29 =	simm.s32 $0xF;
	v5 =	vld [tilespmem:s0+$0x380]  }
0x221: {  	v7 =	vmov s29;
	v4 =	vmul.f32 v4, v2  }
0x222: {  	v7 =	vand.u32 $0x7F, v7  }
0x223: {  	v7 =	vbroadcast v7, $0x0;
	v6 =	vld [tilespmem:s7+$0x380];
	v4 =	vadd.f32 v4, v3;
	_ =	sdelay $0x1  }
0x224: {  	v5 =	vmul.f32 v4, v5;
	v4 =	vor.u32 v1, v7;
	_ =	sdelay $0x2  }
0x225: {  	s14 =	simm.s32 $0x10;
	v5 =	vadd.f32 v5, v6  }
.LBB2_6:
0x226: {  	_ = 	snop  }
0x227: {  	s0 =	sadd.s32 $0x800, s0;
	s7 =	sadd.s32 $0x800, s7;
	s31 =	sadd.s32 $0x800, s31;
	[tilespmem:v4+s23+$0x0] =	vst.idx.msk $0xffff, v5  }
0x228: {  	p1 =	slt.u32 s14, $0x70;
	s16 =	smov.u32 s14;
	s14 =	sadd.s32 $0x10, s14;
	v4 =	vld [tilespmem:s31+$0xFFFFFC00]  }
0x229: {  	_ =	sdelay $0x2  }
0x22a: {  	v5 =	vmov s16;
	v6 =	vld [tilespmem:s0+$0xFFFFFC00]  }
0x22b: {  	v5 =	vand.u32 $0x70, v5;
	v4 =	vmul.f32 v4, v2  }
0x22c: {  	v5 =	vbroadcast v5, $0x0;
	v7 =	vld [tilespmem:s7+$0xFFFFFC00]  }
0x22d: {  	v4 =	vadd.f32 v4, v3  }
0x22e: {  	v5 =	vor.u32 v1, v5  }
0x22f: {  	v4 =	vmul.f32 v4, v6;
	_ =	sdelay $0x1  }
0x230: {  	v4 =	vadd.f32 v4, v7;
	_ =	sdelay $0x1  }
0x231: {  	[tilespmem:v5+s23+$0x0] =	vst.idx.msk $0xffff, v4  }
0x232: {  	v4 =	vld [tilespmem:s31+$0xFFFFFC80];
	_ =	sdelay $0x2  }
0x233: {  	s17 =	sadd.s32 $0x1, s16  }
0x234: {  	v5 =	vmov s17;
	v6 =	vld [tilespmem:s0+$0xFFFFFC80]  }
0x235: {  	v5 =	vand.u32 $0x71, v5;
	v4 =	vmul.f32 v4, v2  }
0x236: {  	v5 =	vbroadcast v5, $0x0;
	v7 =	vld [tilespmem:s7+$0xFFFFFC80]  }
0x237: {  	v4 =	vadd.f32 v4, v3  }
0x238: {  	v5 =	vor.u32 v1, v5  }
0x239: {  	v4 =	vmul.f32 v4, v6;
	_ =	sdelay $0x1  }
0x23a: {  	v4 =	vadd.f32 v4, v7;
	_ =	sdelay $0x1  }
0x23b: {  	[tilespmem:v5+s23+$0x0] =	vst.idx.msk $0xffff, v4  }
0x23c: {  	v4 =	vld [tilespmem:s31+$0xFFFFFD00];
	_ =	sdelay $0x2  }
0x23d: {  	s17 =	sadd.s32 $0x2, s16  }
0x23e: {  	v5 =	vmov s17;
	v6 =	vld [tilespmem:s0+$0xFFFFFD00]  }
0x23f: {  	v5 =	vand.u32 $0x72, v5;
	v4 =	vmul.f32 v4, v2  }
0x240: {  	v5 =	vbroadcast v5, $0x0;
	v7 =	vld [tilespmem:s7+$0xFFFFFD00]  }
0x241: {  	v4 =	vadd.f32 v4, v3  }
0x242: {  	v5 =	vor.u32 v1, v5  }
0x243: {  	v4 =	vmul.f32 v4, v6;
	_ =	sdelay $0x1  }
0x244: {  	v4 =	vadd.f32 v4, v7;
	_ =	sdelay $0x1  }
0x245: {  	[tilespmem:v5+s23+$0x0] =	vst.idx.msk $0xffff, v4  }
0x246: {  	v4 =	vld [tilespmem:s31+$0xFFFFFD80];
	_ =	sdelay $0x2  }
0x247: {  	s17 =	sadd.s32 $0x3, s16  }
0x248: {  	v5 =	vmov s17;
	v6 =	vld [tilespmem:s0+$0xFFFFFD80]  }
0x249: {  	v5 =	vand.u32 $0x73, v5;
	v4 =	vmul.f32 v4, v2  }
0x24a: {  	v5 =	vbroadcast v5, $0x0;
	v7 =	vld [tilespmem:s7+$0xFFFFFD80]  }
0x24b: {  	v4 =	vadd.f32 v4, v3  }
0x24c: {  	v5 =	vor.u32 v1, v5  }
0x24d: {  	v4 =	vmul.f32 v4, v6;
	_ =	sdelay $0x1  }
0x24e: {  	v4 =	vadd.f32 v4, v7;
	_ =	sdelay $0x1  }
0x24f: {  	[tilespmem:v5+s23+$0x0] =	vst.idx.msk $0xffff, v4  }
0x250: {  	v4 =	vld [tilespmem:s31+$0xFFFFFE00];
	_ =	sdelay $0x2  }
0x251: {  	s17 =	sadd.s32 $0x4, s16  }
0x252: {  	v5 =	vmov s17;
	v6 =	vld [tilespmem:s0+$0xFFFFFE00]  }
0x253: {  	v5 =	vand.u32 $0x74, v5;
	v4 =	vmul.f32 v4, v2  }
0x254: {  	v5 =	vbroadcast v5, $0x0;
	v7 =	vld [tilespmem:s7+$0xFFFFFE00]  }
0x255: {  	v4 =	vadd.f32 v4, v3  }
0x256: {  	v5 =	vor.u32 v1, v5  }
0x257: {  	v4 =	vmul.f32 v4, v6;
	_ =	sdelay $0x1  }
0x258: {  	v4 =	vadd.f32 v4, v7;
	_ =	sdelay $0x1  }
0x259: {  	[tilespmem:v5+s23+$0x0] =	vst.idx.msk $0xffff, v4  }
0x25a: {  	v4 =	vld [tilespmem:s31+$0xFFFFFE80];
	_ =	sdelay $0x2  }
0x25b: {  	s17 =	sadd.s32 $0x5, s16  }
0x25c: {  	v5 =	vmov s17;
	v6 =	vld [tilespmem:s0+$0xFFFFFE80]  }
0x25d: {  	v5 =	vand.u32 $0x75, v5;
	v4 =	vmul.f32 v4, v2  }
0x25e: {  	v5 =	vbroadcast v5, $0x0;
	v7 =	vld [tilespmem:s7+$0xFFFFFE80]  }
0x25f: {  	v4 =	vadd.f32 v4, v3  }
0x260: {  	v5 =	vor.u32 v1, v5  }
0x261: {  	v4 =	vmul.f32 v4, v6;
	_ =	sdelay $0x1  }
0x262: {  	v4 =	vadd.f32 v4, v7;
	_ =	sdelay $0x1  }
0x263: {  	[tilespmem:v5+s23+$0x0] =	vst.idx.msk $0xffff, v4  }
0x264: {  	v4 =	vld [tilespmem:s31+$0xFFFFFF00];
	_ =	sdelay $0x2  }
0x265: {  	s17 =	sadd.s32 $0x6, s16  }
0x266: {  	v5 =	vmov s17;
	v6 =	vld [tilespmem:s0+$0xFFFFFF00]  }
0x267: {  	v5 =	vand.u32 $0x76, v5;
	v4 =	vmul.f32 v4, v2  }
0x268: {  	v5 =	vbroadcast v5, $0x0;
	v7 =	vld [tilespmem:s7+$0xFFFFFF00]  }
0x269: {  	v4 =	vadd.f32 v4, v3  }
0x26a: {  	v5 =	vor.u32 v1, v5  }
0x26b: {  	v4 =	vmul.f32 v4, v6;
	_ =	sdelay $0x1  }
0x26c: {  	v4 =	vadd.f32 v4, v7;
	_ =	sdelay $0x1  }
0x26d: {  	[tilespmem:v5+s23+$0x0] =	vst.idx.msk $0xffff, v4  }
0x26e: {  	v4 =	vld [tilespmem:s31+$0xFFFFFF80];
	_ =	sdelay $0x2  }
0x26f: {  	s17 =	sadd.s32 $0x7, s16  }
0x270: {  	v5 =	vmov s17;
	v6 =	vld [tilespmem:s0+$0xFFFFFF80]  }
0x271: {  	v5 =	vand.u32 $0x77, v5;
	v4 =	vmul.f32 v4, v2  }
0x272: {  	v5 =	vbroadcast v5, $0x0;
	v7 =	vld [tilespmem:s7+$0xFFFFFF80]  }
0x273: {  	v4 =	vadd.f32 v4, v3  }
0x274: {  	v5 =	vor.u32 v1, v5  }
0x275: {  	v4 =	vmul.f32 v4, v6;
	_ =	sdelay $0x1  }
0x276: {  	v4 =	vadd.f32 v4, v7;
	_ =	sdelay $0x1  }
0x277: {  	[tilespmem:v5+s23+$0x0] =	vst.idx.msk $0xffff, v4  }
0x278: {  	v4 =	vld [tilespmem:s31+$0x0];
	_ =	sdelay $0x2  }
0x279: {  	s17 =	sadd.s32 $0x8, s16  }
0x27a: {  	v5 =	vmov s17;
	v6 =	vld [tilespmem:s0+$0x0]  }
0x27b: {  	v5 =	vand.u32 $0x78, v5;
	v4 =	vmul.f32 v4, v2  }
0x27c: {  	v5 =	vbroadcast v5, $0x0;
	v7 =	vld [tilespmem:s7+$0x0]  }
0x27d: {  	v4 =	vadd.f32 v4, v3  }
0x27e: {  	v5 =	vor.u32 v1, v5  }
0x27f: {  	v4 =	vmul.f32 v4, v6;
	_ =	sdelay $0x1  }
0x280: {  	v4 =	vadd.f32 v4, v7;
	_ =	sdelay $0x1  }
0x281: {  	[tilespmem:v5+s23+$0x0] =	vst.idx.msk $0xffff, v4  }
0x282: {  	v4 =	vld [tilespmem:s31+$0x80]  }
0x283: {  	v5 =	vld [tilespmem:s0+$0x80]  }
0x284: {  	v6 =	vld [tilespmem:s7+$0x80]  }
0x285: {  	s17 =	sadd.s32 $0x9, s16  }
0x286: {  	v7 =	vmov s17  }
0x287: {  	v7 =	vand.u32 $0x79, v7;
	v4 =	vmul.f32 v4, v2  }
0x288: {  	v7 =	vbroadcast v7, $0x0  }
0x289: {  	v4 =	vadd.f32 v4, v3  }
0x28a: {  	v7 =	vor.u32 v1, v7  }
0x28b: {  	v4 =	vmul.f32 v4, v5;
	_ =	sdelay $0x1  }
0x28c: {  	v4 =	vadd.f32 v4, v6;
	_ =	sdelay $0x1  }
0x28d: {  	[tilespmem:v7+s23+$0x0] =	vst.idx.msk $0xffff, v4  }
0x28e: {  	v4 =	vld [tilespmem:s31+$0x100]  }
0x28f: {  	v5 =	vld [tilespmem:s0+$0x100]  }
0x290: {  	v6 =	vld [tilespmem:s7+$0x100]  }
0x291: {  	s17 =	sadd.s32 $0xA, s16  }
0x292: {  	v7 =	vmov s17  }
0x293: {  	v7 =	vand.u32 $0x7A, v7;
	v4 =	vmul.f32 v4, v2  }
0x294: {  	v7 =	vbroadcast v7, $0x0  }
0x295: {  	v4 =	vadd.f32 v4, v3  }
0x296: {  	v7 =	vor.u32 v1, v7  }
0x297: {  	v4 =	vmul.f32 v4, v5;
	_ =	sdelay $0x1  }
0x298: {  	v4 =	vadd.f32 v4, v6;
	_ =	sdelay $0x1  }
0x299: {  	[tilespmem:v7+s23+$0x0] =	vst.idx.msk $0xffff, v4  }
0x29a: {  	v4 =	vld [tilespmem:s31+$0x180]  }
0x29b: {  	v5 =	vld [tilespmem:s0+$0x180]  }
0x29c: {  	v6 =	vld [tilespmem:s7+$0x180]  }
0x29d: {  	s17 =	sadd.s32 $0xB, s16  }
0x29e: {  	v7 =	vmov s17  }
0x29f: {  	v7 =	vand.u32 $0x7B, v7;
	v4 =	vmul.f32 v4, v2  }
0x2a0: {  	v7 =	vbroadcast v7, $0x0  }
0x2a1: {  	v4 =	vadd.f32 v4, v3  }
0x2a2: {  	v7 =	vor.u32 v1, v7  }
0x2a3: {  	v4 =	vmul.f32 v4, v5;
	_ =	sdelay $0x1  }
0x2a4: {  	v4 =	vadd.f32 v4, v6;
	_ =	sdelay $0x1  }
0x2a5: {  	[tilespmem:v7+s23+$0x0] =	vst.idx.msk $0xffff, v4  }
0x2a6: {  	v4 =	vld [tilespmem:s31+$0x200]  }
0x2a7: {  	v5 =	vld [tilespmem:s0+$0x200]  }
0x2a8: {  	v6 =	vld [tilespmem:s7+$0x200]  }
0x2a9: {  	s17 =	sadd.s32 $0xC, s16  }
0x2aa: {  	v7 =	vmov s17  }
0x2ab: {  	v7 =	vand.u32 $0x7C, v7;
	v4 =	vmul.f32 v4, v2  }
0x2ac: {  	v7 =	vbroadcast v7, $0x0  }
0x2ad: {  	v4 =	vadd.f32 v4, v3  }
0x2ae: {  	v7 =	vor.u32 v1, v7  }
0x2af: {  	v4 =	vmul.f32 v4, v5;
	_ =	sdelay $0x1  }
0x2b0: {  	v4 =	vadd.f32 v4, v6;
	_ =	sdelay $0x1  }
0x2b1: {  	[tilespmem:v7+s23+$0x0] =	vst.idx.msk $0xffff, v4  }
0x2b2: {  	v4 =	vld [tilespmem:s31+$0x280]  }
0x2b3: {  	v5 =	vld [tilespmem:s0+$0x280]  }
0x2b4: {  	v6 =	vld [tilespmem:s7+$0x280]  }
0x2b5: {  	s17 =	sadd.s32 $0xD, s16  }
0x2b6: {  	v7 =	vmov s17  }
0x2b7: {  	v7 =	vand.u32 $0x7D, v7;
	v4 =	vmul.f32 v4, v2  }
0x2b8: {  	v7 =	vbroadcast v7, $0x0  }
0x2b9: {  	v4 =	vadd.f32 v4, v3  }
0x2ba: {  	v7 =	vor.u32 v1, v7  }
0x2bb: {  	v4 =	vmul.f32 v4, v5;
	_ =	sdelay $0x1  }
0x2bc: {  	v4 =	vadd.f32 v4, v6;
	_ =	sdelay $0x1  }
0x2bd: {  	[tilespmem:v7+s23+$0x0] =	vst.idx.msk $0xffff, v4  }
0x2be: {  	v4 =	vld [tilespmem:s31+$0x300]  }
0x2bf: {  	v5 =	vld [tilespmem:s0+$0x300]  }
0x2c0: {  	v6 =	vld [tilespmem:s7+$0x300]  }
0x2c1: {  	s17 =	sadd.s32 $0xE, s16  }
0x2c2: {  	v7 =	vmov s17  }
0x2c3: {  	v7 =	vand.u32 $0x7E, v7;
	v4 =	vmul.f32 v4, v2  }
0x2c4: {  	v7 =	vbroadcast v7, $0x0  }
0x2c5: {  	v4 =	vadd.f32 v4, v3  }
0x2c6: {  	v7 =	vor.u32 v1, v7  }
0x2c7: {  	v4 =	vmul.f32 v4, v5;
	_ =	sdelay $0x1  }
0x2c8: {  	v4 =	vadd.f32 v4, v6;
	_ =	sdelay $0x1  }
0x2c9: {  	[tilespmem:v7+s23+$0x0] =	vst.idx.msk $0xffff, v4  }
0x2ca: {  	v4 =	vld [tilespmem:s31+$0x380]  }
0x2cb: {  	v5 =	vld [tilespmem:s0+$0x380]  }
0x2cc: {  	v6 =	vld [tilespmem:s7+$0x380]  }
0x2cd: {  	s16 =	sadd.s32 $0xF, s16  }
0x2ce: {  	v7 =	vmov s16  }
0x2cf: {  	v7 =	vand.u32 $0x7F, v7;
	v4 =	vmul.f32 v4, v2  }
0x2d0: {  	v7 =	vbroadcast v7, $0x0  }
.Ltmp1:
0x2d1: {  	v8 =	vadd.f32 v4, v3;
	(pc) =	sbr.rel @p1 .LBB2_6-.Ltmp1, $3  }
0x2d2: {  	v4 =	vor.u32 v1, v7  }
0x2d3: {  	v5 =	vmul.f32 v8, v5;
	_ =	sdelay $0x1  }
0x2d4: {  	v5 =	vadd.f32 v5, v6  }
0x2d5: {  	s30 =	sadd.s32 $0x1, s30  }
0x2d6: {  	p1 =	sne.s32 s30, $0x8  }
.Ltmp2:
0x2d7: {  	_ = 	snop;
	(pc) =	sbr.rel @p1 .LBB2_3-.Ltmp2, $2  }
0x2d8: {  	_ =	sdelay $0x2  }
0x2d9: {  	s18 =	sadd.s32 $0x10, s18;
	[tilespmem:v4+s23+$0x0] =	vst.idx.msk $0xffff, v5  }
0x2da: {  	s25 =	sadd.s32 $0x1, s25  }
0x2db: {  	s0 =	sshll.u32 s26, $0x4;
	p1 =	sne.s32 s25, $0x20  }
.Ltmp3:
0x2dc: {  	s0 =	sadd.s32 s2, s0;
	(pc) =	sbr.rel @p1 .LBB2_2-.Ltmp3, $4  }
0x2dd: {  	[hbm4b:s0+s3] =	stream.linear.scatter [tilespmem:s23], [sflag:$0x2], $0x4000, $0x38;
	[tilespmem:$0x1C100] =	vst v63  }
0x2de: {  	_ =	swait.ge [sflag:s15], $0x4000  }
0x2df: {  	[sflag:s15] =	ssyncset.done $0x0  }
0x2e0: {  	p0 =	por !p0, !p0;
	[sflag:s15] =	ssyncadd.s32 $0xFFFFC000  }
0x2e1: {  	s0 =	simm.s32 $0x800;
	s7 =	simm.s32 $0x1000;
	s14 =	simm.s32 $0x8100  }
0x2e2: {  	[tilespmem:s14], [sflag:$0x2] =	stream.strided.gather [hbm4b:s12+s0], $0x8000, s7, s0, $0x38;
	[tilespmem:$0x1C100] =	vst v63  }
0x2e3: {  	_ =	swait.ge [sflag:s15], $0x8000  }
0x2e4: {  	[sflag:s15] =	ssyncset.done $0x0  }
0x2e5: {  	s25 =	simm.s32 $0x0;
	s26 =	simm.s32 $0x0;
	[sflag:s15] =	ssyncadd.s32 $0xFFFF8000  }
.LBB2_10:
0x2e6: {  	s0 =	sshll.u32 s26, $0x7  }
0x2e7: {  	s7 =	sshll.u32 s26, $0x8;
	s0 =	sand.u32 $0x80, s0  }
0x2e8: {  	s0 =	sor.u32 s7, s0  }
0x2e9: {  	s0 =	sor.u32 $0x100, s0  }
0x2ea: {  	s28 =	sor.u32 s11, s0  }
0x2eb: {  	s31 =	sshrl.u32 s28, $0x3  }
0x2ec: {  	s14 =	sadd.s32 s4, s31  }
0x2ed: {  	[tilespmem:s25], [sflag:$0x2] =	stream.linear.gather [hbm4b:s14+s25], $0x80, $0x38;
	[tilespmem:$0x1C100] =	vst v63  }
0x2ee: {  	_ =	swait.ge [sflag:s15], $0x80  }
0x2ef: {  	[sflag:s15] =	ssyncset.done $0x0  }
0x2f0: {  	s7 =	sadd.s32 s5, s31;
	[sflag:s15] =	ssyncadd.s32 $0xFFFFFF80  }
0x2f1: {  	[tilespmem:s22], [sflag:$0x2] =	stream.linear.gather [hbm4b:s7+s25], $0x80, $0x38;
	[tilespmem:$0x1C100] =	vst v63  }
0x2f2: {  	_ =	swait.ge [sflag:s15], $0x80  }
0x2f3: {  	[sflag:s15] =	ssyncset.done $0x0  }
0x2f4: {  	[sflag:s15] =	ssyncadd.s32 $0xFFFFFF80  }
0x2f5: {  	[tilespmem:s23], [sflag:$0x1] =	stream.indirect.gather [hbm4b:s1+s22], $0x80, s25, s22, $0xb8;
	[tilespmem:$0x1C100] =	vst v63  }
0x2f6: {  	s0 =	sshll.u32 s0, $0x3;
	_ =	swait.ge [sflag:s21], $0x4000  }
0x2f7: {  	s0 =	sand.u32 $0xC00, s0;
	[sflag:s21] =	ssyncset.done $0x0  }
0x2f8: {  	s30 =	simm.s32 $0x0;
	s29 =	sor.u32 $0x8100, s0;
	[sflag:s21] =	ssyncadd.s32 $0xFFFFC000  }
.LBB2_11:
0x2f9: {  	s0 =	simm.s32 $0x0  }
0x2fa: {  	s7 =	sshll.u32 s30, $0x4;
	v1 =	vmov s0  }
0x2fb: {  	v2 =	vmov s7;
	v1 =	vand.u32 $0x70, v1  }
0x2fc: {  	v2 =	vshll.u32 v2, $0x7;
	v3 =	vbroadcast v1, $0x0  }
0x2fd: {  	v1 =	vor.u32 v0, v2  }
0x2fe: {  	v2 =	vor.u32 v1, v3;
	_ =	sdelay $0x1  }
0x2ff: {  	v6 =	vld [tilespmem:s29+$0xFFFFF800]  }
0x300: {  	s31 =	simm.s32 $0x10500;
	v3 =	vld [tilespmem:s7+$0x80]  }
0x301: {  	v4 =	vld [tilespmem:s31+$0xFFFFFC00]  }
0x302: {  	v5 =	vld.idx.msk [tilespmem:v2+s23+$0x0], $0xffff  }
0x303: {  	s18 =	simm.s32 $0x1  }
0x304: {  	v7 =	vmov s18  }
0x305: {  	v2 =	vcvt.s32.f32 v3;
	v3 =	vand.u32 $0x71, v7  }
0x306: {  	v3 =	vbroadcast v3, $0x0  }
0x307: {  	v4 =	vmul.f32 v2, v4;
	v5 =	vadd.f32 v6, v5  }
0x308: {  	v6 =	vor.u32 v1, v3  }
0x309: {  	v3 =	vadd.f32 v4, v5  }
0x30a: {  	s0 =	simm.s32 $0x4500  }
0x30b: {  	[tilespmem:s0+$0xFFFFFC00] =	vst v3  }
0x30c: {  	v4 =	vld [tilespmem:s29+$0xFFFFF880]  }
0x30d: {  	v5 =	vld.idx.msk [tilespmem:v6+s23+$0x0], $0xffff  }
0x30e: {  	s19 =	simm.s32 $0x2;
	v6 =	vld [tilespmem:s31+$0xFFFFFC80]  }
0x30f: {  	v7 =	vmov s19  }
0x310: {  	v7 =	vand.u32 $0x72, v7  }
0x311: {  	v7 =	vbroadcast v7, $0x0;
	_ =	sdelay $0x1  }
0x312: {  	v4 =	vadd.f32 v4, v5;
	v5 =	vmul.f32 v2, v6;
	v6 =	vor.u32 v1, v7;
	_ =	sdelay $0x1  }
0x313: {  	v4 =	vadd.f32 v5, v4;
	_ =	sdelay $0x1  }
0x314: {  	[tilespmem:s0+$0xFFFFFC80] =	vst v4  }
0x315: {  	v5 =	vld.idx.msk [tilespmem:v6+s23+$0x0], $0xffff  }
0x316: {  	v6 =	vld [tilespmem:s31+$0xFFFFFD00]  }
0x317: {  	s20 =	simm.s32 $0x3;
	v7 =	vld [tilespmem:s29+$0xFFFFF900]  }
0x318: {  	v8 =	vmov s20  }
0x319: {  	v8 =	vand.u32 $0x73, v8  }
0x31a: {  	v8 =	vbroadcast v8, $0x0;
	_ =	sdelay $0x1  }
0x31b: {  	v6 =	vmul.f32 v2, v6;
	v5 =	vadd.f32 v7, v5;
	v7 =	vor.u32 v1, v8;
	_ =	sdelay $0x1  }
0x31c: {  	v5 =	vadd.f32 v6, v5;
	_ =	sdelay $0x1  }
0x31d: {  	[tilespmem:s0+$0xFFFFFD00] =	vst v5  }
0x31e: {  	v6 =	vld.idx.msk [tilespmem:v7+s23+$0x0], $0xffff  }
0x31f: {  	v7 =	vld [tilespmem:s31+$0xFFFFFD80]  }
0x320: {  	s14 =	simm.s32 $0x4;
	v8 =	vld [tilespmem:s29+$0xFFFFF980]  }
0x321: {  	v9 =	vmov s14  }
0x322: {  	v9 =	vand.u32 $0x74, v9  }
0x323: {  	v9 =	vbroadcast v9, $0x0;
	_ =	sdelay $0x1  }
0x324: {  	v7 =	vmul.f32 v2, v7;
	v6 =	vadd.f32 v8, v6;
	v8 =	vor.u32 v1, v9;
	_ =	sdelay $0x1  }
0x325: {  	v6 =	vadd.f32 v7, v6;
	_ =	sdelay $0x1  }
0x326: {  	[tilespmem:s0+$0xFFFFFD80] =	vst v6  }
0x327: {  	v7 =	vld.idx.msk [tilespmem:v8+s23+$0x0], $0xffff  }
0x328: {  	v8 =	vld [tilespmem:s29+$0xFFFFFA00]  }
0x329: {  	s16 =	simm.s32 $0x5;
	v9 =	vld [tilespmem:s31+$0xFFFFFE00]  }
0x32a: {  	v10 =	vmov s16  }
0x32b: {  	v10 =	vand.u32 $0x75, v10  }
0x32c: {  	v10 =	vbroadcast v10, $0x0;
	_ =	sdelay $0x1  }
0x32d: {  	v7 =	vadd.f32 v8, v7;
	v8 =	vmul.f32 v2, v9;
	v9 =	vor.u32 v1, v10;
	_ =	sdelay $0x1  }
0x32e: {  	v8 =	vadd.f32 v8, v7;
	_ =	sdelay $0x1  }
0x32f: {  	[tilespmem:s0+$0xFFFFFE00] =	vst v8  }
0x330: {  	v7 =	vld.idx.msk [tilespmem:v9+s23+$0x0], $0xffff  }
0x331: {  	v9 =	vld [tilespmem:s29+$0xFFFFFA80]  }
0x332: {  	s17 =	simm.s32 $0x6;
	v10 =	vld [tilespmem:s31+$0xFFFFFE80]  }
0x333: {  	v11 =	vmov s17  }
0x334: {  	v11 =	vand.u32 $0x76, v11  }
0x335: {  	v11 =	vbroadcast v11, $0x0;
	_ =	sdelay $0x1  }
0x336: {  	v7 =	vadd.f32 v9, v7;
	v9 =	vmul.f32 v2, v10;
	v10 =	vor.u32 v1, v11;
	_ =	sdelay $0x1  }
0x337: {  	v12 =	vadd.f32 v9, v7;
	_ =	sdelay $0x1  }
0x338: {  	[tilespmem:s0+$0xFFFFFE80] =	vst v12  }
0x339: {  	v7 =	vld.idx.msk [tilespmem:v10+s23+$0x0], $0xffff  }
0x33a: {  	v9 =	vld [tilespmem:s29+$0xFFFFFB00]  }
0x33b: {  	s18 =	simm.s32 $0x7;
	v10 =	vld [tilespmem:s31+$0xFFFFFF00]  }
0x33c: {  	v11 =	vmov s18  }
0x33d: {  	v11 =	vand.u32 $0x77, v11  }
0x33e: {  	v11 =	vbroadcast v11, $0x0;
	_ =	sdelay $0x1  }
0x33f: {  	v7 =	vadd.f32 v9, v7;
	v9 =	vmul.f32 v2, v10;
	v10 =	vor.u32 v1, v11;
	_ =	sdelay $0x1  }
0x340: {  	v14 =	vadd.f32 v9, v7;
	_ =	sdelay $0x1  }
0x341: {  	[tilespmem:s0+$0xFFFFFF00] =	vst v14  }
0x342: {  	v7 =	vld.idx.msk [tilespmem:v10+s23+$0x0], $0xffff  }
0x343: {  	v9 =	vld [tilespmem:s29+$0xFFFFFB80]  }
0x344: {  	s19 =	simm.s32 $0x8;
	v10 =	vld [tilespmem:s31+$0xFFFFFF80]  }
0x345: {  	v11 =	vmov s19  }
0x346: {  	v11 =	vand.u32 $0x78, v11  }
0x347: {  	v11 =	vbroadcast v11, $0x0;
	_ =	sdelay $0x1  }
0x348: {  	v7 =	vadd.f32 v9, v7;
	v9 =	vmul.f32 v2, v10;
	v10 =	vor.u32 v1, v11;
	_ =	sdelay $0x1  }
0x349: {  	v17 =	vadd.f32 v9, v7;
	_ =	sdelay $0x1  }
0x34a: {  	[tilespmem:s0+$0xFFFFFF80] =	vst v17  }
0x34b: {  	v7 =	vld.idx.msk [tilespmem:v10+s23+$0x0], $0xffff  }
0x34c: {  	v9 =	vld [tilespmem:s29+$0x0]  }
0x34d: {  	s20 =	simm.s32 $0x9;
	v10 =	vld [tilespmem:s31+$0x0]  }
0x34e: {  	v11 =	vmov s20  }
0x34f: {  	v11 =	vand.u32 $0x79, v11  }
0x350: {  	v11 =	vbroadcast v11, $0x0;
	_ =	sdelay $0x1  }
0x351: {  	v7 =	vadd.f32 v9, v7;
	v9 =	vmul.f32 v2, v10;
	v10 =	vor.u32 v1, v11;
	_ =	sdelay $0x1  }
0x352: {  	v7 =	vadd.f32 v9, v7;
	_ =	sdelay $0x1  }
0x353: {  	[tilespmem:s0+$0x0] =	vst v7  }
0x354: {  	v9 =	vld.idx.msk [tilespmem:v10+s23+$0x0], $0xffff  }
0x355: {  	v10 =	vld [tilespmem:s29+$0x80]  }
0x356: {  	s14 =	simm.s32 $0xA;
	v11 =	vld [tilespmem:s31+$0x80]  }
0x357: {  	v13 =	vmov s14  }
0x358: {  	v13 =	vand.u32 $0x7A, v13  }
0x359: {  	v13 =	vbroadcast v13, $0x0;
	_ =	sdelay $0x1  }
0x35a: {  	v9 =	vadd.f32 v10, v9;
	v10 =	vmul.f32 v2, v11;
	v11 =	vor.u32 v1, v13;
	_ =	sdelay $0x1  }
0x35b: {  	v9 =	vadd.f32 v10, v9;
	_ =	sdelay $0x1  }
0x35c: {  	[tilespmem:s0+$0x80] =	vst v9  }
0x35d: {  	v10 =	vld.idx.msk [tilespmem:v11+s23+$0x0], $0xffff  }
0x35e: {  	v11 =	vld [tilespmem:s29+$0x100]  }
0x35f: {  	s16 =	simm.s32 $0xB;
	v13 =	vld [tilespmem:s31+$0x100]  }
0x360: {  	v15 =	vmov s16  }
0x361: {  	v15 =	vand.u32 $0x7B, v15  }
0x362: {  	v15 =	vbroadcast v15, $0x0;
	_ =	sdelay $0x1  }
0x363: {  	v10 =	vadd.f32 v11, v10;
	v11 =	vmul.f32 v2, v13;
	v13 =	vor.u32 v1, v15;
	_ =	sdelay $0x1  }
0x364: {  	v11 =	vadd.f32 v11, v10;
	_ =	sdelay $0x1  }
0x365: {  	[tilespmem:s0+$0x100] =	vst v11  }
0x366: {  	v10 =	vld.idx.msk [tilespmem:v13+s23+$0x0], $0xffff  }
0x367: {  	v13 =	vld [tilespmem:s29+$0x180]  }
0x368: {  	v15 =	vld [tilespmem:s31+$0x180]  }
0x369: {  	s17 =	simm.s32 $0xC  }
0x36a: {  	v16 =	vmov s17  }
0x36b: {  	v16 =	vand.u32 $0x7C, v16  }
0x36c: {  	v16 =	vbroadcast v16, $0x0  }
0x36d: {  	v10 =	vadd.f32 v13, v10;
	v13 =	vmul.f32 v2, v15  }
0x36e: {  	v16 =	vor.u32 v1, v16  }
0x36f: {  	v15 =	vadd.f32 v13, v10;
	_ =	sdelay $0x1  }
0x370: {  	[tilespmem:s0+$0x180] =	vst v15  }
0x371: {  	v10 =	vld [tilespmem:s29+$0x200]  }
0x372: {  	v13 =	vld.idx.msk [tilespmem:v16+s23+$0x0], $0xffff  }
0x373: {  	s18 =	simm.s32 $0xD;
	v16 =	vld [tilespmem:s31+$0x200]  }
0x374: {  	v18 =	vmov s18  }
0x375: {  	v18 =	vand.u32 $0x7D, v18  }
0x376: {  	v18 =	vbroadcast v18, $0x0;
	_ =	sdelay $0x1  }
0x377: {  	v10 =	vadd.f32 v10, v13;
	v13 =	vmul.f32 v2, v16;
	v16 =	vor.u32 v1, v18;
	_ =	sdelay $0x1  }
0x378: {  	v19 =	vadd.f32 v13, v10  }
0x379: {  	v10 =	vmul.f32 v3, v3  }
0x37a: {  	v13 =	vimm.f32 $0.0e+00;
	[tilespmem:s0+$0x200] =	vst v19  }
0x37b: {  	v18 =	vmul.f32 v4, v4;
	v10 =	vadd.f32 v10, v13;
	v16 =	vld.idx.msk [tilespmem:v16+s23+$0x0], $0xffff  }
0x37c: {  	s19 =	simm.s32 $0xE;
	v20 =	vld [tilespmem:s29+$0x280]  }
0x37d: {  	v22 =	vmov s19;
	v21 =	vld [tilespmem:s31+$0x280];
	v10 =	vadd.f32 v18, v10;
	v18 =	vmul.f32 v5, v5  }
0x37e: {  	v22 =	vand.u32 $0x7E, v22  }
0x37f: {  	v3 =	vadd.f32 v3, v13;
	v10 =	vadd.f32 v18, v10;
	v18 =	vmul.f32 v6, v6  }
0x380: {  	v13 =	vbroadcast v22, $0x0  }
0x381: {  	v4 =	vadd.f32 v4, v3;
	v10 =	vadd.f32 v18, v10;
	v18 =	vmul.f32 v8, v8  }
0x382: {  	v13 =	vor.u32 v1, v13;
	v16 =	vadd.f32 v20, v16;
	v20 =	vmul.f32 v2, v21  }
0x383: {  	v4 =	vadd.f32 v5, v4;
	v10 =	vadd.f32 v18, v10;
	v18 =	vmul.f32 v12, v12  }
0x384: {  	v3 =	vadd.f32 v20, v16  }
0x385: {  	v4 =	vadd.f32 v6, v4;
	v5 =	vadd.f32 v18, v10;
	v10 =	vmul.f32 v14, v14  }
0x386: {  	[tilespmem:s0+$0x280] =	vst v3  }
0x387: {  	v6 =	vmul.f32 v17, v17;
	v4 =	vadd.f32 v8, v4;
	v8 =	vld [tilespmem:s29+$0x300];
	v5 =	vadd.f32 v10, v5  }
0x388: {  	v10 =	vld.idx.msk [tilespmem:v13+s23+$0x0], $0xffff  }
0x389: {  	v13 =	vadd.f32 v6, v5;
	v5 =	vld [tilespmem:s31+$0x300]  }
0x38a: {  	s20 =	simm.s32 $0xF  }
0x38b: {  	v22 =	vmul.f32 v19, v19;
	v4 =	vadd.f32 v12, v4;
	v6 =	vmov s20  }
0x38c: {  	v21 =	vmul.f32 v15, v15;
	v16 =	vmul.f32 v7, v7;
	v6 =	vand.u32 $0x7F, v6  }
0x38d: {  	v20 =	vmul.f32 v11, v11;
	v12 =	vadd.f32 v14, v4;
	v14 =	vbroadcast v6, $0x0  }
0x38e: {  	s16 =	simm.s32 $0x10;
	s17 =	smov.u32 s29;
	v18 =	vmul.f32 v9, v9;
	v8 =	vadd.f32 v8, v10;
	v10 =	vmul.f32 v2, v5  }
0x38f: {  	s14 =	simm.s32 $0x10500;
	s7 =	simm.s32 $0x4500;
	s18 =	smov.u32 s29;
	v4 =	vmul.f32 v3, v3;
	v6 =	vadd.f32 v17, v12;
	v5 =	vor.u32 v1, v14  }
.LBB2_12:
0x390: {  	v8 =	vadd.f32 v10, v8;
	s0 =	sadd.s32 $0x800, s0;
	s18 =	sadd.s32 $0x1000, s18;
	s31 =	sadd.s32 $0x800, s31  }
0x391: {  	p0 =	slt.u32 s16, $0x70;
	s19 =	smov.u32 s16;
	s16 =	sadd.s32 $0x10, s16;
	v6 =	vadd.f32 v7, v6  }
0x392: {  	v7 =	vadd.f32 v16, v13;
	[tilespmem:s7+$0x300] =	vst v8;
	v10 =	vmul.f32 v8, v8  }
0x393: {  	v6 =	vadd.f32 v9, v6;
	v9 =	vld [tilespmem:s17+$0x380];
	s17 =	smov.u32 s18  }
0x394: {  	v7 =	vadd.f32 v18, v7;
	v12 =	vld [tilespmem:s14+$0x380];
	s14 =	smov.u32 s31  }
0x395: {  	v6 =	vadd.f32 v11, v6;
	v5 =	vld.idx.msk [tilespmem:v5+s23+$0x0], $0xffff  }
0x396: {  	v7 =	vadd.f32 v20, v7  }
0x397: {  	v6 =	vadd.f32 v15, v6  }
0x398: {  	v11 =	vmov s19;
	v7 =	vadd.f32 v21, v7  }
0x399: {  	v11 =	vand.u32 $0x70, v11;
	v6 =	vadd.f32 v19, v6;
	v12 =	vmul.f32 v2, v12  }
0x39a: {  	v11 =	vbroadcast v11, $0x0;
	v7 =	vadd.f32 v22, v7  }
0x39b: {  	v5 =	vadd.f32 v9, v5;
	v3 =	vadd.f32 v3, v6  }
0x39c: {  	v6 =	vor.u32 v1, v11;
	v4 =	vadd.f32 v4, v7  }
0x39d: {  	v5 =	vadd.f32 v12, v5;
	v3 =	vadd.f32 v8, v3  }
0x39e: {  	v4 =	vadd.f32 v10, v4  }
0x39f: {  	[tilespmem:s7+$0x380] =	vst v5;
	v3 =	vadd.f32 v5, v3;
	v5 =	vmul.f32 v5, v5;
	s7 =	smov.u32 s0  }
0x3a0: {  	v7 =	vld [tilespmem:s31+$0xFFFFFC00]  }
0x3a1: {  	v6 =	vld.idx.msk [tilespmem:v6+s23+$0x0], $0xffff;
	v5 =	vadd.f32 v5, v4  }
0x3a2: {  	s20 =	sadd.s32 $0x1, s19;
	v4 =	vld [tilespmem:s18+$0xFFFFF800]  }
0x3a3: {  	v8 =	vmov s20  }
0x3a4: {  	v8 =	vand.u32 $0x71, v8  }
0x3a5: {  	v8 =	vbroadcast v8, $0x0;
	_ =	sdelay $0x1  }
0x3a6: {  	v4 =	vadd.f32 v4, v6;
	v6 =	vmul.f32 v2, v7;
	v7 =	vor.u32 v1, v8;
	_ =	sdelay $0x1  }
0x3a7: {  	v4 =	vadd.f32 v6, v4;
	_ =	sdelay $0x1  }
0x3a8: {  	[tilespmem:s0+$0xFFFFFC00] =	vst v4;
	v6 =	vmul.f32 v4, v4  }
0x3a9: {  	v8 =	vld [tilespmem:s18+$0xFFFFF880]  }
0x3aa: {  	v6 =	vadd.f32 v6, v5;
	v5 =	vld.idx.msk [tilespmem:v7+s23+$0x0], $0xffff  }
0x3ab: {  	s20 =	sadd.s32 $0x2, s19;
	v7 =	vld [tilespmem:s31+$0xFFFFFC80]  }
0x3ac: {  	v9 =	vmov s20  }
0x3ad: {  	v9 =	vand.u32 $0x72, v9  }
0x3ae: {  	v9 =	vbroadcast v9, $0x0;
	_ =	sdelay $0x1  }
0x3af: {  	v5 =	vadd.f32 v8, v5;
	v8 =	vor.u32 v1, v9;
	v7 =	vmul.f32 v2, v7;
	_ =	sdelay $0x1  }
0x3b0: {  	v5 =	vadd.f32 v7, v5;
	_ =	sdelay $0x1  }
0x3b1: {  	[tilespmem:s0+$0xFFFFFC80] =	vst v5;
	v7 =	vmul.f32 v5, v5  }
0x3b2: {  	v8 =	vld.idx.msk [tilespmem:v8+s23+$0x0], $0xffff  }
0x3b3: {  	v7 =	vadd.f32 v7, v6;
	v6 =	vld [tilespmem:s31+$0xFFFFFD00]  }
0x3b4: {  	s20 =	sadd.s32 $0x3, s19;
	v9 =	vld [tilespmem:s18+$0xFFFFF900]  }
0x3b5: {  	v10 =	vmov s20  }
0x3b6: {  	v10 =	vand.u32 $0x73, v10  }
0x3b7: {  	v10 =	vbroadcast v10, $0x0  }
0x3b8: {  	v6 =	vmul.f32 v2, v6  }
0x3b9: {  	v8 =	vadd.f32 v9, v8;
	v9 =	vor.u32 v1, v10;
	_ =	sdelay $0x1  }
0x3ba: {  	v6 =	vadd.f32 v6, v8;
	_ =	sdelay $0x1  }
0x3bb: {  	[tilespmem:s0+$0xFFFFFD00] =	vst v6  }
0x3bc: {  	v8 =	vld.idx.msk [tilespmem:v9+s23+$0x0], $0xffff  }
0x3bd: {  	v9 =	vld [tilespmem:s31+$0xFFFFFD80]  }
0x3be: {  	s20 =	sadd.s32 $0x4, s19;
	v10 =	vld [tilespmem:s18+$0xFFFFF980]  }
0x3bf: {  	v11 =	vmov s20  }
0x3c0: {  	v11 =	vand.u32 $0x74, v11  }
0x3c1: {  	v11 =	vbroadcast v11, $0x0  }
0x3c2: {  	v9 =	vmul.f32 v2, v9  }
0x3c3: {  	v8 =	vadd.f32 v10, v8;
	v10 =	vor.u32 v1, v11;
	_ =	sdelay $0x1  }
0x3c4: {  	v11 =	vmul.f32 v6, v6;
	v8 =	vadd.f32 v9, v8;
	_ =	sdelay $0x1  }
0x3c5: {  	v7 =	vadd.f32 v11, v7;
	[tilespmem:s0+$0xFFFFFD80] =	vst v8;
	v9 =	vmul.f32 v8, v8  }
0x3c6: {  	v10 =	vld.idx.msk [tilespmem:v10+s23+$0x0], $0xffff  }
0x3c7: {  	v7 =	vadd.f32 v9, v7;
	v9 =	vld [tilespmem:s18+$0xFFFFFA00]  }
0x3c8: {  	s20 =	sadd.s32 $0x5, s19;
	v11 =	vld [tilespmem:s31+$0xFFFFFE00]  }
0x3c9: {  	v12 =	vmov s20  }
0x3ca: {  	v12 =	vand.u32 $0x75, v12  }
0x3cb: {  	v12 =	vbroadcast v12, $0x0  }
0x3cc: {  	v9 =	vadd.f32 v9, v10  }
0x3cd: {  	v10 =	vmul.f32 v2, v11;
	v11 =	vor.u32 v1, v12;
	_ =	sdelay $0x1  }
0x3ce: {  	v10 =	vadd.f32 v10, v9;
	_ =	sdelay $0x1  }
0x3cf: {  	[tilespmem:s0+$0xFFFFFE00] =	vst v10;
	v9 =	vmul.f32 v10, v10  }
0x3d0: {  	v11 =	vld.idx.msk [tilespmem:v11+s23+$0x0], $0xffff  }
0x3d1: {  	v7 =	vadd.f32 v9, v7;
	v9 =	vld [tilespmem:s18+$0xFFFFFA80]  }
0x3d2: {  	s20 =	sadd.s32 $0x6, s19;
	v12 =	vld [tilespmem:s31+$0xFFFFFE80]  }
0x3d3: {  	v13 =	vmov s20  }
0x3d4: {  	v13 =	vand.u32 $0x76, v13  }
0x3d5: {  	v13 =	vbroadcast v13, $0x0  }
0x3d6: {  	v9 =	vadd.f32 v9, v11  }
0x3d7: {  	v13 =	vor.u32 v1, v13;
	v11 =	vmul.f32 v2, v12;
	_ =	sdelay $0x1  }
0x3d8: {  	v12 =	vadd.f32 v11, v9;
	_ =	sdelay $0x1  }
0x3d9: {  	[tilespmem:s0+$0xFFFFFE80] =	vst v12;
	v9 =	vmul.f32 v12, v12  }
0x3da: {  	v11 =	vld.idx.msk [tilespmem:v13+s23+$0x0], $0xffff  }
0x3db: {  	v7 =	vadd.f32 v9, v7;
	v9 =	vld [tilespmem:s18+$0xFFFFFB00]  }
0x3dc: {  	s20 =	sadd.s32 $0x7, s19;
	v13 =	vld [tilespmem:s31+$0xFFFFFF00]  }
0x3dd: {  	v14 =	vmov s20  }
0x3de: {  	v14 =	vand.u32 $0x77, v14  }
0x3df: {  	v14 =	vbroadcast v14, $0x0  }
0x3e0: {  	v9 =	vadd.f32 v9, v11  }
0x3e1: {  	v11 =	vmul.f32 v2, v13;
	v13 =	vor.u32 v1, v14;
	_ =	sdelay $0x1  }
0x3e2: {  	v14 =	vadd.f32 v11, v9;
	_ =	sdelay $0x1  }
0x3e3: {  	[tilespmem:s0+$0xFFFFFF00] =	vst v14;
	v9 =	vmul.f32 v14, v14  }
0x3e4: {  	v11 =	vld.idx.msk [tilespmem:v13+s23+$0x0], $0xffff  }
0x3e5: {  	v7 =	vadd.f32 v9, v7;
	v9 =	vld [tilespmem:s18+$0xFFFFFB80]  }
0x3e6: {  	s20 =	sadd.s32 $0x8, s19;
	v13 =	vld [tilespmem:s31+$0xFFFFFF80]  }
0x3e7: {  	v15 =	vmov s20  }
0x3e8: {  	v15 =	vand.u32 $0x78, v15  }
0x3e9: {  	v15 =	vbroadcast v15, $0x0  }
0x3ea: {  	v9 =	vadd.f32 v9, v11  }
0x3eb: {  	v11 =	vmul.f32 v2, v13;
	v13 =	vor.u32 v1, v15;
	_ =	sdelay $0x1  }
0x3ec: {  	v17 =	vadd.f32 v11, v9;
	_ =	sdelay $0x1  }
0x3ed: {  	[tilespmem:s0+$0xFFFFFF80] =	vst v17;
	v9 =	vmul.f32 v17, v17  }
0x3ee: {  	v11 =	vld.idx.msk [tilespmem:v13+s23+$0x0], $0xffff  }
0x3ef: {  	v13 =	vadd.f32 v9, v7;
	v7 =	vld [tilespmem:s18+$0x0]  }
0x3f0: {  	s20 =	sadd.s32 $0x9, s19;
	v9 =	vld [tilespmem:s31+$0x0]  }
0x3f1: {  	v15 =	vmov s20  }
0x3f2: {  	v15 =	vand.u32 $0x79, v15  }
0x3f3: {  	v15 =	vbroadcast v15, $0x0  }
0x3f4: {  	v7 =	vadd.f32 v7, v11  }
0x3f5: {  	v11 =	vor.u32 v1, v15;
	v9 =	vmul.f32 v2, v9;
	_ =	sdelay $0x1  }
0x3f6: {  	v7 =	vadd.f32 v9, v7;
	_ =	sdelay $0x1  }
0x3f7: {  	[tilespmem:s0+$0x0] =	vst v7;
	v16 =	vmul.f32 v7, v7  }
0x3f8: {  	v9 =	vld.idx.msk [tilespmem:v11+s23+$0x0], $0xffff  }
0x3f9: {  	v11 =	vld [tilespmem:s18+$0x80]  }
0x3fa: {  	s20 =	sadd.s32 $0xA, s19;
	v15 =	vld [tilespmem:s31+$0x80]  }
0x3fb: {  	v18 =	vmov s20  }
0x3fc: {  	v18 =	vand.u32 $0x7A, v18  }
0x3fd: {  	v18 =	vbroadcast v18, $0x0  }
0x3fe: {  	v9 =	vadd.f32 v11, v9  }
0x3ff: {  	v11 =	vmul.f32 v2, v15;
	v15 =	vor.u32 v1, v18;
	_ =	sdelay $0x1  }
0x400: {  	v9 =	vadd.f32 v11, v9;
	_ =	sdelay $0x1  }
0x401: {  	[tilespmem:s0+$0x80] =	vst v9;
	v18 =	vmul.f32 v9, v9  }
0x402: {  	v11 =	vld.idx.msk [tilespmem:v15+s23+$0x0], $0xffff  }
0x403: {  	v15 =	vld [tilespmem:s18+$0x100];
	_ =	sdelay $0x1  }
0x404: {  	s20 =	sadd.s32 $0xB, s19;
	v19 =	vld [tilespmem:s31+$0x100]  }
0x405: {  	v20 =	vmov s20  }
0x406: {  	v20 =	vand.u32 $0x7B, v20  }
0x407: {  	v11 =	vadd.f32 v15, v11;
	v15 =	vbroadcast v20, $0x0;
	_ =	sdelay $0x1  }
0x408: {  	v19 =	vmul.f32 v2, v19;
	v15 =	vor.u32 v1, v15;
	_ =	sdelay $0x1  }
0x409: {  	v11 =	vadd.f32 v19, v11;
	_ =	sdelay $0x1  }
0x40a: {  	[tilespmem:s0+$0x100] =	vst v11;
	v20 =	vmul.f32 v11, v11  }
0x40b: {  	v15 =	vld.idx.msk [tilespmem:v15+s23+$0x0], $0xffff  }
0x40c: {  	v19 =	vld [tilespmem:s18+$0x180]  }
0x40d: {  	v21 =	vld [tilespmem:s31+$0x180]  }
0x40e: {  	s20 =	sadd.s32 $0xC, s19  }
0x40f: {  	v22 =	vmov s20  }
0x410: {  	v22 =	vand.u32 $0x7C, v22  }
0x411: {  	v15 =	vadd.f32 v19, v15;
	v19 =	vbroadcast v22, $0x0  }
0x412: {  	v21 =	vmul.f32 v2, v21  }
0x413: {  	v19 =	vor.u32 v1, v19  }
0x414: {  	v15 =	vadd.f32 v21, v15;
	_ =	sdelay $0x1  }
0x415: {  	[tilespmem:s0+$0x180] =	vst v15;
	v21 =	vmul.f32 v15, v15  }
0x416: {  	v22 =	vld [tilespmem:s18+$0x200]  }
0x417: {  	v19 =	vld.idx.msk [tilespmem:v19+s23+$0x0], $0xffff  }
0x418: {  	v23 =	vld [tilespmem:s31+$0x200]  }
0x419: {  	s20 =	sadd.s32 $0xD, s19  }
0x41a: {  	v24 =	vmov s20  }
0x41b: {  	v24 =	vand.u32 $0x7D, v24  }
0x41c: {  	v24 =	vbroadcast v24, $0x0  }
0x41d: {  	v19 =	vadd.f32 v22, v19;
	v22 =	vmul.f32 v2, v23  }
0x41e: {  	v23 =	vor.u32 v1, v24  }
0x41f: {  	v19 =	vadd.f32 v22, v19;
	_ =	sdelay $0x1  }
0x420: {  	[tilespmem:s0+$0x200] =	vst v19;
	v22 =	vmul.f32 v19, v19  }
0x421: {  	v24 =	vld [tilespmem:s31+$0x280]  }
0x422: {  	v23 =	vld.idx.msk [tilespmem:v23+s23+$0x0], $0xffff  }
0x423: {  	v25 =	vld [tilespmem:s18+$0x280]  }
0x424: {  	s20 =	sadd.s32 $0xE, s19  }
0x425: {  	v26 =	vmov s20  }
0x426: {  	v26 =	vand.u32 $0x7E, v26  }
0x427: {  	v3 =	vadd.f32 v4, v3;
	v4 =	vbroadcast v26, $0x0  }
0x428: {  	v24 =	vmul.f32 v2, v24;
	v23 =	vadd.f32 v25, v23  }
0x429: {  	v5 =	vadd.f32 v5, v3;
	v25 =	vor.u32 v1, v4  }
0x42a: {  	v3 =	vadd.f32 v24, v23  }
0x42b: {  	v5 =	vadd.f32 v6, v5  }
0x42c: {  	[tilespmem:s0+$0x280] =	vst v3;
	v4 =	vmul.f32 v3, v3  }
0x42d: {  	v5 =	vadd.f32 v8, v5;
	v6 =	vld [tilespmem:s31+$0x300]  }
0x42e: {  	v8 =	vld.idx.msk [tilespmem:v25+s23+$0x0], $0xffff  }
0x42f: {  	v5 =	vadd.f32 v10, v5;
	v10 =	vld [tilespmem:s18+$0x300]  }
0x430: {  	s19 =	sadd.s32 $0xF, s19  }
.Ltmp4:
0x431: {  	v5 =	vadd.f32 v12, v5;
	v12 =	vmov s19;
	(pc) =	sbr.rel @p0 .LBB2_12-.Ltmp4, $4  }
0x432: {  	v12 =	vand.u32 $0x7F, v12  }
0x433: {  	v5 =	vadd.f32 v14, v5;
	v12 =	vbroadcast v12, $0x0  }
0x434: {  	v8 =	vadd.f32 v10, v8;
	v10 =	vmul.f32 v2, v6  }
0x435: {  	v6 =	vadd.f32 v17, v5;
	v5 =	vor.u32 v1, v12  }
0x436: {  	v8 =	vadd.f32 v10, v8  }
0x437: {  	v6 =	vadd.f32 v7, v6  }
0x438: {  	[tilespmem:s7+$0x300] =	vst v8  }
0x439: {  	v7 =	vadd.f32 v16, v13;
	v6 =	vadd.f32 v9, v6;
	v62 =	vld [tilespmem:s17+$0x380]  }
0x43a: {  	v63 =	vld [tilespmem:s14+$0x380]  }
0x43b: {  	v7 =	vadd.f32 v18, v7;
	v5 =	vld.idx.msk [tilespmem:v5+s23+$0x0], $0xffff;
	v6 =	vadd.f32 v11, v6;
	_ =	sdelay $0x1  }
0x43c: {  	v7 =	vadd.f32 v20, v7;
	v6 =	vadd.f32 v15, v6;
	_ =	sdelay $0x1  }
0x43d: {  	v7 =	vadd.f32 v21, v7;
	v6 =	vadd.f32 v19, v6  }
0x43e: {  	v2 =	vmul.f32 v2, v63;
	v5 =	vadd.f32 v62, v5  }
0x43f: {  	v7 =	vadd.f32 v22, v7;
	v3 =	vadd.f32 v3, v6  }
0x440: {  	v2 =	vadd.f32 v2, v5  }
0x441: {  	v4 =	vadd.f32 v4, v7;
	v6 =	vmul.f32 v8, v8;
	v3 =	vadd.f32 v8, v3;
	_ =	sdelay $0x1  }
0x442: {  	v5 =	vmul.f32 v2, v2;
	v4 =	vadd.f32 v6, v4;
	v3 =	vadd.f32 v2, v3;
	_ =	sdelay $0x1  }
0x443: {  	v4 =	vadd.f32 v5, v4;
	v3 =	vmul.f32 $7.812500000e-03, v3;
	_ =	sdelay $0x1  }
0x444: {  	v4 =	vmul.f32 $7.812500000e-03, v4;
	v5 =	vmul.f32 v3, v3;
	_ =	sdelay $0x1  }
0x445: {  	v4 =	vsub.f32 v4, v5;
	_ =	sdelay $0x1  }
0x446: {  	v4 =	vadd.f32 $9.999999960e-13, v4;
	_ =	sdelay $0x1  }
0x447: {  	v5 =	vshrl.u32 v4, $0x1;
	v4 =	vmul.f32 $5.000000000e-01, v4  }
0x448: {  	v5 =	vsub.s32 $0x5F3759DF, v5  }
0x449: {  	v6 =	vmul.f32 v5, v4;
	_ =	sdelay $0x1  }
0x44a: {  	v6 =	vmul.f32 v5, v6;
	_ =	sdelay $0x1  }
0x44b: {  	v6 =	vsub.f32 $1.500000000e+00, v6;
	_ =	sdelay $0x1  }
0x44c: {  	v5 =	vmul.f32 v5, v6;
	_ =	sdelay $0x1  }
0x44d: {  	v6 =	vmul.f32 v5, v4;
	_ =	sdelay $0x1  }
0x44e: {  	v6 =	vmul.f32 v6, v5;
	_ =	sdelay $0x1  }
0x44f: {  	v6 =	vsub.f32 $1.500000000e+00, v6;
	_ =	sdelay $0x1  }
0x450: {  	v5 =	vmul.f32 v6, v5;
	_ =	sdelay $0x1  }
0x451: {  	v4 =	vmul.f32 v5, v4;
	_ =	sdelay $0x1  }
0x452: {  	s31 =	simm.s32 $0x4500;
	[tilespmem:s7+$0x380] =	vst v2;
	v2 =	vmul.f32 v4, v5  }
0x453: {  	v4 =	vld [tilespmem:s31+$0xFFFFFC00]  }
0x454: {  	v2 =	vsub.f32 $1.500000000e+00, v2;
	_ =	sdelay $0x1  }
0x455: {  	s0 =	simm.s32 $0x14500;
	s14 =	simm.s32 $0x0;
	v3 =	vsub.f32 $0.0e+00, v3;
	v2 =	vmul.f32 v2, v5  }
0x456: {  	v6 =	vld [tilespmem:s0+$0xFFFFFC00];
	v5 =	vmov s14  }
0x457: {  	s7 =	simm.s32 $0x18500;
	v5 =	vand.u32 $0x70, v5;
	v3 =	vmul.f32 v2, v3;
	v4 =	vmul.f32 v4, v2  }
0x458: {  	v7 =	vld [tilespmem:s7+$0xFFFFFC00];
	v5 =	vbroadcast v5, $0x0  }
0x459: {  	v4 =	vadd.f32 v4, v3  }
0x45a: {  	v5 =	vor.u32 v1, v5  }
0x45b: {  	v4 =	vmul.f32 v4, v6;
	_ =	sdelay $0x1  }
0x45c: {  	v4 =	vadd.f32 v4, v7;
	_ =	sdelay $0x1  }
0x45d: {  	[tilespmem:v5+s23+$0x0] =	vst.idx.msk $0xffff, v4  }
0x45e: {  	v4 =	vld [tilespmem:s31+$0xFFFFFC80];
	_ =	sdelay $0x2  }
0x45f: {  	s16 =	simm.s32 $0x1  }
0x460: {  	v5 =	vmov s16;
	v6 =	vld [tilespmem:s0+$0xFFFFFC80]  }
0x461: {  	v5 =	vand.u32 $0x71, v5;
	v4 =	vmul.f32 v4, v2  }
0x462: {  	v7 =	vld [tilespmem:s7+$0xFFFFFC80];
	v5 =	vbroadcast v5, $0x0  }
0x463: {  	v4 =	vadd.f32 v4, v3  }
0x464: {  	v5 =	vor.u32 v1, v5  }
0x465: {  	v4 =	vmul.f32 v4, v6;
	_ =	sdelay $0x1  }
0x466: {  	v4 =	vadd.f32 v4, v7;
	_ =	sdelay $0x1  }
0x467: {  	[tilespmem:v5+s23+$0x0] =	vst.idx.msk $0xffff, v4  }
0x468: {  	v4 =	vld [tilespmem:s31+$0xFFFFFD00];
	_ =	sdelay $0x2  }
0x469: {  	s17 =	simm.s32 $0x2  }
0x46a: {  	v5 =	vmov s17;
	v6 =	vld [tilespmem:s0+$0xFFFFFD00]  }
0x46b: {  	v5 =	vand.u32 $0x72, v5;
	v4 =	vmul.f32 v4, v2  }
0x46c: {  	v7 =	vld [tilespmem:s7+$0xFFFFFD00];
	v5 =	vbroadcast v5, $0x0  }
0x46d: {  	v4 =	vadd.f32 v4, v3  }
0x46e: {  	v5 =	vor.u32 v1, v5  }
0x46f: {  	v4 =	vmul.f32 v4, v6;
	_ =	sdelay $0x1  }
0x470: {  	v4 =	vadd.f32 v4, v7;
	_ =	sdelay $0x1  }
0x471: {  	[tilespmem:v5+s23+$0x0] =	vst.idx.msk $0xffff, v4  }
0x472: {  	v4 =	vld [tilespmem:s31+$0xFFFFFD80];
	_ =	sdelay $0x2  }
0x473: {  	s18 =	simm.s32 $0x3  }
0x474: {  	v5 =	vmov s18;
	v6 =	vld [tilespmem:s0+$0xFFFFFD80]  }
0x475: {  	v5 =	vand.u32 $0x73, v5;
	v4 =	vmul.f32 v4, v2  }
0x476: {  	v7 =	vld [tilespmem:s7+$0xFFFFFD80];
	v5 =	vbroadcast v5, $0x0  }
0x477: {  	v4 =	vadd.f32 v4, v3  }
0x478: {  	v5 =	vor.u32 v1, v5  }
0x479: {  	v4 =	vmul.f32 v4, v6;
	_ =	sdelay $0x1  }
0x47a: {  	v4 =	vadd.f32 v4, v7;
	_ =	sdelay $0x1  }
0x47b: {  	[tilespmem:v5+s23+$0x0] =	vst.idx.msk $0xffff, v4  }
0x47c: {  	v4 =	vld [tilespmem:s31+$0xFFFFFE00];
	_ =	sdelay $0x2  }
0x47d: {  	s19 =	simm.s32 $0x4  }
0x47e: {  	v5 =	vmov s19;
	v6 =	vld [tilespmem:s0+$0xFFFFFE00]  }
0x47f: {  	v5 =	vand.u32 $0x74, v5;
	v4 =	vmul.f32 v4, v2  }
0x480: {  	v7 =	vld [tilespmem:s7+$0xFFFFFE00];
	v5 =	vbroadcast v5, $0x0  }
0x481: {  	v4 =	vadd.f32 v4, v3  }
0x482: {  	v5 =	vor.u32 v1, v5  }
0x483: {  	v4 =	vmul.f32 v4, v6;
	_ =	sdelay $0x1  }
0x484: {  	v4 =	vadd.f32 v4, v7;
	_ =	sdelay $0x1  }
0x485: {  	[tilespmem:v5+s23+$0x0] =	vst.idx.msk $0xffff, v4  }
0x486: {  	v4 =	vld [tilespmem:s31+$0xFFFFFE80];
	_ =	sdelay $0x2  }
0x487: {  	s20 =	simm.s32 $0x5  }
0x488: {  	v5 =	vmov s20;
	v6 =	vld [tilespmem:s0+$0xFFFFFE80]  }
0x489: {  	v5 =	vand.u32 $0x75, v5;
	v4 =	vmul.f32 v4, v2  }
0x48a: {  	v7 =	vld [tilespmem:s7+$0xFFFFFE80];
	v5 =	vbroadcast v5, $0x0  }
0x48b: {  	v4 =	vadd.f32 v4, v3  }
0x48c: {  	v5 =	vor.u32 v1, v5  }
0x48d: {  	v4 =	vmul.f32 v4, v6;
	_ =	sdelay $0x1  }
0x48e: {  	v4 =	vadd.f32 v4, v7;
	_ =	sdelay $0x1  }
0x48f: {  	[tilespmem:v5+s23+$0x0] =	vst.idx.msk $0xffff, v4  }
0x490: {  	v4 =	vld [tilespmem:s31+$0xFFFFFF00];
	_ =	sdelay $0x2  }
0x491: {  	s16 =	simm.s32 $0x6  }
0x492: {  	v5 =	vmov s16;
	v6 =	vld [tilespmem:s0+$0xFFFFFF00]  }
0x493: {  	v5 =	vand.u32 $0x76, v5;
	v4 =	vmul.f32 v4, v2  }
0x494: {  	v7 =	vld [tilespmem:s7+$0xFFFFFF00];
	v5 =	vbroadcast v5, $0x0  }
0x495: {  	v4 =	vadd.f32 v4, v3  }
0x496: {  	v5 =	vor.u32 v1, v5  }
0x497: {  	v4 =	vmul.f32 v4, v6;
	_ =	sdelay $0x1  }
0x498: {  	v4 =	vadd.f32 v4, v7;
	_ =	sdelay $0x1  }
0x499: {  	[tilespmem:v5+s23+$0x0] =	vst.idx.msk $0xffff, v4  }
0x49a: {  	v4 =	vld [tilespmem:s31+$0xFFFFFF80];
	_ =	sdelay $0x2  }
0x49b: {  	s17 =	simm.s32 $0x7  }
0x49c: {  	v5 =	vmov s17;
	v6 =	vld [tilespmem:s0+$0xFFFFFF80]  }
0x49d: {  	v5 =	vand.u32 $0x77, v5;
	v4 =	vmul.f32 v4, v2  }
0x49e: {  	v7 =	vld [tilespmem:s7+$0xFFFFFF80];
	v5 =	vbroadcast v5, $0x0  }
0x49f: {  	v4 =	vadd.f32 v4, v3  }
0x4a0: {  	v5 =	vor.u32 v1, v5  }
0x4a1: {  	v4 =	vmul.f32 v4, v6;
	_ =	sdelay $0x1  }
0x4a2: {  	v4 =	vadd.f32 v4, v7;
	_ =	sdelay $0x1  }
0x4a3: {  	[tilespmem:v5+s23+$0x0] =	vst.idx.msk $0xffff, v4  }
0x4a4: {  	v4 =	vld [tilespmem:s31+$0x0];
	_ =	sdelay $0x2  }
0x4a5: {  	s18 =	simm.s32 $0x8  }
0x4a6: {  	v5 =	vmov s18;
	v6 =	vld [tilespmem:s0+$0x0]  }
0x4a7: {  	v5 =	vand.u32 $0x78, v5;
	v4 =	vmul.f32 v4, v2  }
0x4a8: {  	v7 =	vld [tilespmem:s7+$0x0];
	v5 =	vbroadcast v5, $0x0  }
0x4a9: {  	v4 =	vadd.f32 v4, v3  }
0x4aa: {  	v5 =	vor.u32 v1, v5  }
0x4ab: {  	v4 =	vmul.f32 v4, v6;
	_ =	sdelay $0x1  }
0x4ac: {  	v4 =	vadd.f32 v4, v7;
	_ =	sdelay $0x1  }
0x4ad: {  	[tilespmem:v5+s23+$0x0] =	vst.idx.msk $0xffff, v4  }
0x4ae: {  	v4 =	vld [tilespmem:s31+$0x80];
	_ =	sdelay $0x2  }
0x4af: {  	s19 =	simm.s32 $0x9  }
0x4b0: {  	v6 =	vmov s19;
	v5 =	vld [tilespmem:s0+$0x80]  }
0x4b1: {  	v6 =	vand.u32 $0x79, v6;
	v4 =	vmul.f32 v4, v2  }
0x4b2: {  	v6 =	vbroadcast v6, $0x0;
	v7 =	vld [tilespmem:s7+$0x80]  }
0x4b3: {  	v4 =	vadd.f32 v4, v3  }
0x4b4: {  	v6 =	vor.u32 v1, v6  }
0x4b5: {  	v4 =	vmul.f32 v4, v5;
	_ =	sdelay $0x1  }
0x4b6: {  	v4 =	vadd.f32 v4, v7;
	_ =	sdelay $0x1  }
0x4b7: {  	[tilespmem:v6+s23+$0x0] =	vst.idx.msk $0xffff, v4  }
0x4b8: {  	v4 =	vld [tilespmem:s31+$0x100];
	_ =	sdelay $0x2  }
0x4b9: {  	s20 =	simm.s32 $0xA  }
0x4ba: {  	v6 =	vmov s20;
	v5 =	vld [tilespmem:s0+$0x100]  }
0x4bb: {  	v6 =	vand.u32 $0x7A, v6;
	v4 =	vmul.f32 v4, v2  }
0x4bc: {  	v7 =	vld [tilespmem:s7+$0x100];
	v6 =	vbroadcast v6, $0x0  }
0x4bd: {  	v4 =	vadd.f32 v4, v3  }
0x4be: {  	v6 =	vor.u32 v1, v6  }
0x4bf: {  	v4 =	vmul.f32 v4, v5;
	_ =	sdelay $0x1  }
0x4c0: {  	v4 =	vadd.f32 v4, v7;
	_ =	sdelay $0x1  }
0x4c1: {  	[tilespmem:v6+s23+$0x0] =	vst.idx.msk $0xffff, v4  }
0x4c2: {  	v4 =	vld [tilespmem:s31+$0x180];
	_ =	sdelay $0x2  }
0x4c3: {  	s16 =	simm.s32 $0xB  }
0x4c4: {  	v6 =	vmov s16;
	v5 =	vld [tilespmem:s0+$0x180]  }
0x4c5: {  	v6 =	vand.u32 $0x7B, v6;
	v4 =	vmul.f32 v4, v2  }
0x4c6: {  	v7 =	vld [tilespmem:s7+$0x180];
	v6 =	vbroadcast v6, $0x0  }
0x4c7: {  	v4 =	vadd.f32 v4, v3  }
0x4c8: {  	v6 =	vor.u32 v1, v6  }
0x4c9: {  	v4 =	vmul.f32 v4, v5;
	_ =	sdelay $0x1  }
0x4ca: {  	v4 =	vadd.f32 v4, v7;
	_ =	sdelay $0x1  }
0x4cb: {  	[tilespmem:v6+s23+$0x0] =	vst.idx.msk $0xffff, v4  }
0x4cc: {  	v4 =	vld [tilespmem:s31+$0x200];
	_ =	sdelay $0x2  }
0x4cd: {  	s17 =	simm.s32 $0xC  }
0x4ce: {  	v6 =	vmov s17;
	v5 =	vld [tilespmem:s0+$0x200]  }
0x4cf: {  	v6 =	vand.u32 $0x7C, v6;
	v4 =	vmul.f32 v4, v2  }
0x4d0: {  	v7 =	vld [tilespmem:s7+$0x200];
	v6 =	vbroadcast v6, $0x0  }
0x4d1: {  	v4 =	vadd.f32 v4, v3  }
0x4d2: {  	v6 =	vor.u32 v1, v6  }
0x4d3: {  	v4 =	vmul.f32 v4, v5;
	_ =	sdelay $0x1  }
0x4d4: {  	v4 =	vadd.f32 v4, v7;
	_ =	sdelay $0x1  }
0x4d5: {  	[tilespmem:v6+s23+$0x0] =	vst.idx.msk $0xffff, v4  }
0x4d6: {  	v4 =	vld [tilespmem:s31+$0x280];
	_ =	sdelay $0x2  }
0x4d7: {  	s18 =	simm.s32 $0xD  }
0x4d8: {  	v6 =	vmov s18;
	v5 =	vld [tilespmem:s0+$0x280]  }
0x4d9: {  	v6 =	vand.u32 $0x7D, v6;
	v4 =	vmul.f32 v4, v2  }
0x4da: {  	v7 =	vld [tilespmem:s7+$0x280];
	v6 =	vbroadcast v6, $0x0  }
0x4db: {  	v4 =	vadd.f32 v4, v3  }
0x4dc: {  	v6 =	vor.u32 v1, v6  }
0x4dd: {  	v4 =	vmul.f32 v4, v5;
	_ =	sdelay $0x1  }
0x4de: {  	v4 =	vadd.f32 v4, v7;
	_ =	sdelay $0x1  }
0x4df: {  	[tilespmem:v6+s23+$0x0] =	vst.idx.msk $0xffff, v4  }
0x4e0: {  	v4 =	vld [tilespmem:s31+$0x300];
	_ =	sdelay $0x2  }
0x4e1: {  	s19 =	simm.s32 $0xE  }
0x4e2: {  	v6 =	vmov s19;
	v5 =	vld [tilespmem:s0+$0x300]  }
0x4e3: {  	v6 =	vand.u32 $0x7E, v6;
	v4 =	vmul.f32 v4, v2  }
0x4e4: {  	v7 =	vld [tilespmem:s7+$0x300];
	v6 =	vbroadcast v6, $0x0  }
0x4e5: {  	v4 =	vadd.f32 v4, v3  }
0x4e6: {  	v6 =	vor.u32 v1, v6  }
0x4e7: {  	v4 =	vmul.f32 v4, v5;
	_ =	sdelay $0x1  }
0x4e8: {  	v4 =	vadd.f32 v4, v7;
	_ =	sdelay $0x1  }
0x4e9: {  	[tilespmem:v6+s23+$0x0] =	vst.idx.msk $0xffff, v4  }
0x4ea: {  	v4 =	vld [tilespmem:s31+$0x380];
	_ =	sdelay $0x3  }
0x4eb: {  	s20 =	simm.s32 $0xF;
	v5 =	vld [tilespmem:s0+$0x380]  }
0x4ec: {  	v7 =	vmov s20;
	v4 =	vmul.f32 v4, v2  }
0x4ed: {  	v7 =	vand.u32 $0x7F, v7  }
0x4ee: {  	v7 =	vbroadcast v7, $0x0;
	v6 =	vld [tilespmem:s7+$0x380];
	v4 =	vadd.f32 v4, v3;
	_ =	sdelay $0x1  }
0x4ef: {  	v5 =	vmul.f32 v4, v5;
	v4 =	vor.u32 v1, v7;
	_ =	sdelay $0x2  }
0x4f0: {  	s14 =	simm.s32 $0x10;
	v5 =	vadd.f32 v5, v6  }
.LBB2_14:
0x4f1: {  	_ = 	snop  }
0x4f2: {  	s0 =	sadd.s32 $0x800, s0;
	s7 =	sadd.s32 $0x800, s7;
	s31 =	sadd.s32 $0x800, s31;
	[tilespmem:v4+s23+$0x0] =	vst.idx.msk $0xffff, v5  }
0x4f3: {  	p0 =	slt.u32 s14, $0x70;
	s16 =	smov.u32 s14;
	s14 =	sadd.s32 $0x10, s14;
	v4 =	vld [tilespmem:s31+$0xFFFFFC00]  }
0x4f4: {  	_ =	sdelay $0x2  }
0x4f5: {  	v5 =	vmov s16;
	v6 =	vld [tilespmem:s0+$0xFFFFFC00]  }
0x4f6: {  	v5 =	vand.u32 $0x70, v5;
	v4 =	vmul.f32 v4, v2  }
0x4f7: {  	v5 =	vbroadcast v5, $0x0;
	v7 =	vld [tilespmem:s7+$0xFFFFFC00]  }
0x4f8: {  	v4 =	vadd.f32 v4, v3  }
0x4f9: {  	v5 =	vor.u32 v1, v5  }
0x4fa: {  	v4 =	vmul.f32 v4, v6;
	_ =	sdelay $0x1  }
0x4fb: {  	v4 =	vadd.f32 v4, v7;
	_ =	sdelay $0x1  }
0x4fc: {  	[tilespmem:v5+s23+$0x0] =	vst.idx.msk $0xffff, v4  }
0x4fd: {  	v4 =	vld [tilespmem:s31+$0xFFFFFC80];
	_ =	sdelay $0x2  }
0x4fe: {  	s17 =	sadd.s32 $0x1, s16  }
0x4ff: {  	v5 =	vmov s17;
	v6 =	vld [tilespmem:s0+$0xFFFFFC80]  }
0x500: {  	v5 =	vand.u32 $0x71, v5;
	v4 =	vmul.f32 v4, v2  }
0x501: {  	v5 =	vbroadcast v5, $0x0;
	v7 =	vld [tilespmem:s7+$0xFFFFFC80]  }
0x502: {  	v4 =	vadd.f32 v4, v3  }
0x503: {  	v5 =	vor.u32 v1, v5  }
0x504: {  	v4 =	vmul.f32 v4, v6;
	_ =	sdelay $0x1  }
0x505: {  	v4 =	vadd.f32 v4, v7;
	_ =	sdelay $0x1  }
0x506: {  	[tilespmem:v5+s23+$0x0] =	vst.idx.msk $0xffff, v4  }
0x507: {  	v4 =	vld [tilespmem:s31+$0xFFFFFD00];
	_ =	sdelay $0x2  }
0x508: {  	s17 =	sadd.s32 $0x2, s16  }
0x509: {  	v5 =	vmov s17;
	v6 =	vld [tilespmem:s0+$0xFFFFFD00]  }
0x50a: {  	v5 =	vand.u32 $0x72, v5;
	v4 =	vmul.f32 v4, v2  }
0x50b: {  	v5 =	vbroadcast v5, $0x0;
	v7 =	vld [tilespmem:s7+$0xFFFFFD00]  }
0x50c: {  	v4 =	vadd.f32 v4, v3  }
0x50d: {  	v5 =	vor.u32 v1, v5  }
0x50e: {  	v4 =	vmul.f32 v4, v6;
	_ =	sdelay $0x1  }
0x50f: {  	v4 =	vadd.f32 v4, v7;
	_ =	sdelay $0x1  }
0x510: {  	[tilespmem:v5+s23+$0x0] =	vst.idx.msk $0xffff, v4  }
0x511: {  	v4 =	vld [tilespmem:s31+$0xFFFFFD80];
	_ =	sdelay $0x2  }
0x512: {  	s17 =	sadd.s32 $0x3, s16  }
0x513: {  	v5 =	vmov s17;
	v6 =	vld [tilespmem:s0+$0xFFFFFD80]  }
0x514: {  	v5 =	vand.u32 $0x73, v5;
	v4 =	vmul.f32 v4, v2  }
0x515: {  	v5 =	vbroadcast v5, $0x0;
	v7 =	vld [tilespmem:s7+$0xFFFFFD80]  }
0x516: {  	v4 =	vadd.f32 v4, v3  }
0x517: {  	v5 =	vor.u32 v1, v5  }
0x518: {  	v4 =	vmul.f32 v4, v6;
	_ =	sdelay $0x1  }
0x519: {  	v4 =	vadd.f32 v4, v7;
	_ =	sdelay $0x1  }
0x51a: {  	[tilespmem:v5+s23+$0x0] =	vst.idx.msk $0xffff, v4  }
0x51b: {  	v4 =	vld [tilespmem:s31+$0xFFFFFE00];
	_ =	sdelay $0x2  }
0x51c: {  	s17 =	sadd.s32 $0x4, s16  }
0x51d: {  	v5 =	vmov s17;
	v6 =	vld [tilespmem:s0+$0xFFFFFE00]  }
0x51e: {  	v5 =	vand.u32 $0x74, v5;
	v4 =	vmul.f32 v4, v2  }
0x51f: {  	v5 =	vbroadcast v5, $0x0;
	v7 =	vld [tilespmem:s7+$0xFFFFFE00]  }
0x520: {  	v4 =	vadd.f32 v4, v3  }
0x521: {  	v5 =	vor.u32 v1, v5  }
0x522: {  	v4 =	vmul.f32 v4, v6;
	_ =	sdelay $0x1  }
0x523: {  	v4 =	vadd.f32 v4, v7;
	_ =	sdelay $0x1  }
0x524: {  	[tilespmem:v5+s23+$0x0] =	vst.idx.msk $0xffff, v4  }
0x525: {  	v4 =	vld [tilespmem:s31+$0xFFFFFE80];
	_ =	sdelay $0x2  }
0x526: {  	s17 =	sadd.s32 $0x5, s16  }
0x527: {  	v5 =	vmov s17;
	v6 =	vld [tilespmem:s0+$0xFFFFFE80]  }
0x528: {  	v5 =	vand.u32 $0x75, v5;
	v4 =	vmul.f32 v4, v2  }
0x529: {  	v5 =	vbroadcast v5, $0x0;
	v7 =	vld [tilespmem:s7+$0xFFFFFE80]  }
0x52a: {  	v4 =	vadd.f32 v4, v3  }
0x52b: {  	v5 =	vor.u32 v1, v5  }
0x52c: {  	v4 =	vmul.f32 v4, v6;
	_ =	sdelay $0x1  }
0x52d: {  	v4 =	vadd.f32 v4, v7;
	_ =	sdelay $0x1  }
0x52e: {  	[tilespmem:v5+s23+$0x0] =	vst.idx.msk $0xffff, v4  }
0x52f: {  	v4 =	vld [tilespmem:s31+$0xFFFFFF00];
	_ =	sdelay $0x2  }
0x530: {  	s17 =	sadd.s32 $0x6, s16  }
0x531: {  	v5 =	vmov s17;
	v6 =	vld [tilespmem:s0+$0xFFFFFF00]  }
0x532: {  	v5 =	vand.u32 $0x76, v5;
	v4 =	vmul.f32 v4, v2  }
0x533: {  	v5 =	vbroadcast v5, $0x0;
	v7 =	vld [tilespmem:s7+$0xFFFFFF00]  }
0x534: {  	v4 =	vadd.f32 v4, v3  }
0x535: {  	v5 =	vor.u32 v1, v5  }
0x536: {  	v4 =	vmul.f32 v4, v6;
	_ =	sdelay $0x1  }
0x537: {  	v4 =	vadd.f32 v4, v7;
	_ =	sdelay $0x1  }
0x538: {  	[tilespmem:v5+s23+$0x0] =	vst.idx.msk $0xffff, v4  }
0x539: {  	v4 =	vld [tilespmem:s31+$0xFFFFFF80];
	_ =	sdelay $0x2  }
0x53a: {  	s17 =	sadd.s32 $0x7, s16  }
0x53b: {  	v5 =	vmov s17;
	v6 =	vld [tilespmem:s0+$0xFFFFFF80]  }
0x53c: {  	v5 =	vand.u32 $0x77, v5;
	v4 =	vmul.f32 v4, v2  }
0x53d: {  	v5 =	vbroadcast v5, $0x0;
	v7 =	vld [tilespmem:s7+$0xFFFFFF80]  }
0x53e: {  	v4 =	vadd.f32 v4, v3  }
0x53f: {  	v5 =	vor.u32 v1, v5  }
0x540: {  	v4 =	vmul.f32 v4, v6;
	_ =	sdelay $0x1  }
0x541: {  	v4 =	vadd.f32 v4, v7;
	_ =	sdelay $0x1  }
0x542: {  	[tilespmem:v5+s23+$0x0] =	vst.idx.msk $0xffff, v4  }
0x543: {  	v4 =	vld [tilespmem:s31+$0x0];
	_ =	sdelay $0x2  }
0x544: {  	s17 =	sadd.s32 $0x8, s16  }
0x545: {  	v5 =	vmov s17;
	v6 =	vld [tilespmem:s0+$0x0]  }
0x546: {  	v5 =	vand.u32 $0x78, v5;
	v4 =	vmul.f32 v4, v2  }
0x547: {  	v5 =	vbroadcast v5, $0x0;
	v7 =	vld [tilespmem:s7+$0x0]  }
0x548: {  	v4 =	vadd.f32 v4, v3  }
0x549: {  	v5 =	vor.u32 v1, v5  }
0x54a: {  	v4 =	vmul.f32 v4, v6;
	_ =	sdelay $0x1  }
0x54b: {  	v4 =	vadd.f32 v4, v7;
	_ =	sdelay $0x1  }
0x54c: {  	[tilespmem:v5+s23+$0x0] =	vst.idx.msk $0xffff, v4  }
0x54d: {  	v4 =	vld [tilespmem:s31+$0x80]  }
0x54e: {  	v5 =	vld [tilespmem:s0+$0x80]  }
0x54f: {  	v6 =	vld [tilespmem:s7+$0x80]  }
0x550: {  	s17 =	sadd.s32 $0x9, s16  }
0x551: {  	v7 =	vmov s17  }
0x552: {  	v7 =	vand.u32 $0x79, v7;
	v4 =	vmul.f32 v4, v2  }
0x553: {  	v7 =	vbroadcast v7, $0x0  }
0x554: {  	v4 =	vadd.f32 v4, v3  }
0x555: {  	v7 =	vor.u32 v1, v7  }
0x556: {  	v4 =	vmul.f32 v4, v5;
	_ =	sdelay $0x1  }
0x557: {  	v4 =	vadd.f32 v4, v6;
	_ =	sdelay $0x1  }
0x558: {  	[tilespmem:v7+s23+$0x0] =	vst.idx.msk $0xffff, v4  }
0x559: {  	v4 =	vld [tilespmem:s31+$0x100]  }
0x55a: {  	v5 =	vld [tilespmem:s0+$0x100]  }
0x55b: {  	v6 =	vld [tilespmem:s7+$0x100]  }
0x55c: {  	s17 =	sadd.s32 $0xA, s16  }
0x55d: {  	v7 =	vmov s17  }
0x55e: {  	v7 =	vand.u32 $0x7A, v7;
	v4 =	vmul.f32 v4, v2  }
0x55f: {  	v7 =	vbroadcast v7, $0x0  }
0x560: {  	v4 =	vadd.f32 v4, v3  }
0x561: {  	v7 =	vor.u32 v1, v7  }
0x562: {  	v4 =	vmul.f32 v4, v5;
	_ =	sdelay $0x1  }
0x563: {  	v4 =	vadd.f32 v4, v6;
	_ =	sdelay $0x1  }
0x564: {  	[tilespmem:v7+s23+$0x0] =	vst.idx.msk $0xffff, v4  }
0x565: {  	v4 =	vld [tilespmem:s31+$0x180]  }
0x566: {  	v5 =	vld [tilespmem:s0+$0x180]  }
0x567: {  	v6 =	vld [tilespmem:s7+$0x180]  }
0x568: {  	s17 =	sadd.s32 $0xB, s16  }
0x569: {  	v7 =	vmov s17  }
0x56a: {  	v7 =	vand.u32 $0x7B, v7;
	v4 =	vmul.f32 v4, v2  }
0x56b: {  	v7 =	vbroadcast v7, $0x0  }
0x56c: {  	v4 =	vadd.f32 v4, v3  }
0x56d: {  	v7 =	vor.u32 v1, v7  }
0x56e: {  	v4 =	vmul.f32 v4, v5;
	_ =	sdelay $0x1  }
0x56f: {  	v4 =	vadd.f32 v4, v6;
	_ =	sdelay $0x1  }
0x570: {  	[tilespmem:v7+s23+$0x0] =	vst.idx.msk $0xffff, v4  }
0x571: {  	v4 =	vld [tilespmem:s31+$0x200]  }
0x572: {  	v5 =	vld [tilespmem:s0+$0x200]  }
0x573: {  	v6 =	vld [tilespmem:s7+$0x200]  }
0x574: {  	s17 =	sadd.s32 $0xC, s16  }
0x575: {  	v7 =	vmov s17  }
0x576: {  	v7 =	vand.u32 $0x7C, v7;
	v4 =	vmul.f32 v4, v2  }
0x577: {  	v7 =	vbroadcast v7, $0x0  }
0x578: {  	v4 =	vadd.f32 v4, v3  }
0x579: {  	v7 =	vor.u32 v1, v7  }
0x57a: {  	v4 =	vmul.f32 v4, v5;
	_ =	sdelay $0x1  }
0x57b: {  	v4 =	vadd.f32 v4, v6;
	_ =	sdelay $0x1  }
0x57c: {  	[tilespmem:v7+s23+$0x0] =	vst.idx.msk $0xffff, v4  }
0x57d: {  	v4 =	vld [tilespmem:s31+$0x280]  }
0x57e: {  	v5 =	vld [tilespmem:s0+$0x280]  }
0x57f: {  	v6 =	vld [tilespmem:s7+$0x280]  }
0x580: {  	s17 =	sadd.s32 $0xD, s16  }
0x581: {  	v7 =	vmov s17  }
0x582: {  	v7 =	vand.u32 $0x7D, v7;
	v4 =	vmul.f32 v4, v2  }
0x583: {  	v7 =	vbroadcast v7, $0x0  }
0x584: {  	v4 =	vadd.f32 v4, v3  }
0x585: {  	v7 =	vor.u32 v1, v7  }
0x586: {  	v4 =	vmul.f32 v4, v5;
	_ =	sdelay $0x1  }
0x587: {  	v4 =	vadd.f32 v4, v6;
	_ =	sdelay $0x1  }
0x588: {  	[tilespmem:v7+s23+$0x0] =	vst.idx.msk $0xffff, v4  }
0x589: {  	v4 =	vld [tilespmem:s31+$0x300]  }
0x58a: {  	v5 =	vld [tilespmem:s0+$0x300]  }
0x58b: {  	v6 =	vld [tilespmem:s7+$0x300]  }
0x58c: {  	s17 =	sadd.s32 $0xE, s16  }
0x58d: {  	v7 =	vmov s17  }
0x58e: {  	v7 =	vand.u32 $0x7E, v7;
	v4 =	vmul.f32 v4, v2  }
0x58f: {  	v7 =	vbroadcast v7, $0x0  }
0x590: {  	v4 =	vadd.f32 v4, v3  }
0x591: {  	v7 =	vor.u32 v1, v7  }
0x592: {  	v4 =	vmul.f32 v4, v5;
	_ =	sdelay $0x1  }
0x593: {  	v4 =	vadd.f32 v4, v6;
	_ =	sdelay $0x1  }
0x594: {  	[tilespmem:v7+s23+$0x0] =	vst.idx.msk $0xffff, v4  }
0x595: {  	v4 =	vld [tilespmem:s31+$0x380]  }
0x596: {  	v5 =	vld [tilespmem:s0+$0x380]  }
0x597: {  	v6 =	vld [tilespmem:s7+$0x380]  }
0x598: {  	s16 =	sadd.s32 $0xF, s16  }
0x599: {  	v7 =	vmov s16  }
0x59a: {  	v7 =	vand.u32 $0x7F, v7;
	v4 =	vmul.f32 v4, v2  }
0x59b: {  	v7 =	vbroadcast v7, $0x0  }
.Ltmp5:
0x59c: {  	v8 =	vadd.f32 v4, v3;
	(pc) =	sbr.rel @p0 .LBB2_14-.Ltmp5, $3  }
0x59d: {  	v4 =	vor.u32 v1, v7  }
0x59e: {  	v5 =	vmul.f32 v8, v5;
	_ =	sdelay $0x1  }
0x59f: {  	v5 =	vadd.f32 v5, v6  }
0x5a0: {  	s30 =	sadd.s32 $0x1, s30  }
0x5a1: {  	p0 =	sne.s32 s30, $0x8  }
.Ltmp6:
0x5a2: {  	_ = 	snop;
	(pc) =	sbr.rel @p0 .LBB2_11-.Ltmp6, $2  }
0x5a3: {  	_ =	sdelay $0x2  }
0x5a4: {  	s29 =	sadd.s32 $0x10, s29;
	[tilespmem:v4+s23+$0x0] =	vst.idx.msk $0xffff, v5  }
0x5a5: {  	s26 =	sadd.s32 $0x1, s26  }
0x5a6: {  	s0 =	sshll.u32 s28, $0x4;
	p0 =	sne.s32 s26, $0x20  }
.Ltmp7:
0x5a7: {  	s0 =	sadd.s32 s2, s0;
	(pc) =	sbr.rel @p0 .LBB2_10-.Ltmp7, $4  }
0x5a8: {  	[hbm4b:s0+s3] =	stream.linear.scatter [tilespmem:s23], [sflag:$0x2], $0x4000, $0x38;
	[tilespmem:$0x1C100] =	vst v63  }
0x5a9: {  	_ =	swait.ge [sflag:s15], $0x4000  }
0x5aa: {  	[sflag:s15] =	ssyncset.done $0x0  }
0x5ab: {  	[sflag:s15] =	ssyncadd.s32 $0xFFFFC000  }
0x5ac: {  	s24 =	sadd.s32 $0x1, s24  }
0x5ad: {  	p0 =	sne.s32 s24, s13  }
.Ltmp8:
0x5ae: {  	_ = 	snop;
	(pc) =	sbr.rel @p0 .LBB2_1-.Ltmp8, $1  }
0x5af: {  	_ =	sdelay $0x3  }
0x5b0: {  	_ =	sfence.sel $0x180000  }
0x5b1: {  	[bflag:$0x0] =	sbarrier.arrive $0xFFFF  }
0x5b2: {  	_ =	strace $0x90000047  }
0x5b3: {  	s0 =	stileid.u32;
	[bflag:$0x2] =	sbarrier.arrive $0xFFFF  }
0x5b4: {  	p0 =	sne.s32 s0, $0x0;
	s0 =	rddreg [dreg:$0x3]  }
0x5b5: {  	s0 =	sadd.s32 @!p0 $0x100000, s0  }
0x5b6: {  	[sflag:s0] =	ssyncadd.tile.s32 @!p0 $0x1;
	_ =	shalt  }
.Lfunc_end2:
_tile_overlayer_lowered:
.L_overlay_start_2:
0x5b7: {  	(tag) =	ssettag $0x2  }
0x5b8: {  	s0 =	rddreg [dreg:$0x0];
	s2 =	stileid.u32  }
0x5b9: {  	s1 =	rddreg [dreg:$0x1];
	p0 =	sne.s32 s2, $0x0  }
0x5ba: {  	s3 =	rddreg [dreg:$0x2];
	[bflag:$0x3] =	sbarrier.arrive $0xFFFF;
	s2 =	simm.s32 @!p0 $0x1C02  }
0x5bb: {  	[timem:s3], [sflag:s2] =	dma.local @!p0 [hbm:s0], s1  }
0x5bc: {  	s0 =	simm.s32 @!p0 $0x2  }
0x5bd: {  	_ =	swait.ge @!p0 [sflag:s0], s1  }
0x5be: {  	s1 =	ssub.s32 @!p0 $0x0, s1;
	[sflag:s0] =	ssyncset.done @!p0 $0x0  }
0x5bf: {  	[sflag:s0] =	ssyncadd.s32 @!p0 s1  }
0x5c0: {  	[bflag:$0x3] =	sbarrier.arrive $0xFFFF  }
0x5c1: {  	_ =	shalt  }

</sc_bundles>
